<compile_context>
chip_gen: v7x
topology: tpu7x:2x2x1
jax: 0.10.2.dev20260603
libtpu: 0.0.44.dev20260713+nightly
codegen_flags: <defaults>
</compile_context>

<pallas_src>
import functools

import jax
import jax.numpy as jnp
from jax import lax
from jax.experimental import pallas as pl
from jax.experimental.pallas import tpu as pltpu
from jax.experimental.pallas import tpu_sc as plsc

N = 10000
E = 320000
DIN = 128
DH = 64
DOUT = 32
G = 64

NC = 2
NS = 16
L = 16
NW = NC * NS

CHUNK = 128
NCHUNKS = E // CHUNK
KMAX = 80
KLAST = NCHUNKS - (NW - 1) * KMAX
NPAD = 10240
RPT = NPAD // NS

RB0 = 2000
NB0 = N // RB0
RB = 2048
NB = NPAD // RB
RBS = RB // 128
NSLOT = 10

def _fill_rows_b(ref, nrows, vec):
  ncols = ref.shape[1] // (2 * L)

  def body(i, _):
    for j in range(ncols):
      ref[i, pl.ds(j * 2 * L, 2 * L)] = vec
    return 0

  lax.fori_loop(0, nrows, body, 0)


def _load_edge_chunks(e3_hbm, which, wid, dst_v):

  @pl.when(wid < NW - 1)
  def _():
    pltpu.sync_copy(e3_hbm.at[which, pl.ds(wid * KMAX, KMAX)], dst_v)

  @pl.when(wid == NW - 1)
  def _():
    pltpu.sync_copy(e3_hbm.at[which, pl.ds((NW - 1) * KMAX, KLAST)],
                    dst_v.at[pl.ds(0, KLAST)])


def _deg_body(e3_hbm, deg_hbm, col_v, ones_v, zero_v, deg_sh,
              m0, m1, m2, m3):
  cid = lax.axis_index("c")
  sid = lax.axis_index("s")
  wid = cid * NS + sid
  nk = jnp.where(wid == NW - 1, KLAST, KMAX)
  sems = (m0, m1, m2, m3)

  one16 = jnp.full((L,), 1.0, jnp.float32)
  z16 = jnp.zeros((L,), jnp.float32)
  for j in range(CHUNK // L):
    ones_v[pl.ds(j * L, L)] = one16
  for j in range(RPT // L):
    zero_v[pl.ds(j * L, L)] = z16

  pltpu.sync_copy(zero_v, deg_sh.at[pl.ds(sid * RPT, RPT)])
  plsc.subcore_barrier()

  _load_edge_chunks(e3_hbm, 1, wid, col_v)

  def quad(t, _):
    for j in range(4):
      k = 4 * t + j

      @pl.when(k >= 4)
      def _():
        pltpu.make_async_copy(ones_v, deg_sh.at[col_v.at[0]], sems[j]).wait()

      pltpu.async_copy(ones_v, deg_sh.at[col_v.at[k]], sems[j], add=True)
    return 0

  lax.fori_loop(0, nk // 4, quad, 0)
  for j in range(4):
    pltpu.make_async_copy(ones_v, deg_sh.at[col_v.at[0]], sems[j]).wait()
  plsc.subcore_barrier()

  pltpu.sync_copy(deg_sh.at[pl.ds(sid * RPT, RPT)],
                  deg_hbm.at[cid, pl.ds(sid * RPT, RPT)])


def _msg_body(g_hbm, e3_hbm, s_hbm, row_v, col_v, *rest):
  bufs = rest[:NSLOT]
  zero_v = rest[NSLOT]
  s_sh = rest[NSLOT + 1]
  gsem = rest[NSLOT + 2:2 * NSLOT + 2]
  ssem = rest[2 * NSLOT + 2:]
  cid = lax.axis_index("c")
  sid = lax.axis_index("s")
  wid = cid * NS + sid
  nk = jnp.where(wid == NW - 1, KLAST, KMAX)

  z32 = jnp.zeros((2 * L,), jnp.bfloat16)
  _fill_rows_b(zero_v, CHUNK, z32)
  for j in range(RPT // CHUNK):
    pltpu.sync_copy(zero_v, s_sh.at[pl.ds(sid * RPT + j * CHUNK, CHUNK)])
  plsc.subcore_barrier()

  _load_edge_chunks(e3_hbm, 0, wid, row_v)
  _load_edge_chunks(e3_hbm, 1, wid, col_v)

  for j in range(NSLOT - 1):
    pltpu.async_copy(g_hbm.at[row_v.at[j]], bufs[j], gsem[j])

  def rot(t, _):
    for j in range(NSLOT):
      k = NSLOT * t + j
      pltpu.make_async_copy(g_hbm.at[row_v.at[k]], bufs[j], gsem[j]).wait()
      pltpu.async_copy(bufs[j], s_sh.at[col_v.at[k]], ssem[j], add=True)
      nj = (j + NSLOT - 1) % NSLOT

      @pl.when((k + NSLOT - 1 < nk) & (k > 0))
      def _():
        pltpu.make_async_copy(bufs[nj], s_sh.at[col_v.at[0]], ssem[nj]).wait()
        pltpu.async_copy(g_hbm.at[row_v.at[k + NSLOT - 1]], bufs[nj], gsem[nj])

      if j == 0:
        @pl.when(k == 0)
        def _():
          pltpu.async_copy(g_hbm.at[row_v.at[NSLOT - 1]], bufs[NSLOT - 1],
                           gsem[NSLOT - 1])
    return 0

  lax.fori_loop(0, nk // NSLOT, rot, 0)
  for j in range(NSLOT):
    pltpu.make_async_copy(bufs[j], s_sh.at[col_v.at[0]], ssem[j]).wait()
  plsc.subcore_barrier()

  pltpu.sync_copy(s_sh.at[pl.ds(sid * RPT, RPT)],
                  s_hbm.at[pl.ds(sid * RPT, RPT), pl.ds(cid * DH, DH)])


def _tca0_body(x_ref, w_ref, h_ref):
  h_ref[...] = jnp.dot(x_ref[...], w_ref[...],
                       preferred_element_type=jnp.float32)


def _dinv_col(deg_ref):
  d = deg_ref[0] + deg_ref[1]
  rep = jnp.broadcast_to(d[:, None, :], (RBS, 128, 128)).reshape(RB, 128)
  lane = lax.broadcasted_iota(jnp.int32, (RB, 128), 1)
  row = lax.broadcasted_iota(jnp.int32, (RB, 128), 0)
  sel = jnp.where(lane == row % 128, rep, 0.0)
  return lax.rsqrt(jnp.sum(sel, axis=1, keepdims=True) + 1.0)


def _tca1_body(h_ref, deg_ref, g_ref):
  g_ref[...] = (h_ref[...] * _dinv_col(deg_ref)).astype(jnp.bfloat16)


def _tcb_body(s_ref, g_ref, deg_ref, batch_ref, bconv_ref, wlin_ref,
              blin_ref, out_ref, sums, cnts):
  i = pl.program_id(0)

  @pl.when(i == 0)
  def _():
    sums[...] = jnp.zeros_like(sums)
    cnts[...] = jnp.zeros_like(cnts)

  s = (s_ref[:, 0:DH].astype(jnp.float32)
       + s_ref[:, DH:2 * DH].astype(jnp.float32))
  o = _dinv_col(deg_ref) * (s + g_ref[...].astype(jnp.float32)) \
      + bconv_ref[...]
  o = jnp.where(o >= 0, o, 0.01 * o)
  row_ok = (lax.broadcasted_iota(jnp.int32, (RB, 1), 0) + i * RB) < N
  o = jnp.where(row_ok, o, 0.0)

  b = batch_ref[0]
  gid = lax.broadcasted_iota(jnp.int32, (G, RB), 0)
  pt = jnp.where(gid == b, 1.0, 0.0).astype(jnp.float32)
  sums[...] += jnp.dot(pt, o, preferred_element_type=jnp.float32)
  cnts[...] += jnp.sum(pt, axis=1, keepdims=True)

  @pl.when(i == NB - 1)
  def _():
    pooled = sums[...] / jnp.maximum(cnts[...], 1.0)
    emb = jnp.dot(pooled, wlin_ref[...], preferred_element_type=jnp.float32)
    out_ref[...] = jnp.tanh(emb + blin_ref[...])


_tca0_call = pl.pallas_call(
    _tca0_body,
    grid=(NB0,),
    in_specs=[
        pl.BlockSpec((RB0, DIN), lambda i: (i, 0)),
        pl.BlockSpec((DIN, DH), lambda i: (0, 0)),
    ],
    out_specs=pl.BlockSpec((RB0, DH), lambda i: (i, 0)),
    out_shape=jax.ShapeDtypeStruct((NPAD, DH), jnp.float32),
)

_tca1_call = pl.pallas_call(
    _tca1_body,
    grid=(NB,),
    in_specs=[
        pl.BlockSpec((RB, DH), lambda i: (i, 0)),
        pl.BlockSpec((NC, RBS, 128), lambda i: (0, i, 0)),
    ],
    out_specs=pl.BlockSpec((RB, DH), lambda i: (i, 0)),
    out_shape=jax.ShapeDtypeStruct((NPAD, DH), jnp.bfloat16),
)

_tcb_call = pl.pallas_call(
    _tcb_body,
    grid=(NB,),
    in_specs=[
        pl.BlockSpec((RB, NC * DH), lambda i: (i, 0)),
        pl.BlockSpec((RB, DH), lambda i: (i, 0)),
        pl.BlockSpec((NC, RBS, 128), lambda i: (0, i, 0)),
        pl.BlockSpec((1, 1, RB), lambda i: (i, 0, 0)),
        pl.BlockSpec((1, DH), lambda i: (0, 0)),
        pl.BlockSpec((DH, DOUT), lambda i: (0, 0)),
        pl.BlockSpec((1, DOUT), lambda i: (0, 0)),
    ],
    out_specs=pl.BlockSpec((G, DOUT), lambda i: (0, 0)),
    out_shape=jax.ShapeDtypeStruct((G, DOUT), jnp.float32),
    scratch_shapes=[
        pltpu.VMEM((G, G), jnp.float32),
        pltpu.VMEM((G, 1), jnp.float32),
    ],
)


@functools.lru_cache(maxsize=1)
def _sc_kernels():
  mesh = plsc.VectorSubcoreMesh(
      core_axis_name="c", subcore_axis_name="s", num_cores=NC, num_subcores=NS)
  params = pltpu.CompilerParams(use_tc_tiling_on_sc=False)
  deg_kernel = pl.kernel(
      _deg_body,
      out_type=jax.ShapeDtypeStruct((NC, NPAD), jnp.float32),
      mesh=mesh,
      compiler_params=params,
      scratch_types=[
          pltpu.VMEM((KMAX, CHUNK), jnp.int32),
          pltpu.VMEM((CHUNK,), jnp.float32),
          pltpu.VMEM((RPT,), jnp.float32),
          pltpu.VMEM_SHARED((NPAD,), jnp.float32),
      ] + [pltpu.SemaphoreType.DMA] * 4,
  )
  msg_kernel = pl.kernel(
      _msg_body,
      out_type=jax.ShapeDtypeStruct((NPAD, NC * DH), jnp.bfloat16),
      mesh=mesh,
      compiler_params=params,
      scratch_types=(
          [pltpu.VMEM((KMAX, CHUNK), jnp.int32)] * 2
          + [pltpu.VMEM((CHUNK, DH), jnp.bfloat16)] * (NSLOT + 1)
          + [pltpu.VMEM_SHARED((NPAD, DH), jnp.bfloat16)]
          + [pltpu.SemaphoreType.DMA] * (2 * NSLOT)
      ),
  )
  return deg_kernel, msg_kernel


def kernel(x, edge_index, batch, W_conv, b_conv, W_lin, b_lin):
  deg_kernel, msg_kernel = _sc_kernels()
  e3 = edge_index.reshape(2, NCHUNKS, CHUNK)

  h = _tca0_call(x, W_conv)
  deg = deg_kernel(e3).reshape(NC, NPAD // 128, 128)
  g = _tca1_call(h, deg)
  s = msg_kernel(g, e3)
  batch_p = jnp.full((NPAD,), G, jnp.int32).at[:N].set(batch)
  emb = _tcb_call(s, g, deg, batch_p.reshape(NB, 1, RB),
                  b_conv.reshape(1, DH), W_lin, b_lin.reshape(1, DOUT))
  return emb

# --- scband reference (transcript-rebuilt; emitter-appended) ---
"""Pipeline reference for scband-graph-encoder-7275674600336 (READ-ONLY COPY).

The authoritative reference and input builder live on the scoring server;
editing this copy changes nothing except your own understanding.
"""

import jax, jax.numpy as jnp
import numpy as np

N_NODES = 10000
N_EDGES = 320000
D_IN = 128
D_HID = 64
D_OUT = 32
N_GRAPHS = 64

def setup_inputs(seed: int = 0) -> dict:
    key = jax.random.key(seed)
    ks = jax.random.split(key, 8)
    x = jax.random.normal(ks[0], (N_NODES, D_IN), dtype=jnp.float32)
    edge_index = jax.random.randint(ks[1], (2, N_EDGES), 0, N_NODES, dtype=jnp.int32)
    batch = jnp.sort(jax.random.randint(ks[2], (N_NODES,), 0, N_GRAPHS, dtype=jnp.int32))
    W_conv = jax.random.normal(ks[3], (D_IN, D_HID), dtype=jnp.float32) * (1.0 / np.sqrt(D_IN))
    b_conv = jnp.zeros((D_HID,), dtype=jnp.float32)
    W_lin = jax.random.normal(ks[4], (D_HID, D_OUT), dtype=jnp.float32) * (1.0 / np.sqrt(D_HID))
    b_lin = jnp.zeros((D_OUT,), dtype=jnp.float32)
    return {"x": x, "edge_index": edge_index, "batch": batch, "W_conv": W_conv, "b_conv": b_conv, "W_lin": W_lin, "b_lin": b_lin}

def reference(x, edge_index, batch, W_conv, b_conv, W_lin, b_lin):
    N = x.shape[0]
    # GCNConv (PyG default: add self-loops, symmetric normalization)
    loop = jnp.arange(N, dtype=edge_index.dtype)
    row = jnp.concatenate([edge_index[0], loop])
    col = jnp.concatenate([edge_index[1], loop])
    h = x @ W_conv
    deg = jnp.zeros((N,), dtype=jnp.float32).at[col].add(1.0)
    dinv = jnp.where(deg > 0, deg ** -0.5, 0.0)
    norm = dinv[row] * dinv[col]
    msg = h[row] * norm[:, None]
    out = jax.ops.segment_sum(msg, col, num_segments=N) + b_conv
    # LeakyReLU (default negative_slope=0.01)
    out = jnp.where(out >= 0, out, 0.01 * out)
    # global_mean_pool over batch assignment
    sums = jax.ops.segment_sum(out, batch, num_segments=N_GRAPHS)
    counts = jax.ops.segment_sum(jnp.ones((N,), dtype=jnp.float32), batch, num_segments=N_GRAPHS)
    pooled = sums / jnp.clip(counts, 1.0)[:, None]
    # Linear(64, 32) + tanh
    emb = jnp.tanh(pooled @ W_lin + b_lin)
    return emb

if __name__ == "__main__":
    import jax
    _d = setup_inputs()
    print(jax.jit(kernel)(*tuple(_d.values())))

</pallas_src>

<mosaic_0001>
#map = affine_map<(d0, d1) -> (0, 0)>
#map1 = affine_map<(d0, d1) -> (0, 0, 0)>
module attributes {stable_mosaic.version = 14 : i64} {
  func.func @_msg_body(%arg0: i32, %arg1: i32, %arg2: memref<10240x64xbf16, #tpu.memory_space<hbm>>, %arg3: memref<2x2500x128xi32, #tpu.memory_space<hbm>>, %arg4: memref<10240x128xbf16, #tpu.memory_space<hbm>>, %arg5: memref<80x128xi32, #tpu.memory_space<vmem>>, %arg6: memref<80x128xi32, #tpu.memory_space<vmem>>, %arg7: memref<128x64xbf16, #tpu.memory_space<vmem>>, %arg8: memref<128x64xbf16, #tpu.memory_space<vmem>>, %arg9: memref<128x64xbf16, #tpu.memory_space<vmem>>, %arg10: memref<128x64xbf16, #tpu.memory_space<vmem>>, %arg11: memref<128x64xbf16, #tpu.memory_space<vmem>>, %arg12: memref<128x64xbf16, #tpu.memory_space<vmem>>, %arg13: memref<128x64xbf16, #tpu.memory_space<vmem>>, %arg14: memref<128x64xbf16, #tpu.memory_space<vmem>>, %arg15: memref<128x64xbf16, #tpu.memory_space<vmem>>, %arg16: memref<128x64xbf16, #tpu.memory_space<vmem>>, %arg17: memref<128x64xbf16, #tpu.memory_space<vmem>>, %arg18: memref<10240x64xbf16, #tpu.memory_space<vmem_shared>>, %arg19: memref<!tpu.dma_semaphore, #tpu.memory_space<semaphore_mem>>, %arg20: memref<!tpu.dma_semaphore, #tpu.memory_space<semaphore_mem>>, %arg21: memref<!tpu.dma_semaphore, #tpu.memory_space<semaphore_mem>>, %arg22: memref<!tpu.dma_semaphore, #tpu.memory_space<semaphore_mem>>, %arg23: memref<!tpu.dma_semaphore, #tpu.memory_space<semaphore_mem>>, %arg24: memref<!tpu.dma_semaphore, #tpu.memory_space<semaphore_mem>>, %arg25: memref<!tpu.dma_semaphore, #tpu.memory_space<semaphore_mem>>, %arg26: memref<!tpu.dma_semaphore, #tpu.memory_space<semaphore_mem>>, %arg27: memref<!tpu.dma_semaphore, #tpu.memory_space<semaphore_mem>>, %arg28: memref<!tpu.dma_semaphore, #tpu.memory_space<semaphore_mem>>, %arg29: memref<!tpu.dma_semaphore, #tpu.memory_space<semaphore_mem>>, %arg30: memref<!tpu.dma_semaphore, #tpu.memory_space<semaphore_mem>>, %arg31: memref<!tpu.dma_semaphore, #tpu.memory_space<semaphore_mem>>, %arg32: memref<!tpu.dma_semaphore, #tpu.memory_space<semaphore_mem>>, %arg33: memref<!tpu.dma_semaphore, #tpu.memory_space<semaphore_mem>>, %arg34: memref<!tpu.dma_semaphore, #tpu.memory_space<semaphore_mem>>, %arg35: memref<!tpu.dma_semaphore, #tpu.memory_space<semaphore_mem>>, %arg36: memref<!tpu.dma_semaphore, #tpu.memory_space<semaphore_mem>>, %arg37: memref<!tpu.dma_semaphore, #tpu.memory_space<semaphore_mem>>, %arg38: memref<!tpu.dma_semaphore, #tpu.memory_space<semaphore_mem>>) attributes {dimension_semantics = [#tpu.dimension_semantics<core_parallel>, #tpu.dimension_semantics<subcore_parallel>], iteration_bounds = array<i64: 2, 16>, scalar_prefetch = 0 : i64, scratch_operands = 34 : i64, tpu.core_type = #tpu.core_type<sc_vector_subcore>, window_params = [{transform_indices = #map}, {transform_indices = #map1}, {transform_indices = #map}]} {
    %mul3A = arith.constant 16 : i32
    %mul3A_0 = arith.muli %arg0, %mul3A : i32
    %add3A = arith.addi %mul3A_0, %arg1 : i32
    %eq3A = arith.constant 31 : i32
    %eq3A_1 = arith.cmpi eq, %add3A, %eq3A : i32
    %jit3A = arith.constant 20 : i32
    %jit3A_2 = arith.constant 80 : i32
    %select_n3A = arith.select %eq3A_1, %jit3A, %jit3A_2 : i32
    %broadcast_in_dim3A = arith.constant 0.000000e+00 : bf16
    %broadcast_in_dim3A_3 = vector.broadcast %broadcast_in_dim3A : bf16 to vector<32xbf16>
    %scan3A = arith.constant 0 : i32
    %scan3A_4 = arith.constant 0 : i32
    %scan3A_5 = arith.constant 128 : i32
    %scan3A_6 = arith.addi %scan3A_4, %scan3A_5 : i32
    %scan3A_7 = arith.constant 1 : i32
    %scan3A_8 = scf.for %scan3A_214 = %scan3A_4 to %scan3A_6 step %scan3A_7 iter_args(%scan3A_215 = %scan3A) -> (i32)  : i32 {
      %swap3A = arith.index_cast %scan3A_214 : i32 to index
      %swap3A_216 = arith.constant 0 : index
      %swap3A_217 = tpu.vector_load %arg17[%swap3A, %swap3A_216] {strides = array<i32>} : memref<128x64xbf16, #tpu.memory_space<vmem>>, vector<1x32xbf16>,
      %swap3A_218 = vector.shape_cast %swap3A_217 : vector<1x32xbf16> to vector<32xbf16>
      %swap3A_219 = vector.shape_cast %broadcast_in_dim3A_3 : vector<32xbf16> to vector<1x32xbf16>
      tpu.vector_store %arg17[%swap3A, %swap3A_216], %swap3A_219 {strides = array<i32>} : memref<128x64xbf16, #tpu.memory_space<vmem>>, vector<1x32xbf16>,
      %swap3A_220 = arith.index_cast %scan3A_214 : i32 to index
      %swap3A_221 = arith.constant 32 : index
      %swap3A_222 = tpu.vector_load %arg17[%swap3A_220, %swap3A_221] {strides = array<i32>} : memref<128x64xbf16, #tpu.memory_space<vmem>>, vector<1x32xbf16>,
      %swap3A_223 = vector.shape_cast %swap3A_222 : vector<1x32xbf16> to vector<32xbf16>
      %swap3A_224 = vector.shape_cast %broadcast_in_dim3A_3 : vector<32xbf16> to vector<1x32xbf16>
      tpu.vector_store %arg17[%swap3A_220, %swap3A_221], %swap3A_224 {strides = array<i32>} : memref<128x64xbf16, #tpu.memory_space<vmem>>, vector<1x32xbf16>,
      %scan3A_225 = arith.constant 0 : i32
      scf.yield %scan3A_225 : i32
    }
    %scan3A_9 = arith.constant 128 : i32
    %mul3A_10 = arith.constant 640 : i32
    %mul3A_11 = arith.muli %arg1, %mul3A_10 : i32
    %add3A_12 = arith.constant 0 : i32
    %add3A_13 = arith.addi %mul3A_11, %add3A_12 : i32
    "tpu.region"() ({
      %run_scoped3A = tpu.sem_alloc : memref<!tpu.dma_semaphore, #tpu.memory_space<semaphore_mem>>
      %dma_start3A_214 = arith.constant 0 : i32
      %dma_start3A_215 = tpu.memref_slice %arg18[%add3A_13, %dma_start3A_214] : memref<10240x64xbf16, #tpu.memory_space<vmem_shared>> -> memref<128x64xbf16, #tpu.memory_space<vmem_shared>>
      %dma_start3A_216 = arith.constant 0 : i32
      %dma_start3A_217 = tpu.memref_slice %arg18[%add3A_13, %dma_start3A_216] : memref<10240x64xbf16, #tpu.memory_space<vmem_shared>> -> memref<128x64xbf16, #tpu.memory_space<vmem_shared>>
      tpu.enqueue_dma source(%arg17 : memref<128x64xbf16, #tpu.memory_space<vmem>>) target(%dma_start3A_217 : memref<128x64xbf16, #tpu.memory_space<vmem_shared>>) target_semaphore(%run_scoped3A : memref<!tpu.dma_semaphore, #tpu.memory_space<semaphore_mem>>)
      %dma_wait3A_218 = arith.constant 0 : i32
      %dma_wait3A_219 = tpu.memref_slice %arg18[%add3A_13, %dma_wait3A_218] : memref<10240x64xbf16, #tpu.memory_space<vmem_shared>> -> memref<128x64xbf16, #tpu.memory_space<vmem_shared>>
      %dma_wait3A_220 = arith.constant 0 : i32
      %dma_wait3A_221 = tpu.memref_slice %arg18[%add3A_13, %dma_wait3A_220] : memref<10240x64xbf16, #tpu.memory_space<vmem_shared>> -> memref<128x64xbf16, #tpu.memory_space<vmem_shared>>
      tpu.wait_dma2 semaphore(%run_scoped3A : memref<!tpu.dma_semaphore, #tpu.memory_space<semaphore_mem>>) src(%arg17 : memref<128x64xbf16, #tpu.memory_space<vmem>>) dst(%dma_wait3A_221 : memref<128x64xbf16, #tpu.memory_space<vmem_shared>>)
      tpu.yield
    }) : () -> ()
    %mul3A_14 = arith.constant 640 : i32
    %mul3A_15 = arith.muli %arg1, %mul3A_14 : i32
    %add3A_16 = arith.constant 128 : i32
    %add3A_17 = arith.addi %mul3A_15, %add3A_16 : i32
    "tpu.region"() ({
      %run_scoped3A = tpu.sem_alloc : memref<!tpu.dma_semaphore, #tpu.memory_space<semaphore_mem>>
      %dma_start3A_214 = arith.constant 0 : i32
      %dma_start3A_215 = tpu.memref_slice %arg18[%add3A_17, %dma_start3A_214] : memref<10240x64xbf16, #tpu.memory_space<vmem_shared>> -> memref<128x64xbf16, #tpu.memory_space<vmem_shared>>
      %dma_start3A_216 = arith.constant 0 : i32
      %dma_start3A_217 = tpu.memref_slice %arg18[%add3A_17, %dma_start3A_216] : memref<10240x64xbf16, #tpu.memory_space<vmem_shared>> -> memref<128x64xbf16, #tpu.memory_space<vmem_shared>>
      tpu.enqueue_dma source(%arg17 : memref<128x64xbf16, #tpu.memory_space<vmem>>) target(%dma_start3A_217 : memref<128x64xbf16, #tpu.memory_space<vmem_shared>>) target_semaphore(%run_scoped3A : memref<!tpu.dma_semaphore, #tpu.memory_space<semaphore_mem>>)
      %dma_wait3A_218 = arith.constant 0 : i32
      %dma_wait3A_219 = tpu.memref_slice %arg18[%add3A_17, %dma_wait3A_218] : memref<10240x64xbf16, #tpu.memory_space<vmem_shared>> -> memref<128x64xbf16, #tpu.memory_space<vmem_shared>>
      %dma_wait3A_220 = arith.constant 0 : i32
      %dma_wait3A_221 = tpu.memref_slice %arg18[%add3A_17, %dma_wait3A_220] : memref<10240x64xbf16, #tpu.memory_space<vmem_shared>> -> memref<128x64xbf16, #tpu.memory_space<vmem_shared>>
      tpu.wait_dma2 semaphore(%run_scoped3A : memref<!tpu.dma_semaphore, #tpu.memory_space<semaphore_mem>>) src(%arg17 : memref<128x64xbf16, #tpu.memory_space<vmem>>) dst(%dma_wait3A_221 : memref<128x64xbf16, #tpu.memory_space<vmem_shared>>)
      tpu.yield
    }) : () -> ()
    %mul3A_18 = arith.constant 640 : i32
    %mul3A_19 = arith.muli %arg1, %mul3A_18 : i32
    %add3A_20 = arith.constant 256 : i32
    %add3A_21 = arith.addi %mul3A_19, %add3A_20 : i32
    "tpu.region"() ({
      %run_scoped3A = tpu.sem_alloc : memref<!tpu.dma_semaphore, #tpu.memory_space<semaphore_mem>>
      %dma_start3A_214 = arith.constant 0 : i32
      %dma_start3A_215 = tpu.memref_slice %arg18[%add3A_21, %dma_start3A_214] : memref<10240x64xbf16, #tpu.memory_space<vmem_shared>> -> memref<128x64xbf16, #tpu.memory_space<vmem_shared>>
      %dma_start3A_216 = arith.constant 0 : i32
      %dma_start3A_217 = tpu.memref_slice %arg18[%add3A_21, %dma_start3A_216] : memref<10240x64xbf16, #tpu.memory_space<vmem_shared>> -> memref<128x64xbf16, #tpu.memory_space<vmem_shared>>
      tpu.enqueue_dma source(%arg17 : memref<128x64xbf16, #tpu.memory_space<vmem>>) target(%dma_start3A_217 : memref<128x64xbf16, #tpu.memory_space<vmem_shared>>) target_semaphore(%run_scoped3A : memref<!tpu.dma_semaphore, #tpu.memory_space<semaphore_mem>>)
      %dma_wait3A_218 = arith.constant 0 : i32
      %dma_wait3A_219 = tpu.memref_slice %arg18[%add3A_21, %dma_wait3A_218] : memref<10240x64xbf16, #tpu.memory_space<vmem_shared>> -> memref<128x64xbf16, #tpu.memory_space<vmem_shared>>
      %dma_wait3A_220 = arith.constant 0 : i32
      %dma_wait3A_221 = tpu.memref_slice %arg18[%add3A_21, %dma_wait3A_220] : memref<10240x64xbf16, #tpu.memory_space<vmem_shared>> -> memref<128x64xbf16, #tpu.memory_space<vmem_shared>>
      tpu.wait_dma2 semaphore(%run_scoped3A : memref<!tpu.dma_semaphore, #tpu.memory_space<semaphore_mem>>) src(%arg17 : memref<128x64xbf16, #tpu.memory_space<vmem>>) dst(%dma_wait3A_221 : memref<128x64xbf16, #tpu.memory_space<vmem_shared>>)
      tpu.yield
    }) : () -> ()
    %mul3A_22 = arith.constant 640 : i32
    %mul3A_23 = arith.muli %arg1, %mul3A_22 : i32
    %add3A_24 = arith.constant 384 : i32
    %add3A_25 = arith.addi %mul3A_23, %add3A_24 : i32
    "tpu.region"() ({
      %run_scoped3A = tpu.sem_alloc : memref<!tpu.dma_semaphore, #tpu.memory_space<semaphore_mem>>
      %dma_start3A_214 = arith.constant 0 : i32
      %dma_start3A_215 = tpu.memref_slice %arg18[%add3A_25, %dma_start3A_214] : memref<10240x64xbf16, #tpu.memory_space<vmem_shared>> -> memref<128x64xbf16, #tpu.memory_space<vmem_shared>>
      %dma_start3A_216 = arith.constant 0 : i32
      %dma_start3A_217 = tpu.memref_slice %arg18[%add3A_25, %dma_start3A_216] : memref<10240x64xbf16, #tpu.memory_space<vmem_shared>> -> memref<128x64xbf16, #tpu.memory_space<vmem_shared>>
      tpu.enqueue_dma source(%arg17 : memref<128x64xbf16, #tpu.memory_space<vmem>>) target(%dma_start3A_217 : memref<128x64xbf16, #tpu.memory_space<vmem_shared>>) target_semaphore(%run_scoped3A : memref<!tpu.dma_semaphore, #tpu.memory_space<semaphore_mem>>)
      %dma_wait3A_218 = arith.constant 0 : i32
      %dma_wait3A_219 = tpu.memref_slice %arg18[%add3A_25, %dma_wait3A_218] : memref<10240x64xbf16, #tpu.memory_space<vmem_shared>> -> memref<128x64xbf16, #tpu.memory_space<vmem_shared>>
      %dma_wait3A_220 = arith.constant 0 : i32
      %dma_wait3A_221 = tpu.memref_slice %arg18[%add3A_25, %dma_wait3A_220] : memref<10240x64xbf16, #tpu.memory_space<vmem_shared>> -> memref<128x64xbf16, #tpu.memory_space<vmem_shared>>
      tpu.wait_dma2 semaphore(%run_scoped3A : memref<!tpu.dma_semaphore, #tpu.memory_space<semaphore_mem>>) src(%arg17 : memref<128x64xbf16, #tpu.memory_space<vmem>>) dst(%dma_wait3A_221 : memref<128x64xbf16, #tpu.memory_space<vmem_shared>>)
      tpu.yield
    }) : () -> ()
    %mul3A_26 = arith.constant 640 : i32
    %mul3A_27 = arith.muli %arg1, %mul3A_26 : i32
    %add3A_28 = arith.constant 512 : i32
    %add3A_29 = arith.addi %mul3A_27, %add3A_28 : i32
    "tpu.region"() ({
      %run_scoped3A = tpu.sem_alloc : memref<!tpu.dma_semaphore, #tpu.memory_space<semaphore_mem>>
      %dma_start3A_214 = arith.constant 0 : i32
      %dma_start3A_215 = tpu.memref_slice %arg18[%add3A_29, %dma_start3A_214] : memref<10240x64xbf16, #tpu.memory_space<vmem_shared>> -> memref<128x64xbf16, #tpu.memory_space<vmem_shared>>
      %dma_start3A_216 = arith.constant 0 : i32
      %dma_start3A_217 = tpu.memref_slice %arg18[%add3A_29, %dma_start3A_216] : memref<10240x64xbf16, #tpu.memory_space<vmem_shared>> -> memref<128x64xbf16, #tpu.memory_space<vmem_shared>>
      tpu.enqueue_dma source(%arg17 : memref<128x64xbf16, #tpu.memory_space<vmem>>) target(%dma_start3A_217 : memref<128x64xbf16, #tpu.memory_space<vmem_shared>>) target_semaphore(%run_scoped3A : memref<!tpu.dma_semaphore, #tpu.memory_space<semaphore_mem>>)
      %dma_wait3A_218 = arith.constant 0 : i32
      %dma_wait3A_219 = tpu.memref_slice %arg18[%add3A_29, %dma_wait3A_218] : memref<10240x64xbf16, #tpu.memory_space<vmem_shared>> -> memref<128x64xbf16, #tpu.memory_space<vmem_shared>>
      %dma_wait3A_220 = arith.constant 0 : i32
      %dma_wait3A_221 = tpu.memref_slice %arg18[%add3A_29, %dma_wait3A_220] : memref<10240x64xbf16, #tpu.memory_space<vmem_shared>> -> memref<128x64xbf16, #tpu.memory_space<vmem_shared>>
      tpu.wait_dma2 semaphore(%run_scoped3A : memref<!tpu.dma_semaphore, #tpu.memory_space<semaphore_mem>>) src(%arg17 : memref<128x64xbf16, #tpu.memory_space<vmem>>) dst(%dma_wait3A_221 : memref<128x64xbf16, #tpu.memory_space<vmem_shared>>)
      tpu.yield
    }) : () -> ()
    %barrier3A = arith.constant 0 : index
    tpu.barrier barrier_id(%barrier3A)
    %lt3A = arith.constant 31 : i32
    %lt3A_30 = arith.cmpi slt, %add3A, %lt3A : i32
    %convert_element_type3A = arith.extui %lt3A_30 : i1 to i32
    %cond3A = arith.constant 0 : i32
    %cond3A_31 = arith.cmpi ne, %convert_element_type3A, %cond3A : i32
    scf.if %cond3A_31 {
      %mul3A_214 = arith.constant 80 : i32
      %mul3A_215 = arith.muli %add3A, %mul3A_214 : i32
      %run_scoped3A = arith.constant 0 : i32
      "tpu.region"() ({
        %run_scoped3A_216 = tpu.sem_alloc : memref<!tpu.dma_semaphore, #tpu.memory_space<semaphore_mem>>
        %dma_start3A_217 = arith.constant 0 : i32
        %dma_start3A_218 = tpu.memref_slice %arg3[%run_scoped3A, %mul3A_215, %dma_start3A_217] : memref<2x2500x128xi32, #tpu.memory_space<hbm>> -> memref<1x80x128xi32, #tpu.memory_space<hbm>>
        %dma_start3A_219 = tpu.memref_squeeze %dma_start3A_218 : memref<1x80x128xi32, #tpu.memory_space<hbm>> -> memref<80x128xi32, #tpu.memory_space<hbm>>
        %dma_start3A_220 = arith.constant 0 : i32
        %dma_start3A_221 = tpu.memref_slice %arg3[%run_scoped3A, %mul3A_215, %dma_start3A_220] : memref<2x2500x128xi32, #tpu.memory_space<hbm>> -> memref<1x80x128xi32, #tpu.memory_space<hbm>>
        %dma_start3A_222 = tpu.memref_squeeze %dma_start3A_221 : memref<1x80x128xi32, #tpu.memory_space<hbm>> -> memref<80x128xi32, #tpu.memory_space<hbm>>
        tpu.enqueue_dma source(%dma_start3A_222 : memref<80x128xi32, #tpu.memory_space<hbm>>) target(%arg5 : memref<80x128xi32, #tpu.memory_space<vmem>>) target_semaphore(%run_scoped3A_216 : memref<!tpu.dma_semaphore, #tpu.memory_space<semaphore_mem>>)
        %dma_wait3A_223 = arith.constant 0 : i32
        %dma_wait3A_224 = tpu.memref_slice %arg3[%run_scoped3A, %mul3A_215, %dma_wait3A_223] : memref<2x2500x128xi32, #tpu.memory_space<hbm>> -> memref<1x80x128xi32, #tpu.memory_space<hbm>>
        %dma_wait3A_225 = tpu.memref_squeeze %dma_wait3A_224 : memref<1x80x128xi32, #tpu.memory_space<hbm>> -> memref<80x128xi32, #tpu.memory_space<hbm>>
        %dma_wait3A_226 = arith.constant 0 : i32
        %dma_wait3A_227 = tpu.memref_slice %arg3[%run_scoped3A, %mul3A_215, %dma_wait3A_226] : memref<2x2500x128xi32, #tpu.memory_space<hbm>> -> memref<1x80x128xi32, #tpu.memory_space<hbm>>
        %dma_wait3A_228 = tpu.memref_squeeze %dma_wait3A_227 : memref<1x80x128xi32, #tpu.memory_space<hbm>> -> memref<80x128xi32, #tpu.memory_space<hbm>>
        tpu.wait_dma2 semaphore(%run_scoped3A_216 : memref<!tpu.dma_semaphore, #tpu.memory_space<semaphore_mem>>) src(%dma_wait3A_228 : memref<80x128xi32, #tpu.memory_space<hbm>>) dst(%arg5 : memref<80x128xi32, #tpu.memory_space<vmem>>)
        tpu.yield
      }) : () -> ()
    } else {
    }
    %eq3A_32 = arith.constant 31 : i32
    %eq3A_33 = arith.cmpi eq, %add3A, %eq3A_32 : i32
    %convert_element_type3A_34 = arith.extui %eq3A_33 : i1 to i32
    %cond3A_35 = arith.constant 0 : i32
    %cond3A_36 = arith.cmpi ne, %convert_element_type3A_34, %cond3A_35 : i32
    scf.if %cond3A_36 {
      %run_scoped3A = arith.constant 0 : i32
      "tpu.region"() ({
        %run_scoped3A_214 = tpu.sem_alloc : memref<!tpu.dma_semaphore, #tpu.memory_space<semaphore_mem>>
        %dma_start3A_215 = arith.constant 0 : i32
        %dma_start3A_216 = arith.constant 0 : i32
        %dma_start3A_217 = tpu.memref_slice %arg5[%dma_start3A_215, %dma_start3A_216] : memref<80x128xi32, #tpu.memory_space<vmem>> -> memref<20x128xi32, #tpu.memory_space<vmem>>
        %dma_start3A_218 = arith.constant 2480 : i32
        %dma_start3A_219 = arith.constant 0 : i32
        %dma_start3A_220 = tpu.memref_slice %arg3[%run_scoped3A, %dma_start3A_218, %dma_start3A_219] : memref<2x2500x128xi32, #tpu.memory_space<hbm>> -> memref<1x20x128xi32, #tpu.memory_space<hbm>>
        %dma_start3A_221 = tpu.memref_squeeze %dma_start3A_220 : memref<1x20x128xi32, #tpu.memory_space<hbm>> -> memref<20x128xi32, #tpu.memory_space<hbm>>
        %dma_start3A_222 = arith.constant 0 : i32
        %dma_start3A_223 = arith.constant 0 : i32
        %dma_start3A_224 = tpu.memref_slice %arg5[%dma_start3A_222, %dma_start3A_223] : memref<80x128xi32, #tpu.memory_space<vmem>> -> memref<20x128xi32, #tpu.memory_space<vmem>>
        %dma_start3A_225 = arith.constant 2480 : i32
        %dma_start3A_226 = arith.constant 0 : i32
        %dma_start3A_227 = tpu.memref_slice %arg3[%run_scoped3A, %dma_start3A_225, %dma_start3A_226] : memref<2x2500x128xi32, #tpu.memory_space<hbm>> -> memref<1x20x128xi32, #tpu.memory_space<hbm>>
        %dma_start3A_228 = tpu.memref_squeeze %dma_start3A_227 : memref<1x20x128xi32, #tpu.memory_space<hbm>> -> memref<20x128xi32, #tpu.memory_space<hbm>>
        tpu.enqueue_dma source(%dma_start3A_228 : memref<20x128xi32, #tpu.memory_space<hbm>>) target(%dma_start3A_224 : memref<20x128xi32, #tpu.memory_space<vmem>>) target_semaphore(%run_scoped3A_214 : memref<!tpu.dma_semaphore, #tpu.memory_space<semaphore_mem>>)
        %dma_wait3A_229 = arith.constant 0 : i32
        %dma_wait3A_230 = arith.constant 0 : i32
        %dma_wait3A_231 = tpu.memref_slice %arg5[%dma_wait3A_229, %dma_wait3A_230] : memref<80x128xi32, #tpu.memory_space<vmem>> -> memref<20x128xi32, #tpu.memory_space<vmem>>
        %dma_wait3A_232 = arith.constant 2480 : i32
        %dma_wait3A_233 = arith.constant 0 : i32
        %dma_wait3A_234 = tpu.memref_slice %arg3[%run_scoped3A, %dma_wait3A_232, %dma_wait3A_233] : memref<2x2500x128xi32, #tpu.memory_space<hbm>> -> memref<1x20x128xi32, #tpu.memory_space<hbm>>
        %dma_wait3A_235 = tpu.memref_squeeze %dma_wait3A_234 : memref<1x20x128xi32, #tpu.memory_space<hbm>> -> memref<20x128xi32, #tpu.memory_space<hbm>>
        %dma_wait3A_236 = arith.constant 0 : i32
        %dma_wait3A_237 = arith.constant 0 : i32
        %dma_wait3A_238 = tpu.memref_slice %arg5[%dma_wait3A_236, %dma_wait3A_237] : memref<80x128xi32, #tpu.memory_space<vmem>> -> memref<20x128xi32, #tpu.memory_space<vmem>>
        %dma_wait3A_239 = arith.constant 2480 : i32
        %dma_wait3A_240 = arith.constant 0 : i32
        %dma_wait3A_241 = tpu.memref_slice %arg3[%run_scoped3A, %dma_wait3A_239, %dma_wait3A_240] : memref<2x2500x128xi32, #tpu.memory_space<hbm>> -> memref<1x20x128xi32, #tpu.memory_space<hbm>>
        %dma_wait3A_242 = tpu.memref_squeeze %dma_wait3A_241 : memref<1x20x128xi32, #tpu.memory_space<hbm>> -> memref<20x128xi32, #tpu.memory_space<hbm>>
        tpu.wait_dma2 semaphore(%run_scoped3A_214 : memref<!tpu.dma_semaphore, #tpu.memory_space<semaphore_mem>>) src(%dma_wait3A_242 : memref<20x128xi32, #tpu.memory_space<hbm>>) dst(%dma_wait3A_238 : memref<20x128xi32, #tpu.memory_space<vmem>>)
        tpu.yield
      }) : () -> ()
    } else {
    }
    %lt3A_37 = arith.constant 31 : i32
    %lt3A_38 = arith.cmpi slt, %add3A, %lt3A_37 : i32
    %convert_element_type3A_39 = arith.extui %lt3A_38 : i1 to i32
    %cond3A_40 = arith.constant 0 : i32
    %cond3A_41 = arith.cmpi ne, %convert_element_type3A_39, %cond3A_40 : i32
    scf.if %cond3A_41 {
      %mul3A_214 = arith.constant 80 : i32
      %mul3A_215 = arith.muli %add3A, %mul3A_214 : i32
      %run_scoped3A = arith.constant 1 : i32
      "tpu.region"() ({
        %run_scoped3A_216 = tpu.sem_alloc : memref<!tpu.dma_semaphore, #tpu.memory_space<semaphore_mem>>
        %dma_start3A_217 = arith.constant 0 : i32
        %dma_start3A_218 = tpu.memref_slice %arg3[%run_scoped3A, %mul3A_215, %dma_start3A_217] : memref<2x2500x128xi32, #tpu.memory_space<hbm>> -> memref<1x80x128xi32, #tpu.memory_space<hbm>>
        %dma_start3A_219 = tpu.memref_squeeze %dma_start3A_218 : memref<1x80x128xi32, #tpu.memory_space<hbm>> -> memref<80x128xi32, #tpu.memory_space<hbm>>
        %dma_start3A_220 = arith.constant 0 : i32
        %dma_start3A_221 = tpu.memref_slice %arg3[%run_scoped3A, %mul3A_215, %dma_start3A_220] : memref<2x2500x128xi32, #tpu.memory_space<hbm>> -> memref<1x80x128xi32, #tpu.memory_space<hbm>>
        %dma_start3A_222 = tpu.memref_squeeze %dma_start3A_221 : memref<1x80x128xi32, #tpu.memory_space<hbm>> -> memref<80x128xi32, #tpu.memory_space<hbm>>
        tpu.enqueue_dma source(%dma_start3A_222 : memref<80x128xi32, #tpu.memory_space<hbm>>) target(%arg6 : memref<80x128xi32, #tpu.memory_space<vmem>>) target_semaphore(%run_scoped3A_216 : memref<!tpu.dma_semaphore, #tpu.memory_space<semaphore_mem>>)
        %dma_wait3A_223 = arith.constant 0 : i32
        %dma_wait3A_224 = tpu.memref_slice %arg3[%run_scoped3A, %mul3A_215, %dma_wait3A_223] : memref<2x2500x128xi32, #tpu.memory_space<hbm>> -> memref<1x80x128xi32, #tpu.memory_space<hbm>>
        %dma_wait3A_225 = tpu.memref_squeeze %dma_wait3A_224 : memref<1x80x128xi32, #tpu.memory_space<hbm>> -> memref<80x128xi32, #tpu.memory_space<hbm>>
        %dma_wait3A_226 = arith.constant 0 : i32
        %dma_wait3A_227 = tpu.memref_slice %arg3[%run_scoped3A, %mul3A_215, %dma_wait3A_226] : memref<2x2500x128xi32, #tpu.memory_space<hbm>> -> memref<1x80x128xi32, #tpu.memory_space<hbm>>
        %dma_wait3A_228 = tpu.memref_squeeze %dma_wait3A_227 : memref<1x80x128xi32, #tpu.memory_space<hbm>> -> memref<80x128xi32, #tpu.memory_space<hbm>>
        tpu.wait_dma2 semaphore(%run_scoped3A_216 : memref<!tpu.dma_semaphore, #tpu.memory_space<semaphore_mem>>) src(%dma_wait3A_228 : memref<80x128xi32, #tpu.memory_space<hbm>>) dst(%arg6 : memref<80x128xi32, #tpu.memory_space<vmem>>)
        tpu.yield
      }) : () -> ()
    } else {
    }
    %eq3A_42 = arith.constant 31 : i32
    %eq3A_43 = arith.cmpi eq, %add3A, %eq3A_42 : i32
    %convert_element_type3A_44 = arith.extui %eq3A_43 : i1 to i32
    %cond3A_45 = arith.constant 0 : i32
    %cond3A_46 = arith.cmpi ne, %convert_element_type3A_44, %cond3A_45 : i32
    scf.if %cond3A_46 {
      %run_scoped3A = arith.constant 1 : i32
      "tpu.region"() ({
        %run_scoped3A_214 = tpu.sem_alloc : memref<!tpu.dma_semaphore, #tpu.memory_space<semaphore_mem>>
        %dma_start3A_215 = arith.constant 0 : i32
        %dma_start3A_216 = arith.constant 0 : i32
        %dma_start3A_217 = tpu.memref_slice %arg6[%dma_start3A_215, %dma_start3A_216] : memref<80x128xi32, #tpu.memory_space<vmem>> -> memref<20x128xi32, #tpu.memory_space<vmem>>
        %dma_start3A_218 = arith.constant 2480 : i32
        %dma_start3A_219 = arith.constant 0 : i32
        %dma_start3A_220 = tpu.memref_slice %arg3[%run_scoped3A, %dma_start3A_218, %dma_start3A_219] : memref<2x2500x128xi32, #tpu.memory_space<hbm>> -> memref<1x20x128xi32, #tpu.memory_space<hbm>>
        %dma_start3A_221 = tpu.memref_squeeze %dma_start3A_220 : memref<1x20x128xi32, #tpu.memory_space<hbm>> -> memref<20x128xi32, #tpu.memory_space<hbm>>
        %dma_start3A_222 = arith.constant 0 : i32
        %dma_start3A_223 = arith.constant 0 : i32
        %dma_start3A_224 = tpu.memref_slice %arg6[%dma_start3A_222, %dma_start3A_223] : memref<80x128xi32, #tpu.memory_space<vmem>> -> memref<20x128xi32, #tpu.memory_space<vmem>>
        %dma_start3A_225 = arith.constant 2480 : i32
        %dma_start3A_226 = arith.constant 0 : i32
        %dma_start3A_227 = tpu.memref_slice %arg3[%run_scoped3A, %dma_start3A_225, %dma_start3A_226] : memref<2x2500x128xi32, #tpu.memory_space<hbm>> -> memref<1x20x128xi32, #tpu.memory_space<hbm>>
        %dma_start3A_228 = tpu.memref_squeeze %dma_start3A_227 : memref<1x20x128xi32, #tpu.memory_space<hbm>> -> memref<20x128xi32, #tpu.memory_space<hbm>>
        tpu.enqueue_dma source(%dma_start3A_228 : memref<20x128xi32, #tpu.memory_space<hbm>>) target(%dma_start3A_224 : memref<20x128xi32, #tpu.memory_space<vmem>>) target_semaphore(%run_scoped3A_214 : memref<!tpu.dma_semaphore, #tpu.memory_space<semaphore_mem>>)
        %dma_wait3A_229 = arith.constant 0 : i32
        %dma_wait3A_230 = arith.constant 0 : i32
        %dma_wait3A_231 = tpu.memref_slice %arg6[%dma_wait3A_229, %dma_wait3A_230] : memref<80x128xi32, #tpu.memory_space<vmem>> -> memref<20x128xi32, #tpu.memory_space<vmem>>
        %dma_wait3A_232 = arith.constant 2480 : i32
        %dma_wait3A_233 = arith.constant 0 : i32
        %dma_wait3A_234 = tpu.memref_slice %arg3[%run_scoped3A, %dma_wait3A_232, %dma_wait3A_233] : memref<2x2500x128xi32, #tpu.memory_space<hbm>> -> memref<1x20x128xi32, #tpu.memory_space<hbm>>
        %dma_wait3A_235 = tpu.memref_squeeze %dma_wait3A_234 : memref<1x20x128xi32, #tpu.memory_space<hbm>> -> memref<20x128xi32, #tpu.memory_space<hbm>>
        %dma_wait3A_236 = arith.constant 0 : i32
        %dma_wait3A_237 = arith.constant 0 : i32
        %dma_wait3A_238 = tpu.memref_slice %arg6[%dma_wait3A_236, %dma_wait3A_237] : memref<80x128xi32, #tpu.memory_space<vmem>> -> memref<20x128xi32, #tpu.memory_space<vmem>>
        %dma_wait3A_239 = arith.constant 2480 : i32
        %dma_wait3A_240 = arith.constant 0 : i32
        %dma_wait3A_241 = tpu.memref_slice %arg3[%run_scoped3A, %dma_wait3A_239, %dma_wait3A_240] : memref<2x2500x128xi32, #tpu.memory_space<hbm>> -> memref<1x20x128xi32, #tpu.memory_space<hbm>>
        %dma_wait3A_242 = tpu.memref_squeeze %dma_wait3A_241 : memref<1x20x128xi32, #tpu.memory_space<hbm>> -> memref<20x128xi32, #tpu.memory_space<hbm>>
        tpu.wait_dma2 semaphore(%run_scoped3A_214 : memref<!tpu.dma_semaphore, #tpu.memory_space<semaphore_mem>>) src(%dma_wait3A_242 : memref<20x128xi32, #tpu.memory_space<hbm>>) dst(%dma_wait3A_238 : memref<20x128xi32, #tpu.memory_space<vmem>>)
        tpu.yield
      }) : () -> ()
    } else {
    }
    %dma_start3A = arith.constant 0 : i32
    %dma_start3A_47 = arith.constant 0 : i32
    %dma_start3A_48 = tpu.memref_slice %arg5[%dma_start3A, %dma_start3A_47] : memref<80x128xi32, #tpu.memory_space<vmem>> -> memref<1x128xi32, #tpu.memory_space<vmem>>
    %dma_start3A_49 = tpu.memref_squeeze %dma_start3A_48 : memref<1x128xi32, #tpu.memory_space<vmem>> -> memref<128xi32, #tpu.memory_space<vmem>>
    %dma_start3A_50 = arith.constant 0 : i32
    %dma_start3A_51 = arith.constant 0 : i32
    %dma_start3A_52 = tpu.memref_slice %arg2[%dma_start3A_50, %dma_start3A_51] : memref<10240x64xbf16, #tpu.memory_space<hbm>> -> memref<10240x64xbf16, #tpu.memory_space<hbm>>
    tpu.enqueue_indirect_dma source(%dma_start3A_52 : memref<10240x64xbf16, #tpu.memory_space<hbm>>) target(%arg7 : memref<128x64xbf16, #tpu.memory_space<vmem>>) offsets(%dma_start3A_49 : memref<128xi32, #tpu.memory_space<vmem>>) semaphore(%arg19 : memref<!tpu.dma_semaphore, #tpu.memory_space<semaphore_mem>>)
    %dma_start3A_53 = arith.constant 1 : i32
    %dma_start3A_54 = arith.constant 0 : i32
    %dma_start3A_55 = tpu.memref_slice %arg5[%dma_start3A_53, %dma_start3A_54] : memref<80x128xi32, #tpu.memory_space<vmem>> -> memref<1x128xi32, #tpu.memory_space<vmem>>
    %dma_start3A_56 = tpu.memref_squeeze %dma_start3A_55 : memref<1x128xi32, #tpu.memory_space<vmem>> -> memref<128xi32, #tpu.memory_space<vmem>>
    %dma_start3A_57 = arith.constant 0 : i32
    %dma_start3A_58 = arith.constant 0 : i32
    %dma_start3A_59 = tpu.memref_slice %arg2[%dma_start3A_57, %dma_start3A_58] : memref<10240x64xbf16, #tpu.memory_space<hbm>> -> memref<10240x64xbf16, #tpu.memory_space<hbm>>
    tpu.enqueue_indirect_dma source(%dma_start3A_59 : memref<10240x64xbf16, #tpu.memory_space<hbm>>) target(%arg8 : memref<128x64xbf16, #tpu.memory_space<vmem>>) offsets(%dma_start3A_56 : memref<128xi32, #tpu.memory_space<vmem>>) semaphore(%arg20 : memref<!tpu.dma_semaphore, #tpu.memory_space<semaphore_mem>>)
    %dma_start3A_60 = arith.constant 2 : i32
    %dma_start3A_61 = arith.constant 0 : i32
    %dma_start3A_62 = tpu.memref_slice %arg5[%dma_start3A_60, %dma_start3A_61] : memref<80x128xi32, #tpu.memory_space<vmem>> -> memref<1x128xi32, #tpu.memory_space<vmem>>
    %dma_start3A_63 = tpu.memref_squeeze %dma_start3A_62 : memref<1x128xi32, #tpu.memory_space<vmem>> -> memref<128xi32, #tpu.memory_space<vmem>>
    %dma_start3A_64 = arith.constant 0 : i32
    %dma_start3A_65 = arith.constant 0 : i32
    %dma_start3A_66 = tpu.memref_slice %arg2[%dma_start3A_64, %dma_start3A_65] : memref<10240x64xbf16, #tpu.memory_space<hbm>> -> memref<10240x64xbf16, #tpu.memory_space<hbm>>
    tpu.enqueue_indirect_dma source(%dma_start3A_66 : memref<10240x64xbf16, #tpu.memory_space<hbm>>) target(%arg9 : memref<128x64xbf16, #tpu.memory_space<vmem>>) offsets(%dma_start3A_63 : memref<128xi32, #tpu.memory_space<vmem>>) semaphore(%arg21 : memref<!tpu.dma_semaphore, #tpu.memory_space<semaphore_mem>>)
    %dma_start3A_67 = arith.constant 3 : i32
    %dma_start3A_68 = arith.constant 0 : i32
    %dma_start3A_69 = tpu.memref_slice %arg5[%dma_start3A_67, %dma_start3A_68] : memref<80x128xi32, #tpu.memory_space<vmem>> -> memref<1x128xi32, #tpu.memory_space<vmem>>
    %dma_start3A_70 = tpu.memref_squeeze %dma_start3A_69 : memref<1x128xi32, #tpu.memory_space<vmem>> -> memref<128xi32, #tpu.memory_space<vmem>>
    %dma_start3A_71 = arith.constant 0 : i32
    %dma_start3A_72 = arith.constant 0 : i32
    %dma_start3A_73 = tpu.memref_slice %arg2[%dma_start3A_71, %dma_start3A_72] : memref<10240x64xbf16, #tpu.memory_space<hbm>> -> memref<10240x64xbf16, #tpu.memory_space<hbm>>
    tpu.enqueue_indirect_dma source(%dma_start3A_73 : memref<10240x64xbf16, #tpu.memory_space<hbm>>) target(%arg10 : memref<128x64xbf16, #tpu.memory_space<vmem>>) offsets(%dma_start3A_70 : memref<128xi32, #tpu.memory_space<vmem>>) semaphore(%arg22 : memref<!tpu.dma_semaphore, #tpu.memory_space<semaphore_mem>>)
    %dma_start3A_74 = arith.constant 4 : i32
    %dma_start3A_75 = arith.constant 0 : i32
    %dma_start3A_76 = tpu.memref_slice %arg5[%dma_start3A_74, %dma_start3A_75] : memref<80x128xi32, #tpu.memory_space<vmem>> -> memref<1x128xi32, #tpu.memory_space<vmem>>
    %dma_start3A_77 = tpu.memref_squeeze %dma_start3A_76 : memref<1x128xi32, #tpu.memory_space<vmem>> -> memref<128xi32, #tpu.memory_space<vmem>>
    %dma_start3A_78 = arith.constant 0 : i32
    %dma_start3A_79 = arith.constant 0 : i32
    %dma_start3A_80 = tpu.memref_slice %arg2[%dma_start3A_78, %dma_start3A_79] : memref<10240x64xbf16, #tpu.memory_space<hbm>> -> memref<10240x64xbf16, #tpu.memory_space<hbm>>
    tpu.enqueue_indirect_dma source(%dma_start3A_80 : memref<10240x64xbf16, #tpu.memory_space<hbm>>) target(%arg11 : memref<128x64xbf16, #tpu.memory_space<vmem>>) offsets(%dma_start3A_77 : memref<128xi32, #tpu.memory_space<vmem>>) semaphore(%arg23 : memref<!tpu.dma_semaphore, #tpu.memory_space<semaphore_mem>>)
    %dma_start3A_81 = arith.constant 5 : i32
    %dma_start3A_82 = arith.constant 0 : i32
    %dma_start3A_83 = tpu.memref_slice %arg5[%dma_start3A_81, %dma_start3A_82] : memref<80x128xi32, #tpu.memory_space<vmem>> -> memref<1x128xi32, #tpu.memory_space<vmem>>
    %dma_start3A_84 = tpu.memref_squeeze %dma_start3A_83 : memref<1x128xi32, #tpu.memory_space<vmem>> -> memref<128xi32, #tpu.memory_space<vmem>>
    %dma_start3A_85 = arith.constant 0 : i32
    %dma_start3A_86 = arith.constant 0 : i32
    %dma_start3A_87 = tpu.memref_slice %arg2[%dma_start3A_85, %dma_start3A_86] : memref<10240x64xbf16, #tpu.memory_space<hbm>> -> memref<10240x64xbf16, #tpu.memory_space<hbm>>
    tpu.enqueue_indirect_dma source(%dma_start3A_87 : memref<10240x64xbf16, #tpu.memory_space<hbm>>) target(%arg12 : memref<128x64xbf16, #tpu.memory_space<vmem>>) offsets(%dma_start3A_84 : memref<128xi32, #tpu.memory_space<vmem>>) semaphore(%arg24 : memref<!tpu.dma_semaphore, #tpu.memory_space<semaphore_mem>>)
    %dma_start3A_88 = arith.constant 6 : i32
    %dma_start3A_89 = arith.constant 0 : i32
    %dma_start3A_90 = tpu.memref_slice %arg5[%dma_start3A_88, %dma_start3A_89] : memref<80x128xi32, #tpu.memory_space<vmem>> -> memref<1x128xi32, #tpu.memory_space<vmem>>
    %dma_start3A_91 = tpu.memref_squeeze %dma_start3A_90 : memref<1x128xi32, #tpu.memory_space<vmem>> -> memref<128xi32, #tpu.memory_space<vmem>>
    %dma_start3A_92 = arith.constant 0 : i32
    %dma_start3A_93 = arith.constant 0 : i32
    %dma_start3A_94 = tpu.memref_slice %arg2[%dma_start3A_92, %dma_start3A_93] : memref<10240x64xbf16, #tpu.memory_space<hbm>> -> memref<10240x64xbf16, #tpu.memory_space<hbm>>
    tpu.enqueue_indirect_dma source(%dma_start3A_94 : memref<10240x64xbf16, #tpu.memory_space<hbm>>) target(%arg13 : memref<128x64xbf16, #tpu.memory_space<vmem>>) offsets(%dma_start3A_91 : memref<128xi32, #tpu.memory_space<vmem>>) semaphore(%arg25 : memref<!tpu.dma_semaphore, #tpu.memory_space<semaphore_mem>>)
    %dma_start3A_95 = arith.constant 7 : i32
    %dma_start3A_96 = arith.constant 0 : i32
    %dma_start3A_97 = tpu.memref_slice %arg5[%dma_start3A_95, %dma_start3A_96] : memref<80x128xi32, #tpu.memory_space<vmem>> -> memref<1x128xi32, #tpu.memory_space<vmem>>
    %dma_start3A_98 = tpu.memref_squeeze %dma_start3A_97 : memref<1x128xi32, #tpu.memory_space<vmem>> -> memref<128xi32, #tpu.memory_space<vmem>>
    %dma_start3A_99 = arith.constant 0 : i32
    %dma_start3A_100 = arith.constant 0 : i32
    %dma_start3A_101 = tpu.memref_slice %arg2[%dma_start3A_99, %dma_start3A_100] : memref<10240x64xbf16, #tpu.memory_space<hbm>> -> memref<10240x64xbf16, #tpu.memory_space<hbm>>
    tpu.enqueue_indirect_dma source(%dma_start3A_101 : memref<10240x64xbf16, #tpu.memory_space<hbm>>) target(%arg14 : memref<128x64xbf16, #tpu.memory_space<vmem>>) offsets(%dma_start3A_98 : memref<128xi32, #tpu.memory_space<vmem>>) semaphore(%arg26 : memref<!tpu.dma_semaphore, #tpu.memory_space<semaphore_mem>>)
    %dma_start3A_102 = arith.constant 8 : i32
    %dma_start3A_103 = arith.constant 0 : i32
    %dma_start3A_104 = tpu.memref_slice %arg5[%dma_start3A_102, %dma_start3A_103] : memref<80x128xi32, #tpu.memory_space<vmem>> -> memref<1x128xi32, #tpu.memory_space<vmem>>
    %dma_start3A_105 = tpu.memref_squeeze %dma_start3A_104 : memref<1x128xi32, #tpu.memory_space<vmem>> -> memref<128xi32, #tpu.memory_space<vmem>>
    %dma_start3A_106 = arith.constant 0 : i32
    %dma_start3A_107 = arith.constant 0 : i32
    %dma_start3A_108 = tpu.memref_slice %arg2[%dma_start3A_106, %dma_start3A_107] : memref<10240x64xbf16, #tpu.memory_space<hbm>> -> memref<10240x64xbf16, #tpu.memory_space<hbm>>
    tpu.enqueue_indirect_dma source(%dma_start3A_108 : memref<10240x64xbf16, #tpu.memory_space<hbm>>) target(%arg15 : memref<128x64xbf16, #tpu.memory_space<vmem>>) offsets(%dma_start3A_105 : memref<128xi32, #tpu.memory_space<vmem>>) semaphore(%arg27 : memref<!tpu.dma_semaphore, #tpu.memory_space<semaphore_mem>>)
    %jit3A_109 = arith.constant 10 : i32
    %div3A = arith.divsi %select_n3A, %jit3A_109 : i32
    %sign3A = arith.constant 0 : i32
    %sign3A_110 = arith.cmpi sgt, %select_n3A, %sign3A : i32
    %sign3A_111 = arith.extui %sign3A_110 : i1 to i32
    %sign3A_112 = arith.constant 0 : i32
    %sign3A_113 = arith.cmpi slt, %select_n3A, %sign3A_112 : i32
    %sign3A_114 = arith.extui %sign3A_113 : i1 to i32
    %sign3A_115 = arith.subi %sign3A_111, %sign3A_114 : i32
    %sign3A_116 = arith.constant 0 : i32
    %sign3A_117 = arith.cmpi sgt, %jit3A_109, %sign3A_116 : i32
    %sign3A_118 = arith.extui %sign3A_117 : i1 to i32
    %sign3A_119 = arith.constant 0 : i32
    %sign3A_120 = arith.cmpi slt, %jit3A_109, %sign3A_119 : i32
    %sign3A_121 = arith.extui %sign3A_120 : i1 to i32
    %sign3A_122 = arith.subi %sign3A_118, %sign3A_121 : i32
    %ne3A = arith.cmpi ne, %sign3A_115, %sign3A_122 : i32
    %rem3A = arith.remsi %select_n3A, %jit3A_109 : i32
    %ne3A_123 = arith.constant 0 : i32
    %ne3A_124 = arith.cmpi ne, %rem3A, %ne3A_123 : i32
    %and3A = arith.andi %ne3A, %ne3A_124 : i1
    %sub3A = arith.constant 1 : i32
    %sub3A_125 = arith.subi %div3A, %sub3A : i32
    %select_n3A_126 = arith.select %and3A, %sub3A_125, %div3A : i32
    %while3A = arith.constant 0 : i32
    %while3A_127 = arith.constant 0 : i32
    %while3A_128 = arith.subi %select_n3A_126, %while3A : i32
    %while3A_129 = arith.addi %while3A, %while3A_128 : i32
    %while3A_130 = arith.constant 1 : i32
    %while3A_131 = arith.divsi %while3A_128, %while3A_130 : i32
    %while3A_132 = arith.muli %while3A_131, %while3A_130 : i32
    %while3A_133 = arith.addi %while3A, %while3A_132 : i32
    %while3A_134 = arith.constant 1 : i32
    %while3A_135 = scf.for %while3A_214 = %while3A to %while3A_133 step %while3A_134 iter_args(%while3A_215 = %while3A_127) -> (i32)  : i32 {
      %mul3A_216 = arith.constant 10 : i32
      %mul3A_217 = arith.muli %mul3A_216, %while3A_214 : i32
      %add3A_218 = arith.constant 0 : i32
      %add3A_219 = arith.addi %mul3A_217, %add3A_218 : i32
      %dma_wait3A_220 = arith.constant 0 : i32
      %dma_wait3A_221 = tpu.memref_slice %arg5[%add3A_219, %dma_wait3A_220] : memref<80x128xi32, #tpu.memory_space<vmem>> -> memref<1x128xi32, #tpu.memory_space<vmem>>
      %dma_wait3A_222 = tpu.memref_squeeze %dma_wait3A_221 : memref<1x128xi32, #tpu.memory_space<vmem>> -> memref<128xi32, #tpu.memory_space<vmem>>
      %dma_wait3A_223 = arith.constant 0 : i32
      %dma_wait3A_224 = arith.constant 0 : i32
      %dma_wait3A_225 = tpu.memref_slice %arg2[%dma_wait3A_223, %dma_wait3A_224] : memref<10240x64xbf16, #tpu.memory_space<hbm>> -> memref<10240x64xbf16, #tpu.memory_space<hbm>>
      tpu.wait_indirect_dma semaphore(%arg19 : memref<!tpu.dma_semaphore, #tpu.memory_space<semaphore_mem>>) src(%dma_wait3A_225 : memref<10240x64xbf16, #tpu.memory_space<hbm>>) dst(%arg7 : memref<128x64xbf16, #tpu.memory_space<vmem>>)
      %dma_start3A_226 = arith.constant 0 : i32
      %dma_start3A_227 = tpu.memref_slice %arg6[%add3A_219, %dma_start3A_226] : memref<80x128xi32, #tpu.memory_space<vmem>> -> memref<1x128xi32, #tpu.memory_space<vmem>>
      %dma_start3A_228 = tpu.memref_squeeze %dma_start3A_227 : memref<1x128xi32, #tpu.memory_space<vmem>> -> memref<128xi32, #tpu.memory_space<vmem>>
      %dma_start3A_229 = arith.constant 0 : i32
      %dma_start3A_230 = arith.constant 0 : i32
      %dma_start3A_231 = tpu.memref_slice %arg18[%dma_start3A_229, %dma_start3A_230] : memref<10240x64xbf16, #tpu.memory_space<vmem_shared>> -> memref<10240x64xbf16, #tpu.memory_space<vmem_shared>>
      tpu.enqueue_indirect_dma source(%arg7 : memref<128x64xbf16, #tpu.memory_space<vmem>>) target(%dma_start3A_231 : memref<10240x64xbf16, #tpu.memory_space<vmem_shared>>) offsets(%dma_start3A_228 : memref<128xi32, #tpu.memory_space<vmem>>) semaphore(%arg29 : memref<!tpu.dma_semaphore, #tpu.memory_space<semaphore_mem>>) {add = true}
      %add3A_232 = arith.constant 10 : i32
      %add3A_233 = arith.addi %add3A_219, %add3A_232 : i32
      %sub3A_234 = arith.constant 1 : i32
      %sub3A_235 = arith.subi %add3A_233, %sub3A_234 : i32
      %lt3A_236 = arith.cmpi slt, %sub3A_235, %select_n3A : i32
      %gt3A = arith.constant 0 : i32
      %gt3A_237 = arith.cmpi sgt, %add3A_219, %gt3A : i32
      %and3A_238 = arith.andi %lt3A_236, %gt3A_237 : i1
      %convert_element_type3A_239 = arith.extui %and3A_238 : i1 to i32
      %cond3A_240 = arith.constant 0 : i32
      %cond3A_241 = arith.cmpi ne, %convert_element_type3A_239, %cond3A_240 : i32
      scf.if %cond3A_241 {
        %dma_wait3A_491 = arith.constant 0 : i32
        %dma_wait3A_492 = arith.constant 0 : i32
        %dma_wait3A_493 = tpu.memref_slice %arg6[%dma_wait3A_491, %dma_wait3A_492] : memref<80x128xi32, #tpu.memory_space<vmem>> -> memref<1x128xi32, #tpu.memory_space<vmem>>
        %dma_wait3A_494 = tpu.memref_squeeze %dma_wait3A_493 : memref<1x128xi32, #tpu.memory_space<vmem>> -> memref<128xi32, #tpu.memory_space<vmem>>
        %dma_wait3A_495 = arith.constant 0 : i32
        %dma_wait3A_496 = arith.constant 0 : i32
        %dma_wait3A_497 = tpu.memref_slice %arg18[%dma_wait3A_495, %dma_wait3A_496] : memref<10240x64xbf16, #tpu.memory_space<vmem_shared>> -> memref<10240x64xbf16, #tpu.memory_space<vmem_shared>>
        tpu.wait_indirect_dma semaphore(%arg38 : memref<!tpu.dma_semaphore, #tpu.memory_space<semaphore_mem>>) src(%arg16 : memref<128x64xbf16, #tpu.memory_space<vmem>>) dst(%dma_wait3A_497 : memref<10240x64xbf16, #tpu.memory_space<vmem_shared>>)
        %add3A_498 = arith.constant 10 : i32
        %add3A_499 = arith.addi %add3A_219, %add3A_498 : i32
        %sub3A_500 = arith.constant 1 : i32
        %sub3A_501 = arith.subi %add3A_499, %sub3A_500 : i32
        %dma_start3A_502 = arith.constant 0 : i32
        %dma_start3A_503 = tpu.memref_slice %arg5[%sub3A_501, %dma_start3A_502] : memref<80x128xi32, #tpu.memory_space<vmem>> -> memref<1x128xi32, #tpu.memory_space<vmem>>
        %dma_start3A_504 = tpu.memref_squeeze %dma_start3A_503 : memref<1x128xi32, #tpu.memory_space<vmem>> -> memref<128xi32, #tpu.memory_space<vmem>>
        %dma_start3A_505 = arith.constant 0 : i32
        %dma_start3A_506 = arith.constant 0 : i32
        %dma_start3A_507 = tpu.memref_slice %arg2[%dma_start3A_505, %dma_start3A_506] : memref<10240x64xbf16, #tpu.memory_space<hbm>> -> memref<10240x64xbf16, #tpu.memory_space<hbm>>
        tpu.enqueue_indirect_dma source(%dma_start3A_507 : memref<10240x64xbf16, #tpu.memory_space<hbm>>) target(%arg16 : memref<128x64xbf16, #tpu.memory_space<vmem>>) offsets(%dma_start3A_504 : memref<128xi32, #tpu.memory_space<vmem>>) semaphore(%arg28 : memref<!tpu.dma_semaphore, #tpu.memory_space<semaphore_mem>>)
      } else {
      }
      %eq3A_242 = arith.constant 0 : i32
      %eq3A_243 = arith.cmpi eq, %add3A_219, %eq3A_242 : i32
      %convert_element_type3A_244 = arith.extui %eq3A_243 : i1 to i32
      %cond3A_245 = arith.constant 0 : i32
      %cond3A_246 = arith.cmpi ne, %convert_element_type3A_244, %cond3A_245 : i32
      scf.if %cond3A_246 {
        %dma_start3A_491 = arith.constant 9 : i32
        %dma_start3A_492 = arith.constant 0 : i32
        %dma_start3A_493 = tpu.memref_slice %arg5[%dma_start3A_491, %dma_start3A_492] : memref<80x128xi32, #tpu.memory_space<vmem>> -> memref<1x128xi32, #tpu.memory_space<vmem>>
        %dma_start3A_494 = tpu.memref_squeeze %dma_start3A_493 : memref<1x128xi32, #tpu.memory_space<vmem>> -> memref<128xi32, #tpu.memory_space<vmem>>
        %dma_start3A_495 = arith.constant 0 : i32
        %dma_start3A_496 = arith.constant 0 : i32
        %dma_start3A_497 = tpu.memref_slice %arg2[%dma_start3A_495, %dma_start3A_496] : memref<10240x64xbf16, #tpu.memory_space<hbm>> -> memref<10240x64xbf16, #tpu.memory_space<hbm>>
        tpu.enqueue_indirect_dma source(%dma_start3A_497 : memref<10240x64xbf16, #tpu.memory_space<hbm>>) target(%arg16 : memref<128x64xbf16, #tpu.memory_space<vmem>>) offsets(%dma_start3A_494 : memref<128xi32, #tpu.memory_space<vmem>>) semaphore(%arg28 : memref<!tpu.dma_semaphore, #tpu.memory_space<semaphore_mem>>)
      } else {
      }
      %mul3A_247 = arith.constant 10 : i32
      %mul3A_248 = arith.muli %mul3A_247, %while3A_214 : i32
      %add3A_249 = arith.constant 1 : i32
      %add3A_250 = arith.addi %mul3A_248, %add3A_249 : i32
      %dma_wait3A_251 = arith.constant 0 : i32
      %dma_wait3A_252 = tpu.memref_slice %arg5[%add3A_250, %dma_wait3A_251] : memref<80x128xi32, #tpu.memory_space<vmem>> -> memref<1x128xi32, #tpu.memory_space<vmem>>
      %dma_wait3A_253 = tpu.memref_squeeze %dma_wait3A_252 : memref<1x128xi32, #tpu.memory_space<vmem>> -> memref<128xi32, #tpu.memory_space<vmem>>
      %dma_wait3A_254 = arith.constant 0 : i32
      %dma_wait3A_255 = arith.constant 0 : i32
      %dma_wait3A_256 = tpu.memref_slice %arg2[%dma_wait3A_254, %dma_wait3A_255] : memref<10240x64xbf16, #tpu.memory_space<hbm>> -> memref<10240x64xbf16, #tpu.memory_space<hbm>>
      tpu.wait_indirect_dma semaphore(%arg20 : memref<!tpu.dma_semaphore, #tpu.memory_space<semaphore_mem>>) src(%dma_wait3A_256 : memref<10240x64xbf16, #tpu.memory_space<hbm>>) dst(%arg8 : memref<128x64xbf16, #tpu.memory_space<vmem>>)
      %dma_start3A_257 = arith.constant 0 : i32
      %dma_start3A_258 = tpu.memref_slice %arg6[%add3A_250, %dma_start3A_257] : memref<80x128xi32, #tpu.memory_space<vmem>> -> memref<1x128xi32, #tpu.memory_space<vmem>>
      %dma_start3A_259 = tpu.memref_squeeze %dma_start3A_258 : memref<1x128xi32, #tpu.memory_space<vmem>> -> memref<128xi32, #tpu.memory_space<vmem>>
      %dma_start3A_260 = arith.constant 0 : i32
      %dma_start3A_261 = arith.constant 0 : i32
      %dma_start3A_262 = tpu.memref_slice %arg18[%dma_start3A_260, %dma_start3A_261] : memref<10240x64xbf16, #tpu.memory_space<vmem_shared>> -> memref<10240x64xbf16, #tpu.memory_space<vmem_shared>>
      tpu.enqueue_indirect_dma source(%arg8 : memref<128x64xbf16, #tpu.memory_space<vmem>>) target(%dma_start3A_262 : memref<10240x64xbf16, #tpu.memory_space<vmem_shared>>) offsets(%dma_start3A_259 : memref<128xi32, #tpu.memory_space<vmem>>) semaphore(%arg30 : memref<!tpu.dma_semaphore, #tpu.memory_space<semaphore_mem>>) {add = true}
      %add3A_263 = arith.constant 10 : i32
      %add3A_264 = arith.addi %add3A_250, %add3A_263 : i32
      %sub3A_265 = arith.constant 1 : i32
      %sub3A_266 = arith.subi %add3A_264, %sub3A_265 : i32
      %lt3A_267 = arith.cmpi slt, %sub3A_266, %select_n3A : i32
      %gt3A_268 = arith.constant 0 : i32
      %gt3A_269 = arith.cmpi sgt, %add3A_250, %gt3A_268 : i32
      %and3A_270 = arith.andi %lt3A_267, %gt3A_269 : i1
      %convert_element_type3A_271 = arith.extui %and3A_270 : i1 to i32
      %cond3A_272 = arith.constant 0 : i32
      %cond3A_273 = arith.cmpi ne, %convert_element_type3A_271, %cond3A_272 : i32
      scf.if %cond3A_273 {
        %dma_wait3A_491 = arith.constant 0 : i32
        %dma_wait3A_492 = arith.constant 0 : i32
        %dma_wait3A_493 = tpu.memref_slice %arg6[%dma_wait3A_491, %dma_wait3A_492] : memref<80x128xi32, #tpu.memory_space<vmem>> -> memref<1x128xi32, #tpu.memory_space<vmem>>
        %dma_wait3A_494 = tpu.memref_squeeze %dma_wait3A_493 : memref<1x128xi32, #tpu.memory_space<vmem>> -> memref<128xi32, #tpu.memory_space<vmem>>
        %dma_wait3A_495 = arith.constant 0 : i32
        %dma_wait3A_496 = arith.constant 0 : i32
        %dma_wait3A_497 = tpu.memref_slice %arg18[%dma_wait3A_495, %dma_wait3A_496] : memref<10240x64xbf16, #tpu.memory_space<vmem_shared>> -> memref<10240x64xbf16, #tpu.memory_space<vmem_shared>>
        tpu.wait_indirect_dma semaphore(%arg29 : memref<!tpu.dma_semaphore, #tpu.memory_space<semaphore_mem>>) src(%arg7 : memref<128x64xbf16, #tpu.memory_space<vmem>>) dst(%dma_wait3A_497 : memref<10240x64xbf16, #tpu.memory_space<vmem_shared>>)
        %add3A_498 = arith.constant 10 : i32
        %add3A_499 = arith.addi %add3A_250, %add3A_498 : i32
        %sub3A_500 = arith.constant 1 : i32
        %sub3A_501 = arith.subi %add3A_499, %sub3A_500 : i32
        %dma_start3A_502 = arith.constant 0 : i32
        %dma_start3A_503 = tpu.memref_slice %arg5[%sub3A_501, %dma_start3A_502] : memref<80x128xi32, #tpu.memory_space<vmem>> -> memref<1x128xi32, #tpu.memory_space<vmem>>
        %dma_start3A_504 = tpu.memref_squeeze %dma_start3A_503 : memref<1x128xi32, #tpu.memory_space<vmem>> -> memref<128xi32, #tpu.memory_space<vmem>>
        %dma_start3A_505 = arith.constant 0 : i32
        %dma_start3A_506 = arith.constant 0 : i32
        %dma_start3A_507 = tpu.memref_slice %arg2[%dma_start3A_505, %dma_start3A_506] : memref<10240x64xbf16, #tpu.memory_space<hbm>> -> memref<10240x64xbf16, #tpu.memory_space<hbm>>
        tpu.enqueue_indirect_dma source(%dma_start3A_507 : memref<10240x64xbf16, #tpu.memory_space<hbm>>) target(%arg7 : memref<128x64xbf16, #tpu.memory_space<vmem>>) offsets(%dma_start3A_504 : memref<128xi32, #tpu.memory_space<vmem>>) semaphore(%arg19 : memref<!tpu.dma_semaphore, #tpu.memory_space<semaphore_mem>>)
      } else {
      }
      %mul3A_274 = arith.constant 10 : i32
      %mul3A_275 = arith.muli %mul3A_274, %while3A_214 : i32
      %add3A_276 = arith.constant 2 : i32
      %add3A_277 = arith.addi %mul3A_275, %add3A_276 : i32
      %dma_wait3A_278 = arith.constant 0 : i32
      %dma_wait3A_279 = tpu.memref_slice %arg5[%add3A_277, %dma_wait3A_278] : memref<80x128xi32, #tpu.memory_space<vmem>> -> memref<1x128xi32, #tpu.memory_space<vmem>>
      %dma_wait3A_280 = tpu.memref_squeeze %dma_wait3A_279 : memref<1x128xi32, #tpu.memory_space<vmem>> -> memref<128xi32, #tpu.memory_space<vmem>>
      %dma_wait3A_281 = arith.constant 0 : i32
      %dma_wait3A_282 = arith.constant 0 : i32
      %dma_wait3A_283 = tpu.memref_slice %arg2[%dma_wait3A_281, %dma_wait3A_282] : memref<10240x64xbf16, #tpu.memory_space<hbm>> -> memref<10240x64xbf16, #tpu.memory_space<hbm>>
      tpu.wait_indirect_dma semaphore(%arg21 : memref<!tpu.dma_semaphore, #tpu.memory_space<semaphore_mem>>) src(%dma_wait3A_283 : memref<10240x64xbf16, #tpu.memory_space<hbm>>) dst(%arg9 : memref<128x64xbf16, #tpu.memory_space<vmem>>)
      %dma_start3A_284 = arith.constant 0 : i32
      %dma_start3A_285 = tpu.memref_slice %arg6[%add3A_277, %dma_start3A_284] : memref<80x128xi32, #tpu.memory_space<vmem>> -> memref<1x128xi32, #tpu.memory_space<vmem>>
      %dma_start3A_286 = tpu.memref_squeeze %dma_start3A_285 : memref<1x128xi32, #tpu.memory_space<vmem>> -> memref<128xi32, #tpu.memory_space<vmem>>
      %dma_start3A_287 = arith.constant 0 : i32
      %dma_start3A_288 = arith.constant 0 : i32
      %dma_start3A_289 = tpu.memref_slice %arg18[%dma_start3A_287, %dma_start3A_288] : memref<10240x64xbf16, #tpu.memory_space<vmem_shared>> -> memref<10240x64xbf16, #tpu.memory_space<vmem_shared>>
      tpu.enqueue_indirect_dma source(%arg9 : memref<128x64xbf16, #tpu.memory_space<vmem>>) target(%dma_start3A_289 : memref<10240x64xbf16, #tpu.memory_space<vmem_shared>>) offsets(%dma_start3A_286 : memref<128xi32, #tpu.memory_space<vmem>>) semaphore(%arg31 : memref<!tpu.dma_semaphore, #tpu.memory_space<semaphore_mem>>) {add = true}
      %add3A_290 = arith.constant 10 : i32
      %add3A_291 = arith.addi %add3A_277, %add3A_290 : i32
      %sub3A_292 = arith.constant 1 : i32
      %sub3A_293 = arith.subi %add3A_291, %sub3A_292 : i32
      %lt3A_294 = arith.cmpi slt, %sub3A_293, %select_n3A : i32
      %gt3A_295 = arith.constant 0 : i32
      %gt3A_296 = arith.cmpi sgt, %add3A_277, %gt3A_295 : i32
      %and3A_297 = arith.andi %lt3A_294, %gt3A_296 : i1
      %convert_element_type3A_298 = arith.extui %and3A_297 : i1 to i32
      %cond3A_299 = arith.constant 0 : i32
      %cond3A_300 = arith.cmpi ne, %convert_element_type3A_298, %cond3A_299 : i32
      scf.if %cond3A_300 {
        %dma_wait3A_491 = arith.constant 0 : i32
        %dma_wait3A_492 = arith.constant 0 : i32
        %dma_wait3A_493 = tpu.memref_slice %arg6[%dma_wait3A_491, %dma_wait3A_492] : memref<80x128xi32, #tpu.memory_space<vmem>> -> memref<1x128xi32, #tpu.memory_space<vmem>>
        %dma_wait3A_494 = tpu.memref_squeeze %dma_wait3A_493 : memref<1x128xi32, #tpu.memory_space<vmem>> -> memref<128xi32, #tpu.memory_space<vmem>>
        %dma_wait3A_495 = arith.constant 0 : i32
        %dma_wait3A_496 = arith.constant 0 : i32
        %dma_wait3A_497 = tpu.memref_slice %arg18[%dma_wait3A_495, %dma_wait3A_496] : memref<10240x64xbf16, #tpu.memory_space<vmem_shared>> -> memref<10240x64xbf16, #tpu.memory_space<vmem_shared>>
        tpu.wait_indirect_dma semaphore(%arg30 : memref<!tpu.dma_semaphore, #tpu.memory_space<semaphore_mem>>) src(%arg8 : memref<128x64xbf16, #tpu.memory_space<vmem>>) dst(%dma_wait3A_497 : memref<10240x64xbf16, #tpu.memory_space<vmem_shared>>)
        %add3A_498 = arith.constant 10 : i32
        %add3A_499 = arith.addi %add3A_277, %add3A_498 : i32
        %sub3A_500 = arith.constant 1 : i32
        %sub3A_501 = arith.subi %add3A_499, %sub3A_500 : i32
        %dma_start3A_502 = arith.constant 0 : i32
        %dma_start3A_503 = tpu.memref_slice %arg5[%sub3A_501, %dma_start3A_502] : memref<80x128xi32, #tpu.memory_space<vmem>> -> memref<1x128xi32, #tpu.memory_space<vmem>>
        %dma_start3A_504 = tpu.memref_squeeze %dma_start3A_503 : memref<1x128xi32, #tpu.memory_space<vmem>> -> memref<128xi32, #tpu.memory_space<vmem>>
        %dma_start3A_505 = arith.constant 0 : i32
        %dma_start3A_506 = arith.constant 0 : i32
        %dma_start3A_507 = tpu.memref_slice %arg2[%dma_start3A_505, %dma_start3A_506] : memref<10240x64xbf16, #tpu.memory_space<hbm>> -> memref<10240x64xbf16, #tpu.memory_space<hbm>>
        tpu.enqueue_indirect_dma source(%dma_start3A_507 : memref<10240x64xbf16, #tpu.memory_space<hbm>>) target(%arg8 : memref<128x64xbf16, #tpu.memory_space<vmem>>) offsets(%dma_start3A_504 : memref<128xi32, #tpu.memory_space<vmem>>) semaphore(%arg20 : memref<!tpu.dma_semaphore, #tpu.memory_space<semaphore_mem>>)
      } else {
      }
      %mul3A_301 = arith.constant 10 : i32
      %mul3A_302 = arith.muli %mul3A_301, %while3A_214 : i32
      %add3A_303 = arith.constant 3 : i32
      %add3A_304 = arith.addi %mul3A_302, %add3A_303 : i32
      %dma_wait3A_305 = arith.constant 0 : i32
      %dma_wait3A_306 = tpu.memref_slice %arg5[%add3A_304, %dma_wait3A_305] : memref<80x128xi32, #tpu.memory_space<vmem>> -> memref<1x128xi32, #tpu.memory_space<vmem>>
      %dma_wait3A_307 = tpu.memref_squeeze %dma_wait3A_306 : memref<1x128xi32, #tpu.memory_space<vmem>> -> memref<128xi32, #tpu.memory_space<vmem>>
      %dma_wait3A_308 = arith.constant 0 : i32
      %dma_wait3A_309 = arith.constant 0 : i32
      %dma_wait3A_310 = tpu.memref_slice %arg2[%dma_wait3A_308, %dma_wait3A_309] : memref<10240x64xbf16, #tpu.memory_space<hbm>> -> memref<10240x64xbf16, #tpu.memory_space<hbm>>
      tpu.wait_indirect_dma semaphore(%arg22 : memref<!tpu.dma_semaphore, #tpu.memory_space<semaphore_mem>>) src(%dma_wait3A_310 : memref<10240x64xbf16, #tpu.memory_space<hbm>>) dst(%arg10 : memref<128x64xbf16, #tpu.memory_space<vmem>>)
      %dma_start3A_311 = arith.constant 0 : i32
      %dma_start3A_312 = tpu.memref_slice %arg6[%add3A_304, %dma_start3A_311] : memref<80x128xi32, #tpu.memory_space<vmem>> -> memref<1x128xi32, #tpu.memory_space<vmem>>
      %dma_start3A_313 = tpu.memref_squeeze %dma_start3A_312 : memref<1x128xi32, #tpu.memory_space<vmem>> -> memref<128xi32, #tpu.memory_space<vmem>>
      %dma_start3A_314 = arith.constant 0 : i32
      %dma_start3A_315 = arith.constant 0 : i32
      %dma_start3A_316 = tpu.memref_slice %arg18[%dma_start3A_314, %dma_start3A_315] : memref<10240x64xbf16, #tpu.memory_space<vmem_shared>> -> memref<10240x64xbf16, #tpu.memory_space<vmem_shared>>
      tpu.enqueue_indirect_dma source(%arg10 : memref<128x64xbf16, #tpu.memory_space<vmem>>) target(%dma_start3A_316 : memref<10240x64xbf16, #tpu.memory_space<vmem_shared>>) offsets(%dma_start3A_313 : memref<128xi32, #tpu.memory_space<vmem>>) semaphore(%arg32 : memref<!tpu.dma_semaphore, #tpu.memory_space<semaphore_mem>>) {add = true}
      %add3A_317 = arith.constant 10 : i32
      %add3A_318 = arith.addi %add3A_304, %add3A_317 : i32
      %sub3A_319 = arith.constant 1 : i32
      %sub3A_320 = arith.subi %add3A_318, %sub3A_319 : i32
      %lt3A_321 = arith.cmpi slt, %sub3A_320, %select_n3A : i32
      %gt3A_322 = arith.constant 0 : i32
      %gt3A_323 = arith.cmpi sgt, %add3A_304, %gt3A_322 : i32
      %and3A_324 = arith.andi %lt3A_321, %gt3A_323 : i1
      %convert_element_type3A_325 = arith.extui %and3A_324 : i1 to i32
      %cond3A_326 = arith.constant 0 : i32
      %cond3A_327 = arith.cmpi ne, %convert_element_type3A_325, %cond3A_326 : i32
      scf.if %cond3A_327 {
        %dma_wait3A_491 = arith.constant 0 : i32
        %dma_wait3A_492 = arith.constant 0 : i32
        %dma_wait3A_493 = tpu.memref_slice %arg6[%dma_wait3A_491, %dma_wait3A_492] : memref<80x128xi32, #tpu.memory_space<vmem>> -> memref<1x128xi32, #tpu.memory_space<vmem>>
        %dma_wait3A_494 = tpu.memref_squeeze %dma_wait3A_493 : memref<1x128xi32, #tpu.memory_space<vmem>> -> memref<128xi32, #tpu.memory_space<vmem>>
        %dma_wait3A_495 = arith.constant 0 : i32
        %dma_wait3A_496 = arith.constant 0 : i32
        %dma_wait3A_497 = tpu.memref_slice %arg18[%dma_wait3A_495, %dma_wait3A_496] : memref<10240x64xbf16, #tpu.memory_space<vmem_shared>> -> memref<10240x64xbf16, #tpu.memory_space<vmem_shared>>
        tpu.wait_indirect_dma semaphore(%arg31 : memref<!tpu.dma_semaphore, #tpu.memory_space<semaphore_mem>>) src(%arg9 : memref<128x64xbf16, #tpu.memory_space<vmem>>) dst(%dma_wait3A_497 : memref<10240x64xbf16, #tpu.memory_space<vmem_shared>>)
        %add3A_498 = arith.constant 10 : i32
        %add3A_499 = arith.addi %add3A_304, %add3A_498 : i32
        %sub3A_500 = arith.constant 1 : i32
        %sub3A_501 = arith.subi %add3A_499, %sub3A_500 : i32
        %dma_start3A_502 = arith.constant 0 : i32
        %dma_start3A_503 = tpu.memref_slice %arg5[%sub3A_501, %dma_start3A_502] : memref<80x128xi32, #tpu.memory_space<vmem>> -> memref<1x128xi32, #tpu.memory_space<vmem>>
        %dma_start3A_504 = tpu.memref_squeeze %dma_start3A_503 : memref<1x128xi32, #tpu.memory_space<vmem>> -> memref<128xi32, #tpu.memory_space<vmem>>
        %dma_start3A_505 = arith.constant 0 : i32
        %dma_start3A_506 = arith.constant 0 : i32
        %dma_start3A_507 = tpu.memref_slice %arg2[%dma_start3A_505, %dma_start3A_506] : memref<10240x64xbf16, #tpu.memory_space<hbm>> -> memref<10240x64xbf16, #tpu.memory_space<hbm>>
        tpu.enqueue_indirect_dma source(%dma_start3A_507 : memref<10240x64xbf16, #tpu.memory_space<hbm>>) target(%arg9 : memref<128x64xbf16, #tpu.memory_space<vmem>>) offsets(%dma_start3A_504 : memref<128xi32, #tpu.memory_space<vmem>>) semaphore(%arg21 : memref<!tpu.dma_semaphore, #tpu.memory_space<semaphore_mem>>)
      } else {
      }
      %mul3A_328 = arith.constant 10 : i32
      %mul3A_329 = arith.muli %mul3A_328, %while3A_214 : i32
      %add3A_330 = arith.constant 4 : i32
      %add3A_331 = arith.addi %mul3A_329, %add3A_330 : i32
      %dma_wait3A_332 = arith.constant 0 : i32
      %dma_wait3A_333 = tpu.memref_slice %arg5[%add3A_331, %dma_wait3A_332] : memref<80x128xi32, #tpu.memory_space<vmem>> -> memref<1x128xi32, #tpu.memory_space<vmem>>
      %dma_wait3A_334 = tpu.memref_squeeze %dma_wait3A_333 : memref<1x128xi32, #tpu.memory_space<vmem>> -> memref<128xi32, #tpu.memory_space<vmem>>
      %dma_wait3A_335 = arith.constant 0 : i32
      %dma_wait3A_336 = arith.constant 0 : i32
      %dma_wait3A_337 = tpu.memref_slice %arg2[%dma_wait3A_335, %dma_wait3A_336] : memref<10240x64xbf16, #tpu.memory_space<hbm>> -> memref<10240x64xbf16, #tpu.memory_space<hbm>>
      tpu.wait_indirect_dma semaphore(%arg23 : memref<!tpu.dma_semaphore, #tpu.memory_space<semaphore_mem>>) src(%dma_wait3A_337 : memref<10240x64xbf16, #tpu.memory_space<hbm>>) dst(%arg11 : memref<128x64xbf16, #tpu.memory_space<vmem>>)
      %dma_start3A_338 = arith.constant 0 : i32
      %dma_start3A_339 = tpu.memref_slice %arg6[%add3A_331, %dma_start3A_338] : memref<80x128xi32, #tpu.memory_space<vmem>> -> memref<1x128xi32, #tpu.memory_space<vmem>>
      %dma_start3A_340 = tpu.memref_squeeze %dma_start3A_339 : memref<1x128xi32, #tpu.memory_space<vmem>> -> memref<128xi32, #tpu.memory_space<vmem>>
      %dma_start3A_341 = arith.constant 0 : i32
      %dma_start3A_342 = arith.constant 0 : i32
      %dma_start3A_343 = tpu.memref_slice %arg18[%dma_start3A_341, %dma_start3A_342] : memref<10240x64xbf16, #tpu.memory_space<vmem_shared>> -> memref<10240x64xbf16, #tpu.memory_space<vmem_shared>>
      tpu.enqueue_indirect_dma source(%arg11 : memref<128x64xbf16, #tpu.memory_space<vmem>>) target(%dma_start3A_343 : memref<10240x64xbf16, #tpu.memory_space<vmem_shared>>) offsets(%dma_start3A_340 : memref<128xi32, #tpu.memory_space<vmem>>) semaphore(%arg33 : memref<!tpu.dma_semaphore, #tpu.memory_space<semaphore_mem>>) {add = true}
      %add3A_344 = arith.constant 10 : i32
      %add3A_345 = arith.addi %add3A_331, %add3A_344 : i32
      %sub3A_346 = arith.constant 1 : i32
      %sub3A_347 = arith.subi %add3A_345, %sub3A_346 : i32
      %lt3A_348 = arith.cmpi slt, %sub3A_347, %select_n3A : i32
      %gt3A_349 = arith.constant 0 : i32
      %gt3A_350 = arith.cmpi sgt, %add3A_331, %gt3A_349 : i32
      %and3A_351 = arith.andi %lt3A_348, %gt3A_350 : i1
      %convert_element_type3A_352 = arith.extui %and3A_351 : i1 to i32
      %cond3A_353 = arith.constant 0 : i32
      %cond3A_354 = arith.cmpi ne, %convert_element_type3A_352, %cond3A_353 : i32
      scf.if %cond3A_354 {
        %dma_wait3A_491 = arith.constant 0 : i32
        %dma_wait3A_492 = arith.constant 0 : i32
        %dma_wait3A_493 = tpu.memref_slice %arg6[%dma_wait3A_491, %dma_wait3A_492] : memref<80x128xi32, #tpu.memory_space<vmem>> -> memref<1x128xi32, #tpu.memory_space<vmem>>
        %dma_wait3A_494 = tpu.memref_squeeze %dma_wait3A_493 : memref<1x128xi32, #tpu.memory_space<vmem>> -> memref<128xi32, #tpu.memory_space<vmem>>
        %dma_wait3A_495 = arith.constant 0 : i32
        %dma_wait3A_496 = arith.constant 0 : i32
        %dma_wait3A_497 = tpu.memref_slice %arg18[%dma_wait3A_495, %dma_wait3A_496] : memref<10240x64xbf16, #tpu.memory_space<vmem_shared>> -> memref<10240x64xbf16, #tpu.memory_space<vmem_shared>>
        tpu.wait_indirect_dma semaphore(%arg32 : memref<!tpu.dma_semaphore, #tpu.memory_space<semaphore_mem>>) src(%arg10 : memref<128x64xbf16, #tpu.memory_space<vmem>>) dst(%dma_wait3A_497 : memref<10240x64xbf16, #tpu.memory_space<vmem_shared>>)
        %add3A_498 = arith.constant 10 : i32
        %add3A_499 = arith.addi %add3A_331, %add3A_498 : i32
        %sub3A_500 = arith.constant 1 : i32
        %sub3A_501 = arith.subi %add3A_499, %sub3A_500 : i32
        %dma_start3A_502 = arith.constant 0 : i32
        %dma_start3A_503 = tpu.memref_slice %arg5[%sub3A_501, %dma_start3A_502] : memref<80x128xi32, #tpu.memory_space<vmem>> -> memref<1x128xi32, #tpu.memory_space<vmem>>
        %dma_start3A_504 = tpu.memref_squeeze %dma_start3A_503 : memref<1x128xi32, #tpu.memory_space<vmem>> -> memref<128xi32, #tpu.memory_space<vmem>>
        %dma_start3A_505 = arith.constant 0 : i32
        %dma_start3A_506 = arith.constant 0 : i32
        %dma_start3A_507 = tpu.memref_slice %arg2[%dma_start3A_505, %dma_start3A_506] : memref<10240x64xbf16, #tpu.memory_space<hbm>> -> memref<10240x64xbf16, #tpu.memory_space<hbm>>
        tpu.enqueue_indirect_dma source(%dma_start3A_507 : memref<10240x64xbf16, #tpu.memory_space<hbm>>) target(%arg10 : memref<128x64xbf16, #tpu.memory_space<vmem>>) offsets(%dma_start3A_504 : memref<128xi32, #tpu.memory_space<vmem>>) semaphore(%arg22 : memref<!tpu.dma_semaphore, #tpu.memory_space<semaphore_mem>>)
      } else {
      }
      %mul3A_355 = arith.constant 10 : i32
      %mul3A_356 = arith.muli %mul3A_355, %while3A_214 : i32
      %add3A_357 = arith.constant 5 : i32
      %add3A_358 = arith.addi %mul3A_356, %add3A_357 : i32
      %dma_wait3A_359 = arith.constant 0 : i32
      %dma_wait3A_360 = tpu.memref_slice %arg5[%add3A_358, %dma_wait3A_359] : memref<80x128xi32, #tpu.memory_space<vmem>> -> memref<1x128xi32, #tpu.memory_space<vmem>>
      %dma_wait3A_361 = tpu.memref_squeeze %dma_wait3A_360 : memref<1x128xi32, #tpu.memory_space<vmem>> -> memref<128xi32, #tpu.memory_space<vmem>>
      %dma_wait3A_362 = arith.constant 0 : i32
      %dma_wait3A_363 = arith.constant 0 : i32
      %dma_wait3A_364 = tpu.memref_slice %arg2[%dma_wait3A_362, %dma_wait3A_363] : memref<10240x64xbf16, #tpu.memory_space<hbm>> -> memref<10240x64xbf16, #tpu.memory_space<hbm>>
      tpu.wait_indirect_dma semaphore(%arg24 : memref<!tpu.dma_semaphore, #tpu.memory_space<semaphore_mem>>) src(%dma_wait3A_364 : memref<10240x64xbf16, #tpu.memory_space<hbm>>) dst(%arg12 : memref<128x64xbf16, #tpu.memory_space<vmem>>)
      %dma_start3A_365 = arith.constant 0 : i32
      %dma_start3A_366 = tpu.memref_slice %arg6[%add3A_358, %dma_start3A_365] : memref<80x128xi32, #tpu.memory_space<vmem>> -> memref<1x128xi32, #tpu.memory_space<vmem>>
      %dma_start3A_367 = tpu.memref_squeeze %dma_start3A_366 : memref<1x128xi32, #tpu.memory_space<vmem>> -> memref<128xi32, #tpu.memory_space<vmem>>
      %dma_start3A_368 = arith.constant 0 : i32
      %dma_start3A_369 = arith.constant 0 : i32
      %dma_start3A_370 = tpu.memref_slice %arg18[%dma_start3A_368, %dma_start3A_369] : memref<10240x64xbf16, #tpu.memory_space<vmem_shared>> -> memref<10240x64xbf16, #tpu.memory_space<vmem_shared>>
      tpu.enqueue_indirect_dma source(%arg12 : memref<128x64xbf16, #tpu.memory_space<vmem>>) target(%dma_start3A_370 : memref<10240x64xbf16, #tpu.memory_space<vmem_shared>>) offsets(%dma_start3A_367 : memref<128xi32, #tpu.memory_space<vmem>>) semaphore(%arg34 : memref<!tpu.dma_semaphore, #tpu.memory_space<semaphore_mem>>) {add = true}
      %add3A_371 = arith.constant 10 : i32
      %add3A_372 = arith.addi %add3A_358, %add3A_371 : i32
      %sub3A_373 = arith.constant 1 : i32
      %sub3A_374 = arith.subi %add3A_372, %sub3A_373 : i32
      %lt3A_375 = arith.cmpi slt, %sub3A_374, %select_n3A : i32
      %gt3A_376 = arith.constant 0 : i32
      %gt3A_377 = arith.cmpi sgt, %add3A_358, %gt3A_376 : i32
      %and3A_378 = arith.andi %lt3A_375, %gt3A_377 : i1
      %convert_element_type3A_379 = arith.extui %and3A_378 : i1 to i32
      %cond3A_380 = arith.constant 0 : i32
      %cond3A_381 = arith.cmpi ne, %convert_element_type3A_379, %cond3A_380 : i32
      scf.if %cond3A_381 {
        %dma_wait3A_491 = arith.constant 0 : i32
        %dma_wait3A_492 = arith.constant 0 : i32
        %dma_wait3A_493 = tpu.memref_slice %arg6[%dma_wait3A_491, %dma_wait3A_492] : memref<80x128xi32, #tpu.memory_space<vmem>> -> memref<1x128xi32, #tpu.memory_space<vmem>>
        %dma_wait3A_494 = tpu.memref_squeeze %dma_wait3A_493 : memref<1x128xi32, #tpu.memory_space<vmem>> -> memref<128xi32, #tpu.memory_space<vmem>>
        %dma_wait3A_495 = arith.constant 0 : i32
        %dma_wait3A_496 = arith.constant 0 : i32
        %dma_wait3A_497 = tpu.memref_slice %arg18[%dma_wait3A_495, %dma_wait3A_496] : memref<10240x64xbf16, #tpu.memory_space<vmem_shared>> -> memref<10240x64xbf16, #tpu.memory_space<vmem_shared>>
        tpu.wait_indirect_dma semaphore(%arg33 : memref<!tpu.dma_semaphore, #tpu.memory_space<semaphore_mem>>) src(%arg11 : memref<128x64xbf16, #tpu.memory_space<vmem>>) dst(%dma_wait3A_497 : memref<10240x64xbf16, #tpu.memory_space<vmem_shared>>)
        %add3A_498 = arith.constant 10 : i32
        %add3A_499 = arith.addi %add3A_358, %add3A_498 : i32
        %sub3A_500 = arith.constant 1 : i32
        %sub3A_501 = arith.subi %add3A_499, %sub3A_500 : i32
        %dma_start3A_502 = arith.constant 0 : i32
        %dma_start3A_503 = tpu.memref_slice %arg5[%sub3A_501, %dma_start3A_502] : memref<80x128xi32, #tpu.memory_space<vmem>> -> memref<1x128xi32, #tpu.memory_space<vmem>>
        %dma_start3A_504 = tpu.memref_squeeze %dma_start3A_503 : memref<1x128xi32, #tpu.memory_space<vmem>> -> memref<128xi32, #tpu.memory_space<vmem>>
        %dma_start3A_505 = arith.constant 0 : i32
        %dma_start3A_506 = arith.constant 0 : i32
        %dma_start3A_507 = tpu.memref_slice %arg2[%dma_start3A_505, %dma_start3A_506] : memref<10240x64xbf16, #tpu.memory_space<hbm>> -> memref<10240x64xbf16, #tpu.memory_space<hbm>>
        tpu.enqueue_indirect_dma source(%dma_start3A_507 : memref<10240x64xbf16, #tpu.memory_space<hbm>>) target(%arg11 : memref<128x64xbf16, #tpu.memory_space<vmem>>) offsets(%dma_start3A_504 : memref<128xi32, #tpu.memory_space<vmem>>) semaphore(%arg23 : memref<!tpu.dma_semaphore, #tpu.memory_space<semaphore_mem>>)
      } else {
      }
      %mul3A_382 = arith.constant 10 : i32
      %mul3A_383 = arith.muli %mul3A_382, %while3A_214 : i32
      %add3A_384 = arith.constant 6 : i32
      %add3A_385 = arith.addi %mul3A_383, %add3A_384 : i32
      %dma_wait3A_386 = arith.constant 0 : i32
      %dma_wait3A_387 = tpu.memref_slice %arg5[%add3A_385, %dma_wait3A_386] : memref<80x128xi32, #tpu.memory_space<vmem>> -> memref<1x128xi32, #tpu.memory_space<vmem>>
      %dma_wait3A_388 = tpu.memref_squeeze %dma_wait3A_387 : memref<1x128xi32, #tpu.memory_space<vmem>> -> memref<128xi32, #tpu.memory_space<vmem>>
      %dma_wait3A_389 = arith.constant 0 : i32
      %dma_wait3A_390 = arith.constant 0 : i32
      %dma_wait3A_391 = tpu.memref_slice %arg2[%dma_wait3A_389, %dma_wait3A_390] : memref<10240x64xbf16, #tpu.memory_space<hbm>> -> memref<10240x64xbf16, #tpu.memory_space<hbm>>
      tpu.wait_indirect_dma semaphore(%arg25 : memref<!tpu.dma_semaphore, #tpu.memory_space<semaphore_mem>>) src(%dma_wait3A_391 : memref<10240x64xbf16, #tpu.memory_space<hbm>>) dst(%arg13 : memref<128x64xbf16, #tpu.memory_space<vmem>>)
      %dma_start3A_392 = arith.constant 0 : i32
      %dma_start3A_393 = tpu.memref_slice %arg6[%add3A_385, %dma_start3A_392] : memref<80x128xi32, #tpu.memory_space<vmem>> -> memref<1x128xi32, #tpu.memory_space<vmem>>
      %dma_start3A_394 = tpu.memref_squeeze %dma_start3A_393 : memref<1x128xi32, #tpu.memory_space<vmem>> -> memref<128xi32, #tpu.memory_space<vmem>>
      %dma_start3A_395 = arith.constant 0 : i32
      %dma_start3A_396 = arith.constant 0 : i32
      %dma_start3A_397 = tpu.memref_slice %arg18[%dma_start3A_395, %dma_start3A_396] : memref<10240x64xbf16, #tpu.memory_space<vmem_shared>> -> memref<10240x64xbf16, #tpu.memory_space<vmem_shared>>
      tpu.enqueue_indirect_dma source(%arg13 : memref<128x64xbf16, #tpu.memory_space<vmem>>) target(%dma_start3A_397 : memref<10240x64xbf16, #tpu.memory_space<vmem_shared>>) offsets(%dma_start3A_394 : memref<128xi32, #tpu.memory_space<vmem>>) semaphore(%arg35 : memref<!tpu.dma_semaphore, #tpu.memory_space<semaphore_mem>>) {add = true}
      %add3A_398 = arith.constant 10 : i32
      %add3A_399 = arith.addi %add3A_385, %add3A_398 : i32
      %sub3A_400 = arith.constant 1 : i32
      %sub3A_401 = arith.subi %add3A_399, %sub3A_400 : i32
      %lt3A_402 = arith.cmpi slt, %sub3A_401, %select_n3A : i32
      %gt3A_403 = arith.constant 0 : i32
      %gt3A_404 = arith.cmpi sgt, %add3A_385, %gt3A_403 : i32
      %and3A_405 = arith.andi %lt3A_402, %gt3A_404 : i1
      %convert_element_type3A_406 = arith.extui %and3A_405 : i1 to i32
      %cond3A_407 = arith.constant 0 : i32
      %cond3A_408 = arith.cmpi ne, %convert_element_type3A_406, %cond3A_407 : i32
      scf.if %cond3A_408 {
        %dma_wait3A_491 = arith.constant 0 : i32
        %dma_wait3A_492 = arith.constant 0 : i32
        %dma_wait3A_493 = tpu.memref_slice %arg6[%dma_wait3A_491, %dma_wait3A_492] : memref<80x128xi32, #tpu.memory_space<vmem>> -> memref<1x128xi32, #tpu.memory_space<vmem>>
        %dma_wait3A_494 = tpu.memref_squeeze %dma_wait3A_493 : memref<1x128xi32, #tpu.memory_space<vmem>> -> memref<128xi32, #tpu.memory_space<vmem>>
        %dma_wait3A_495 = arith.constant 0 : i32
        %dma_wait3A_496 = arith.constant 0 : i32
        %dma_wait3A_497 = tpu.memref_slice %arg18[%dma_wait3A_495, %dma_wait3A_496] : memref<10240x64xbf16, #tpu.memory_space<vmem_shared>> -> memref<10240x64xbf16, #tpu.memory_space<vmem_shared>>
        tpu.wait_indirect_dma semaphore(%arg34 : memref<!tpu.dma_semaphore, #tpu.memory_space<semaphore_mem>>) src(%arg12 : memref<128x64xbf16, #tpu.memory_space<vmem>>) dst(%dma_wait3A_497 : memref<10240x64xbf16, #tpu.memory_space<vmem_shared>>)
        %add3A_498 = arith.constant 10 : i32
        %add3A_499 = arith.addi %add3A_385, %add3A_498 : i32
        %sub3A_500 = arith.constant 1 : i32
        %sub3A_501 = arith.subi %add3A_499, %sub3A_500 : i32
        %dma_start3A_502 = arith.constant 0 : i32
        %dma_start3A_503 = tpu.memref_slice %arg5[%sub3A_501, %dma_start3A_502] : memref<80x128xi32, #tpu.memory_space<vmem>> -> memref<1x128xi32, #tpu.memory_space<vmem>>
        %dma_start3A_504 = tpu.memref_squeeze %dma_start3A_503 : memref<1x128xi32, #tpu.memory_space<vmem>> -> memref<128xi32, #tpu.memory_space<vmem>>
        %dma_start3A_505 = arith.constant 0 : i32
        %dma_start3A_506 = arith.constant 0 : i32
        %dma_start3A_507 = tpu.memref_slice %arg2[%dma_start3A_505, %dma_start3A_506] : memref<10240x64xbf16, #tpu.memory_space<hbm>> -> memref<10240x64xbf16, #tpu.memory_space<hbm>>
        tpu.enqueue_indirect_dma source(%dma_start3A_507 : memref<10240x64xbf16, #tpu.memory_space<hbm>>) target(%arg12 : memref<128x64xbf16, #tpu.memory_space<vmem>>) offsets(%dma_start3A_504 : memref<128xi32, #tpu.memory_space<vmem>>) semaphore(%arg24 : memref<!tpu.dma_semaphore, #tpu.memory_space<semaphore_mem>>)
      } else {
      }
      %mul3A_409 = arith.constant 10 : i32
      %mul3A_410 = arith.muli %mul3A_409, %while3A_214 : i32
      %add3A_411 = arith.constant 7 : i32
      %add3A_412 = arith.addi %mul3A_410, %add3A_411 : i32
      %dma_wait3A_413 = arith.constant 0 : i32
      %dma_wait3A_414 = tpu.memref_slice %arg5[%add3A_412, %dma_wait3A_413] : memref<80x128xi32, #tpu.memory_space<vmem>> -> memref<1x128xi32, #tpu.memory_space<vmem>>
      %dma_wait3A_415 = tpu.memref_squeeze %dma_wait3A_414 : memref<1x128xi32, #tpu.memory_space<vmem>> -> memref<128xi32, #tpu.memory_space<vmem>>
      %dma_wait3A_416 = arith.constant 0 : i32
      %dma_wait3A_417 = arith.constant 0 : i32
      %dma_wait3A_418 = tpu.memref_slice %arg2[%dma_wait3A_416, %dma_wait3A_417] : memref<10240x64xbf16, #tpu.memory_space<hbm>> -> memref<10240x64xbf16, #tpu.memory_space<hbm>>
      tpu.wait_indirect_dma semaphore(%arg26 : memref<!tpu.dma_semaphore, #tpu.memory_space<semaphore_mem>>) src(%dma_wait3A_418 : memref<10240x64xbf16, #tpu.memory_space<hbm>>) dst(%arg14 : memref<128x64xbf16, #tpu.memory_space<vmem>>)
      %dma_start3A_419 = arith.constant 0 : i32
      %dma_start3A_420 = tpu.memref_slice %arg6[%add3A_412, %dma_start3A_419] : memref<80x128xi32, #tpu.memory_space<vmem>> -> memref<1x128xi32, #tpu.memory_space<vmem>>
      %dma_start3A_421 = tpu.memref_squeeze %dma_start3A_420 : memref<1x128xi32, #tpu.memory_space<vmem>> -> memref<128xi32, #tpu.memory_space<vmem>>
      %dma_start3A_422 = arith.constant 0 : i32
      %dma_start3A_423 = arith.constant 0 : i32
      %dma_start3A_424 = tpu.memref_slice %arg18[%dma_start3A_422, %dma_start3A_423] : memref<10240x64xbf16, #tpu.memory_space<vmem_shared>> -> memref<10240x64xbf16, #tpu.memory_space<vmem_shared>>
      tpu.enqueue_indirect_dma source(%arg14 : memref<128x64xbf16, #tpu.memory_space<vmem>>) target(%dma_start3A_424 : memref<10240x64xbf16, #tpu.memory_space<vmem_shared>>) offsets(%dma_start3A_421 : memref<128xi32, #tpu.memory_space<vmem>>) semaphore(%arg36 : memref<!tpu.dma_semaphore, #tpu.memory_space<semaphore_mem>>) {add = true}
      %add3A_425 = arith.constant 10 : i32
      %add3A_426 = arith.addi %add3A_412, %add3A_425 : i32
      %sub3A_427 = arith.constant 1 : i32
      %sub3A_428 = arith.subi %add3A_426, %sub3A_427 : i32
      %lt3A_429 = arith.cmpi slt, %sub3A_428, %select_n3A : i32
      %gt3A_430 = arith.constant 0 : i32
      %gt3A_431 = arith.cmpi sgt, %add3A_412, %gt3A_430 : i32
      %and3A_432 = arith.andi %lt3A_429, %gt3A_431 : i1
      %convert_element_type3A_433 = arith.extui %and3A_432 : i1 to i32
      %cond3A_434 = arith.constant 0 : i32
      %cond3A_435 = arith.cmpi ne, %convert_element_type3A_433, %cond3A_434 : i32
      scf.if %cond3A_435 {
        %dma_wait3A_491 = arith.constant 0 : i32
        %dma_wait3A_492 = arith.constant 0 : i32
        %dma_wait3A_493 = tpu.memref_slice %arg6[%dma_wait3A_491, %dma_wait3A_492] : memref<80x128xi32, #tpu.memory_space<vmem>> -> memref<1x128xi32, #tpu.memory_space<vmem>>
        %dma_wait3A_494 = tpu.memref_squeeze %dma_wait3A_493 : memref<1x128xi32, #tpu.memory_space<vmem>> -> memref<128xi32, #tpu.memory_space<vmem>>
        %dma_wait3A_495 = arith.constant 0 : i32
        %dma_wait3A_496 = arith.constant 0 : i32
        %dma_wait3A_497 = tpu.memref_slice %arg18[%dma_wait3A_495, %dma_wait3A_496] : memref<10240x64xbf16, #tpu.memory_space<vmem_shared>> -> memref<10240x64xbf16, #tpu.memory_space<vmem_shared>>
        tpu.wait_indirect_dma semaphore(%arg35 : memref<!tpu.dma_semaphore, #tpu.memory_space<semaphore_mem>>) src(%arg13 : memref<128x64xbf16, #tpu.memory_space<vmem>>) dst(%dma_wait3A_497 : memref<10240x64xbf16, #tpu.memory_space<vmem_shared>>)
        %add3A_498 = arith.constant 10 : i32
        %add3A_499 = arith.addi %add3A_412, %add3A_498 : i32
        %sub3A_500 = arith.constant 1 : i32
        %sub3A_501 = arith.subi %add3A_499, %sub3A_500 : i32
        %dma_start3A_502 = arith.constant 0 : i32
        %dma_start3A_503 = tpu.memref_slice %arg5[%sub3A_501, %dma_start3A_502] : memref<80x128xi32, #tpu.memory_space<vmem>> -> memref<1x128xi32, #tpu.memory_space<vmem>>
        %dma_start3A_504 = tpu.memref_squeeze %dma_start3A_503 : memref<1x128xi32, #tpu.memory_space<vmem>> -> memref<128xi32, #tpu.memory_space<vmem>>
        %dma_start3A_505 = arith.constant 0 : i32
        %dma_start3A_506 = arith.constant 0 : i32
        %dma_start3A_507 = tpu.memref_slice %arg2[%dma_start3A_505, %dma_start3A_506] : memref<10240x64xbf16, #tpu.memory_space<hbm>> -> memref<10240x64xbf16, #tpu.memory_space<hbm>>
        tpu.enqueue_indirect_dma source(%dma_start3A_507 : memref<10240x64xbf16, #tpu.memory_space<hbm>>) target(%arg13 : memref<128x64xbf16, #tpu.memory_space<vmem>>) offsets(%dma_start3A_504 : memref<128xi32, #tpu.memory_space<vmem>>) semaphore(%arg25 : memref<!tpu.dma_semaphore, #tpu.memory_space<semaphore_mem>>)
      } else {
      }
      %mul3A_436 = arith.constant 10 : i32
      %mul3A_437 = arith.muli %mul3A_436, %while3A_214 : i32
      %add3A_438 = arith.constant 8 : i32
      %add3A_439 = arith.addi %mul3A_437, %add3A_438 : i32
      %dma_wait3A_440 = arith.constant 0 : i32
      %dma_wait3A_441 = tpu.memref_slice %arg5[%add3A_439, %dma_wait3A_440] : memref<80x128xi32, #tpu.memory_space<vmem>> -> memref<1x128xi32, #tpu.memory_space<vmem>>
      %dma_wait3A_442 = tpu.memref_squeeze %dma_wait3A_441 : memref<1x128xi32, #tpu.memory_space<vmem>> -> memref<128xi32, #tpu.memory_space<vmem>>
      %dma_wait3A_443 = arith.constant 0 : i32
      %dma_wait3A_444 = arith.constant 0 : i32
      %dma_wait3A_445 = tpu.memref_slice %arg2[%dma_wait3A_443, %dma_wait3A_444] : memref<10240x64xbf16, #tpu.memory_space<hbm>> -> memref<10240x64xbf16, #tpu.memory_space<hbm>>
      tpu.wait_indirect_dma semaphore(%arg27 : memref<!tpu.dma_semaphore, #tpu.memory_space<semaphore_mem>>) src(%dma_wait3A_445 : memref<10240x64xbf16, #tpu.memory_space<hbm>>) dst(%arg15 : memref<128x64xbf16, #tpu.memory_space<vmem>>)
      %dma_start3A_446 = arith.constant 0 : i32
      %dma_start3A_447 = tpu.memref_slice %arg6[%add3A_439, %dma_start3A_446] : memref<80x128xi32, #tpu.memory_space<vmem>> -> memref<1x128xi32, #tpu.memory_space<vmem>>
      %dma_start3A_448 = tpu.memref_squeeze %dma_start3A_447 : memref<1x128xi32, #tpu.memory_space<vmem>> -> memref<128xi32, #tpu.memory_space<vmem>>
      %dma_start3A_449 = arith.constant 0 : i32
      %dma_start3A_450 = arith.constant 0 : i32
      %dma_start3A_451 = tpu.memref_slice %arg18[%dma_start3A_449, %dma_start3A_450] : memref<10240x64xbf16, #tpu.memory_space<vmem_shared>> -> memref<10240x64xbf16, #tpu.memory_space<vmem_shared>>
      tpu.enqueue_indirect_dma source(%arg15 : memref<128x64xbf16, #tpu.memory_space<vmem>>) target(%dma_start3A_451 : memref<10240x64xbf16, #tpu.memory_space<vmem_shared>>) offsets(%dma_start3A_448 : memref<128xi32, #tpu.memory_space<vmem>>) semaphore(%arg37 : memref<!tpu.dma_semaphore, #tpu.memory_space<semaphore_mem>>) {add = true}
      %add3A_452 = arith.constant 10 : i32
      %add3A_453 = arith.addi %add3A_439, %add3A_452 : i32
      %sub3A_454 = arith.constant 1 : i32
      %sub3A_455 = arith.subi %add3A_453, %sub3A_454 : i32
      %lt3A_456 = arith.cmpi slt, %sub3A_455, %select_n3A : i32
      %gt3A_457 = arith.constant 0 : i32
      %gt3A_458 = arith.cmpi sgt, %add3A_439, %gt3A_457 : i32
      %and3A_459 = arith.andi %lt3A_456, %gt3A_458 : i1
      %convert_element_type3A_460 = arith.extui %and3A_459 : i1 to i32
      %cond3A_461 = arith.constant 0 : i32
      %cond3A_462 = arith.cmpi ne, %convert_element_type3A_460, %cond3A_461 : i32
      scf.if %cond3A_462 {
        %dma_wait3A_491 = arith.constant 0 : i32
        %dma_wait3A_492 = arith.constant 0 : i32
        %dma_wait3A_493 = tpu.memref_slice %arg6[%dma_wait3A_491, %dma_wait3A_492] : memref<80x128xi32, #tpu.memory_space<vmem>> -> memref<1x128xi32, #tpu.memory_space<vmem>>
        %dma_wait3A_494 = tpu.memref_squeeze %dma_wait3A_493 : memref<1x128xi32, #tpu.memory_space<vmem>> -> memref<128xi32, #tpu.memory_space<vmem>>
        %dma_wait3A_495 = arith.constant 0 : i32
        %dma_wait3A_496 = arith.constant 0 : i32
        %dma_wait3A_497 = tpu.memref_slice %arg18[%dma_wait3A_495, %dma_wait3A_496] : memref<10240x64xbf16, #tpu.memory_space<vmem_shared>> -> memref<10240x64xbf16, #tpu.memory_space<vmem_shared>>
        tpu.wait_indirect_dma semaphore(%arg36 : memref<!tpu.dma_semaphore, #tpu.memory_space<semaphore_mem>>) src(%arg14 : memref<128x64xbf16, #tpu.memory_space<vmem>>) dst(%dma_wait3A_497 : memref<10240x64xbf16, #tpu.memory_space<vmem_shared>>)
        %add3A_498 = arith.constant 10 : i32
        %add3A_499 = arith.addi %add3A_439, %add3A_498 : i32
        %sub3A_500 = arith.constant 1 : i32
        %sub3A_501 = arith.subi %add3A_499, %sub3A_500 : i32
        %dma_start3A_502 = arith.constant 0 : i32
        %dma_start3A_503 = tpu.memref_slice %arg5[%sub3A_501, %dma_start3A_502] : memref<80x128xi32, #tpu.memory_space<vmem>> -> memref<1x128xi32, #tpu.memory_space<vmem>>
        %dma_start3A_504 = tpu.memref_squeeze %dma_start3A_503 : memref<1x128xi32, #tpu.memory_space<vmem>> -> memref<128xi32, #tpu.memory_space<vmem>>
        %dma_start3A_505 = arith.constant 0 : i32
        %dma_start3A_506 = arith.constant 0 : i32
        %dma_start3A_507 = tpu.memref_slice %arg2[%dma_start3A_505, %dma_start3A_506] : memref<10240x64xbf16, #tpu.memory_space<hbm>> -> memref<10240x64xbf16, #tpu.memory_space<hbm>>
        tpu.enqueue_indirect_dma source(%dma_start3A_507 : memref<10240x64xbf16, #tpu.memory_space<hbm>>) target(%arg14 : memref<128x64xbf16, #tpu.memory_space<vmem>>) offsets(%dma_start3A_504 : memref<128xi32, #tpu.memory_space<vmem>>) semaphore(%arg26 : memref<!tpu.dma_semaphore, #tpu.memory_space<semaphore_mem>>)
      } else {
      }
      %mul3A_463 = arith.constant 10 : i32
      %mul3A_464 = arith.muli %mul3A_463, %while3A_214 : i32
      %add3A_465 = arith.constant 9 : i32
      %add3A_466 = arith.addi %mul3A_464, %add3A_465 : i32
      %dma_wait3A_467 = arith.constant 0 : i32
      %dma_wait3A_468 = tpu.memref_slice %arg5[%add3A_466, %dma_wait3A_467] : memref<80x128xi32, #tpu.memory_space<vmem>> -> memref<1x128xi32, #tpu.memory_space<vmem>>
      %dma_wait3A_469 = tpu.memref_squeeze %dma_wait3A_468 : memref<1x128xi32, #tpu.memory_space<vmem>> -> memref<128xi32, #tpu.memory_space<vmem>>
      %dma_wait3A_470 = arith.constant 0 : i32
      %dma_wait3A_471 = arith.constant 0 : i32
      %dma_wait3A_472 = tpu.memref_slice %arg2[%dma_wait3A_470, %dma_wait3A_471] : memref<10240x64xbf16, #tpu.memory_space<hbm>> -> memref<10240x64xbf16, #tpu.memory_space<hbm>>
      tpu.wait_indirect_dma semaphore(%arg28 : memref<!tpu.dma_semaphore, #tpu.memory_space<semaphore_mem>>) src(%dma_wait3A_472 : memref<10240x64xbf16, #tpu.memory_space<hbm>>) dst(%arg16 : memref<128x64xbf16, #tpu.memory_space<vmem>>)
      %dma_start3A_473 = arith.constant 0 : i32
      %dma_start3A_474 = tpu.memref_slice %arg6[%add3A_466, %dma_start3A_473] : memref<80x128xi32, #tpu.memory_space<vmem>> -> memref<1x128xi32, #tpu.memory_space<vmem>>
      %dma_start3A_475 = tpu.memref_squeeze %dma_start3A_474 : memref<1x128xi32, #tpu.memory_space<vmem>> -> memref<128xi32, #tpu.memory_space<vmem>>
      %dma_start3A_476 = arith.constant 0 : i32
      %dma_start3A_477 = arith.constant 0 : i32
      %dma_start3A_478 = tpu.memref_slice %arg18[%dma_start3A_476, %dma_start3A_477] : memref<10240x64xbf16, #tpu.memory_space<vmem_shared>> -> memref<10240x64xbf16, #tpu.memory_space<vmem_shared>>
      tpu.enqueue_indirect_dma source(%arg16 : memref<128x64xbf16, #tpu.memory_space<vmem>>) target(%dma_start3A_478 : memref<10240x64xbf16, #tpu.memory_space<vmem_shared>>) offsets(%dma_start3A_475 : memref<128xi32, #tpu.memory_space<vmem>>) semaphore(%arg38 : memref<!tpu.dma_semaphore, #tpu.memory_space<semaphore_mem>>) {add = true}
      %add3A_479 = arith.constant 10 : i32
      %add3A_480 = arith.addi %add3A_466, %add3A_479 : i32
      %sub3A_481 = arith.constant 1 : i32
      %sub3A_482 = arith.subi %add3A_480, %sub3A_481 : i32
      %lt3A_483 = arith.cmpi slt, %sub3A_482, %select_n3A : i32
      %gt3A_484 = arith.constant 0 : i32
      %gt3A_485 = arith.cmpi sgt, %add3A_466, %gt3A_484 : i32
      %and3A_486 = arith.andi %lt3A_483, %gt3A_485 : i1
      %convert_element_type3A_487 = arith.extui %and3A_486 : i1 to i32
      %cond3A_488 = arith.constant 0 : i32
      %cond3A_489 = arith.cmpi ne, %convert_element_type3A_487, %cond3A_488 : i32
      scf.if %cond3A_489 {
        %dma_wait3A_491 = arith.constant 0 : i32
        %dma_wait3A_492 = arith.constant 0 : i32
        %dma_wait3A_493 = tpu.memref_slice %arg6[%dma_wait3A_491, %dma_wait3A_492] : memref<80x128xi32, #tpu.memory_space<vmem>> -> memref<1x128xi32, #tpu.memory_space<vmem>>
        %dma_wait3A_494 = tpu.memref_squeeze %dma_wait3A_493 : memref<1x128xi32, #tpu.memory_space<vmem>> -> memref<128xi32, #tpu.memory_space<vmem>>
        %dma_wait3A_495 = arith.constant 0 : i32
        %dma_wait3A_496 = arith.constant 0 : i32
        %dma_wait3A_497 = tpu.memref_slice %arg18[%dma_wait3A_495, %dma_wait3A_496] : memref<10240x64xbf16, #tpu.memory_space<vmem_shared>> -> memref<10240x64xbf16, #tpu.memory_space<vmem_shared>>
        tpu.wait_indirect_dma semaphore(%arg37 : memref<!tpu.dma_semaphore, #tpu.memory_space<semaphore_mem>>) src(%arg15 : memref<128x64xbf16, #tpu.memory_space<vmem>>) dst(%dma_wait3A_497 : memref<10240x64xbf16, #tpu.memory_space<vmem_shared>>)
        %add3A_498 = arith.constant 10 : i32
        %add3A_499 = arith.addi %add3A_466, %add3A_498 : i32
        %sub3A_500 = arith.constant 1 : i32
        %sub3A_501 = arith.subi %add3A_499, %sub3A_500 : i32
        %dma_start3A_502 = arith.constant 0 : i32
        %dma_start3A_503 = tpu.memref_slice %arg5[%sub3A_501, %dma_start3A_502] : memref<80x128xi32, #tpu.memory_space<vmem>> -> memref<1x128xi32, #tpu.memory_space<vmem>>
        %dma_start3A_504 = tpu.memref_squeeze %dma_start3A_503 : memref<1x128xi32, #tpu.memory_space<vmem>> -> memref<128xi32, #tpu.memory_space<vmem>>
        %dma_start3A_505 = arith.constant 0 : i32
        %dma_start3A_506 = arith.constant 0 : i32
        %dma_start3A_507 = tpu.memref_slice %arg2[%dma_start3A_505, %dma_start3A_506] : memref<10240x64xbf16, #tpu.memory_space<hbm>> -> memref<10240x64xbf16, #tpu.memory_space<hbm>>
        tpu.enqueue_indirect_dma source(%dma_start3A_507 : memref<10240x64xbf16, #tpu.memory_space<hbm>>) target(%arg15 : memref<128x64xbf16, #tpu.memory_space<vmem>>) offsets(%dma_start3A_504 : memref<128xi32, #tpu.memory_space<vmem>>) semaphore(%arg27 : memref<!tpu.dma_semaphore, #tpu.memory_space<semaphore_mem>>)
      } else {
      }
      %while3A_490 = arith.constant 0 : i32
      scf.yield %while3A_490 : i32
    }
    %while3A_136 = arith.constant 1 : i32
    %while3A_137 = scf.for %while3A_214 = %while3A_133 to %while3A_129 step %while3A_136 iter_args(%while3A_215 = %while3A_135) -> (i32)  : i32 {
      %mul3A_216 = arith.constant 10 : i32
      %mul3A_217 = arith.muli %mul3A_216, %while3A_214 : i32
      %add3A_218 = arith.constant 0 : i32
      %add3A_219 = arith.addi %mul3A_217, %add3A_218 : i32
      %dma_wait3A_220 = arith.constant 0 : i32
      %dma_wait3A_221 = tpu.memref_slice %arg5[%add3A_219, %dma_wait3A_220] : memref<80x128xi32, #tpu.memory_space<vmem>> -> memref<1x128xi32, #tpu.memory_space<vmem>>
      %dma_wait3A_222 = tpu.memref_squeeze %dma_wait3A_221 : memref<1x128xi32, #tpu.memory_space<vmem>> -> memref<128xi32, #tpu.memory_space<vmem>>
      %dma_wait3A_223 = arith.constant 0 : i32
      %dma_wait3A_224 = arith.constant 0 : i32
      %dma_wait3A_225 = tpu.memref_slice %arg2[%dma_wait3A_223, %dma_wait3A_224] : memref<10240x64xbf16, #tpu.memory_space<hbm>> -> memref<10240x64xbf16, #tpu.memory_space<hbm>>
      tpu.wait_indirect_dma semaphore(%arg19 : memref<!tpu.dma_semaphore, #tpu.memory_space<semaphore_mem>>) src(%dma_wait3A_225 : memref<10240x64xbf16, #tpu.memory_space<hbm>>) dst(%arg7 : memref<128x64xbf16, #tpu.memory_space<vmem>>)
      %dma_start3A_226 = arith.constant 0 : i32
      %dma_start3A_227 = tpu.memref_slice %arg6[%add3A_219, %dma_start3A_226] : memref<80x128xi32, #tpu.memory_space<vmem>> -> memref<1x128xi32, #tpu.memory_space<vmem>>
      %dma_start3A_228 = tpu.memref_squeeze %dma_start3A_227 : memref<1x128xi32, #tpu.memory_space<vmem>> -> memref<128xi32, #tpu.memory_space<vmem>>
      %dma_start3A_229 = arith.constant 0 : i32
      %dma_start3A_230 = arith.constant 0 : i32
      %dma_start3A_231 = tpu.memref_slice %arg18[%dma_start3A_229, %dma_start3A_230] : memref<10240x64xbf16, #tpu.memory_space<vmem_shared>> -> memref<10240x64xbf16, #tpu.memory_space<vmem_shared>>
      tpu.enqueue_indirect_dma source(%arg7 : memref<128x64xbf16, #tpu.memory_space<vmem>>) target(%dma_start3A_231 : memref<10240x64xbf16, #tpu.memory_space<vmem_shared>>) offsets(%dma_start3A_228 : memref<128xi32, #tpu.memory_space<vmem>>) semaphore(%arg29 : memref<!tpu.dma_semaphore, #tpu.memory_space<semaphore_mem>>) {add = true}
      %add3A_232 = arith.constant 10 : i32
      %add3A_233 = arith.addi %add3A_219, %add3A_232 : i32
      %sub3A_234 = arith.constant 1 : i32
      %sub3A_235 = arith.subi %add3A_233, %sub3A_234 : i32
      %lt3A_236 = arith.cmpi slt, %sub3A_235, %select_n3A : i32
      %gt3A = arith.constant 0 : i32
      %gt3A_237 = arith.cmpi sgt, %add3A_219, %gt3A : i32
      %and3A_238 = arith.andi %lt3A_236, %gt3A_237 : i1
      %convert_element_type3A_239 = arith.extui %and3A_238 : i1 to i32
      %cond3A_240 = arith.constant 0 : i32
      %cond3A_241 = arith.cmpi ne, %convert_element_type3A_239, %cond3A_240 : i32
      scf.if %cond3A_241 {
        %dma_wait3A_491 = arith.constant 0 : i32
        %dma_wait3A_492 = arith.constant 0 : i32
        %dma_wait3A_493 = tpu.memref_slice %arg6[%dma_wait3A_491, %dma_wait3A_492] : memref<80x128xi32, #tpu.memory_space<vmem>> -> memref<1x128xi32, #tpu.memory_space<vmem>>
        %dma_wait3A_494 = tpu.memref_squeeze %dma_wait3A_493 : memref<1x128xi32, #tpu.memory_space<vmem>> -> memref<128xi32, #tpu.memory_space<vmem>>
        %dma_wait3A_495 = arith.constant 0 : i32
        %dma_wait3A_496 = arith.constant 0 : i32
        %dma_wait3A_497 = tpu.memref_slice %arg18[%dma_wait3A_495, %dma_wait3A_496] : memref<10240x64xbf16, #tpu.memory_space<vmem_shared>> -> memref<10240x64xbf16, #tpu.memory_space<vmem_shared>>
        tpu.wait_indirect_dma semaphore(%arg38 : memref<!tpu.dma_semaphore, #tpu.memory_space<semaphore_mem>>) src(%arg16 : memref<128x64xbf16, #tpu.memory_space<vmem>>) dst(%dma_wait3A_497 : memref<10240x64xbf16, #tpu.memory_space<vmem_shared>>)
        %add3A_498 = arith.constant 10 : i32
        %add3A_499 = arith.addi %add3A_219, %add3A_498 : i32
        %sub3A_500 = arith.constant 1 : i32
        %sub3A_501 = arith.subi %add3A_499, %sub3A_500 : i32
        %dma_start3A_502 = arith.constant 0 : i32
        %dma_start3A_503 = tpu.memref_slice %arg5[%sub3A_501, %dma_start3A_502] : memref<80x128xi32, #tpu.memory_space<vmem>> -> memref<1x128xi32, #tpu.memory_space<vmem>>
        %dma_start3A_504 = tpu.memref_squeeze %dma_start3A_503 : memref<1x128xi32, #tpu.memory_space<vmem>> -> memref<128xi32, #tpu.memory_space<vmem>>
        %dma_start3A_505 = arith.constant 0 : i32
        %dma_start3A_506 = arith.constant 0 : i32
        %dma_start3A_507 = tpu.memref_slice %arg2[%dma_start3A_505, %dma_start3A_506] : memref<10240x64xbf16, #tpu.memory_space<hbm>> -> memref<10240x64xbf16, #tpu.memory_space<hbm>>
        tpu.enqueue_indirect_dma source(%dma_start3A_507 : memref<10240x64xbf16, #tpu.memory_space<hbm>>) target(%arg16 : memref<128x64xbf16, #tpu.memory_space<vmem>>) offsets(%dma_start3A_504 : memref<128xi32, #tpu.memory_space<vmem>>) semaphore(%arg28 : memref<!tpu.dma_semaphore, #tpu.memory_space<semaphore_mem>>)
      } else {
      }
      %eq3A_242 = arith.constant 0 : i32
      %eq3A_243 = arith.cmpi eq, %add3A_219, %eq3A_242 : i32
      %convert_element_type3A_244 = arith.extui %eq3A_243 : i1 to i32
      %cond3A_245 = arith.constant 0 : i32
      %cond3A_246 = arith.cmpi ne, %convert_element_type3A_244, %cond3A_245 : i32
      scf.if %cond3A_246 {
        %dma_start3A_491 = arith.constant 9 : i32
        %dma_start3A_492 = arith.constant 0 : i32
        %dma_start3A_493 = tpu.memref_slice %arg5[%dma_start3A_491, %dma_start3A_492] : memref<80x128xi32, #tpu.memory_space<vmem>> -> memref<1x128xi32, #tpu.memory_space<vmem>>
        %dma_start3A_494 = tpu.memref_squeeze %dma_start3A_493 : memref<1x128xi32, #tpu.memory_space<vmem>> -> memref<128xi32, #tpu.memory_space<vmem>>
        %dma_start3A_495 = arith.constant 0 : i32
        %dma_start3A_496 = arith.constant 0 : i32
        %dma_start3A_497 = tpu.memref_slice %arg2[%dma_start3A_495, %dma_start3A_496] : memref<10240x64xbf16, #tpu.memory_space<hbm>> -> memref<10240x64xbf16, #tpu.memory_space<hbm>>
        tpu.enqueue_indirect_dma source(%dma_start3A_497 : memref<10240x64xbf16, #tpu.memory_space<hbm>>) target(%arg16 : memref<128x64xbf16, #tpu.memory_space<vmem>>) offsets(%dma_start3A_494 : memref<128xi32, #tpu.memory_space<vmem>>) semaphore(%arg28 : memref<!tpu.dma_semaphore, #tpu.memory_space<semaphore_mem>>)
      } else {
      }
      %mul3A_247 = arith.constant 10 : i32
      %mul3A_248 = arith.muli %mul3A_247, %while3A_214 : i32
      %add3A_249 = arith.constant 1 : i32
      %add3A_250 = arith.addi %mul3A_248, %add3A_249 : i32
      %dma_wait3A_251 = arith.constant 0 : i32
      %dma_wait3A_252 = tpu.memref_slice %arg5[%add3A_250, %dma_wait3A_251] : memref<80x128xi32, #tpu.memory_space<vmem>> -> memref<1x128xi32, #tpu.memory_space<vmem>>
      %dma_wait3A_253 = tpu.memref_squeeze %dma_wait3A_252 : memref<1x128xi32, #tpu.memory_space<vmem>> -> memref<128xi32, #tpu.memory_space<vmem>>
      %dma_wait3A_254 = arith.constant 0 : i32
      %dma_wait3A_255 = arith.constant 0 : i32
      %dma_wait3A_256 = tpu.memref_slice %arg2[%dma_wait3A_254, %dma_wait3A_255] : memref<10240x64xbf16, #tpu.memory_space<hbm>> -> memref<10240x64xbf16, #tpu.memory_space<hbm>>
      tpu.wait_indirect_dma semaphore(%arg20 : memref<!tpu.dma_semaphore, #tpu.memory_space<semaphore_mem>>) src(%dma_wait3A_256 : memref<10240x64xbf16, #tpu.memory_space<hbm>>) dst(%arg8 : memref<128x64xbf16, #tpu.memory_space<vmem>>)
      %dma_start3A_257 = arith.constant 0 : i32
      %dma_start3A_258 = tpu.memref_slice %arg6[%add3A_250, %dma_start3A_257] : memref<80x128xi32, #tpu.memory_space<vmem>> -> memref<1x128xi32, #tpu.memory_space<vmem>>
      %dma_start3A_259 = tpu.memref_squeeze %dma_start3A_258 : memref<1x128xi32, #tpu.memory_space<vmem>> -> memref<128xi32, #tpu.memory_space<vmem>>
      %dma_start3A_260 = arith.constant 0 : i32
      %dma_start3A_261 = arith.constant 0 : i32
      %dma_start3A_262 = tpu.memref_slice %arg18[%dma_start3A_260, %dma_start3A_261] : memref<10240x64xbf16, #tpu.memory_space<vmem_shared>> -> memref<10240x64xbf16, #tpu.memory_space<vmem_shared>>
      tpu.enqueue_indirect_dma source(%arg8 : memref<128x64xbf16, #tpu.memory_space<vmem>>) target(%dma_start3A_262 : memref<10240x64xbf16, #tpu.memory_space<vmem_shared>>) offsets(%dma_start3A_259 : memref<128xi32, #tpu.memory_space<vmem>>) semaphore(%arg30 : memref<!tpu.dma_semaphore, #tpu.memory_space<semaphore_mem>>) {add = true}
      %add3A_263 = arith.constant 10 : i32
      %add3A_264 = arith.addi %add3A_250, %add3A_263 : i32
      %sub3A_265 = arith.constant 1 : i32
      %sub3A_266 = arith.subi %add3A_264, %sub3A_265 : i32
      %lt3A_267 = arith.cmpi slt, %sub3A_266, %select_n3A : i32
      %gt3A_268 = arith.constant 0 : i32
      %gt3A_269 = arith.cmpi sgt, %add3A_250, %gt3A_268 : i32
      %and3A_270 = arith.andi %lt3A_267, %gt3A_269 : i1
      %convert_element_type3A_271 = arith.extui %and3A_270 : i1 to i32
      %cond3A_272 = arith.constant 0 : i32
      %cond3A_273 = arith.cmpi ne, %convert_element_type3A_271, %cond3A_272 : i32
      scf.if %cond3A_273 {
        %dma_wait3A_491 = arith.constant 0 : i32
        %dma_wait3A_492 = arith.constant 0 : i32
        %dma_wait3A_493 = tpu.memref_slice %arg6[%dma_wait3A_491, %dma_wait3A_492] : memref<80x128xi32, #tpu.memory_space<vmem>> -> memref<1x128xi32, #tpu.memory_space<vmem>>
        %dma_wait3A_494 = tpu.memref_squeeze %dma_wait3A_493 : memref<1x128xi32, #tpu.memory_space<vmem>> -> memref<128xi32, #tpu.memory_space<vmem>>
        %dma_wait3A_495 = arith.constant 0 : i32
        %dma_wait3A_496 = arith.constant 0 : i32
        %dma_wait3A_497 = tpu.memref_slice %arg18[%dma_wait3A_495, %dma_wait3A_496] : memref<10240x64xbf16, #tpu.memory_space<vmem_shared>> -> memref<10240x64xbf16, #tpu.memory_space<vmem_shared>>
        tpu.wait_indirect_dma semaphore(%arg29 : memref<!tpu.dma_semaphore, #tpu.memory_space<semaphore_mem>>) src(%arg7 : memref<128x64xbf16, #tpu.memory_space<vmem>>) dst(%dma_wait3A_497 : memref<10240x64xbf16, #tpu.memory_space<vmem_shared>>)
        %add3A_498 = arith.constant 10 : i32
        %add3A_499 = arith.addi %add3A_250, %add3A_498 : i32
        %sub3A_500 = arith.constant 1 : i32
        %sub3A_501 = arith.subi %add3A_499, %sub3A_500 : i32
        %dma_start3A_502 = arith.constant 0 : i32
        %dma_start3A_503 = tpu.memref_slice %arg5[%sub3A_501, %dma_start3A_502] : memref<80x128xi32, #tpu.memory_space<vmem>> -> memref<1x128xi32, #tpu.memory_space<vmem>>
        %dma_start3A_504 = tpu.memref_squeeze %dma_start3A_503 : memref<1x128xi32, #tpu.memory_space<vmem>> -> memref<128xi32, #tpu.memory_space<vmem>>
        %dma_start3A_505 = arith.constant 0 : i32
        %dma_start3A_506 = arith.constant 0 : i32
        %dma_start3A_507 = tpu.memref_slice %arg2[%dma_start3A_505, %dma_start3A_506] : memref<10240x64xbf16, #tpu.memory_space<hbm>> -> memref<10240x64xbf16, #tpu.memory_space<hbm>>
        tpu.enqueue_indirect_dma source(%dma_start3A_507 : memref<10240x64xbf16, #tpu.memory_space<hbm>>) target(%arg7 : memref<128x64xbf16, #tpu.memory_space<vmem>>) offsets(%dma_start3A_504 : memref<128xi32, #tpu.memory_space<vmem>>) semaphore(%arg19 : memref<!tpu.dma_semaphore, #tpu.memory_space<semaphore_mem>>)
      } else {
      }
      %mul3A_274 = arith.constant 10 : i32
      %mul3A_275 = arith.muli %mul3A_274, %while3A_214 : i32
      %add3A_276 = arith.constant 2 : i32
      %add3A_277 = arith.addi %mul3A_275, %add3A_276 : i32
      %dma_wait3A_278 = arith.constant 0 : i32
      %dma_wait3A_279 = tpu.memref_slice %arg5[%add3A_277, %dma_wait3A_278] : memref<80x128xi32, #tpu.memory_space<vmem>> -> memref<1x128xi32, #tpu.memory_space<vmem>>
      %dma_wait3A_280 = tpu.memref_squeeze %dma_wait3A_279 : memref<1x128xi32, #tpu.memory_space<vmem>> -> memref<128xi32, #tpu.memory_space<vmem>>
      %dma_wait3A_281 = arith.constant 0 : i32
      %dma_wait3A_282 = arith.constant 0 : i32
      %dma_wait3A_283 = tpu.memref_slice %arg2[%dma_wait3A_281, %dma_wait3A_282] : memref<10240x64xbf16, #tpu.memory_space<hbm>> -> memref<10240x64xbf16, #tpu.memory_space<hbm>>
      tpu.wait_indirect_dma semaphore(%arg21 : memref<!tpu.dma_semaphore, #tpu.memory_space<semaphore_mem>>) src(%dma_wait3A_283 : memref<10240x64xbf16, #tpu.memory_space<hbm>>) dst(%arg9 : memref<128x64xbf16, #tpu.memory_space<vmem>>)
      %dma_start3A_284 = arith.constant 0 : i32
      %dma_start3A_285 = tpu.memref_slice %arg6[%add3A_277, %dma_start3A_284] : memref<80x128xi32, #tpu.memory_space<vmem>> -> memref<1x128xi32, #tpu.memory_space<vmem>>
      %dma_start3A_286 = tpu.memref_squeeze %dma_start3A_285 : memref<1x128xi32, #tpu.memory_space<vmem>> -> memref<128xi32, #tpu.memory_space<vmem>>
      %dma_start3A_287 = arith.constant 0 : i32
      %dma_start3A_288 = arith.constant 0 : i32
      %dma_start3A_289 = tpu.memref_slice %arg18[%dma_start3A_287, %dma_start3A_288] : memref<10240x64xbf16, #tpu.memory_space<vmem_shared>> -> memref<10240x64xbf16, #tpu.memory_space<vmem_shared>>
      tpu.enqueue_indirect_dma source(%arg9 : memref<128x64xbf16, #tpu.memory_space<vmem>>) target(%dma_start3A_289 : memref<10240x64xbf16, #tpu.memory_space<vmem_shared>>) offsets(%dma_start3A_286 : memref<128xi32, #tpu.memory_space<vmem>>) semaphore(%arg31 : memref<!tpu.dma_semaphore, #tpu.memory_space<semaphore_mem>>) {add = true}
      %add3A_290 = arith.constant 10 : i32
      %add3A_291 = arith.addi %add3A_277, %add3A_290 : i32
      %sub3A_292 = arith.constant 1 : i32
      %sub3A_293 = arith.subi %add3A_291, %sub3A_292 : i32
      %lt3A_294 = arith.cmpi slt, %sub3A_293, %select_n3A : i32
      %gt3A_295 = arith.constant 0 : i32
      %gt3A_296 = arith.cmpi sgt, %add3A_277, %gt3A_295 : i32
      %and3A_297 = arith.andi %lt3A_294, %gt3A_296 : i1
      %convert_element_type3A_298 = arith.extui %and3A_297 : i1 to i32
      %cond3A_299 = arith.constant 0 : i32
      %cond3A_300 = arith.cmpi ne, %convert_element_type3A_298, %cond3A_299 : i32
      scf.if %cond3A_300 {
        %dma_wait3A_491 = arith.constant 0 : i32
        %dma_wait3A_492 = arith.constant 0 : i32
        %dma_wait3A_493 = tpu.memref_slice %arg6[%dma_wait3A_491, %dma_wait3A_492] : memref<80x128xi32, #tpu.memory_space<vmem>> -> memref<1x128xi32, #tpu.memory_space<vmem>>
        %dma_wait3A_494 = tpu.memref_squeeze %dma_wait3A_493 : memref<1x128xi32, #tpu.memory_space<vmem>> -> memref<128xi32, #tpu.memory_space<vmem>>
        %dma_wait3A_495 = arith.constant 0 : i32
        %dma_wait3A_496 = arith.constant 0 : i32
        %dma_wait3A_497 = tpu.memref_slice %arg18[%dma_wait3A_495, %dma_wait3A_496] : memref<10240x64xbf16, #tpu.memory_space<vmem_shared>> -> memref<10240x64xbf16, #tpu.memory_space<vmem_shared>>
        tpu.wait_indirect_dma semaphore(%arg30 : memref<!tpu.dma_semaphore, #tpu.memory_space<semaphore_mem>>) src(%arg8 : memref<128x64xbf16, #tpu.memory_space<vmem>>) dst(%dma_wait3A_497 : memref<10240x64xbf16, #tpu.memory_space<vmem_shared>>)
        %add3A_498 = arith.constant 10 : i32
        %add3A_499 = arith.addi %add3A_277, %add3A_498 : i32
        %sub3A_500 = arith.constant 1 : i32
        %sub3A_501 = arith.subi %add3A_499, %sub3A_500 : i32
        %dma_start3A_502 = arith.constant 0 : i32
        %dma_start3A_503 = tpu.memref_slice %arg5[%sub3A_501, %dma_start3A_502] : memref<80x128xi32, #tpu.memory_space<vmem>> -> memref<1x128xi32, #tpu.memory_space<vmem>>
        %dma_start3A_504 = tpu.memref_squeeze %dma_start3A_503 : memref<1x128xi32, #tpu.memory_space<vmem>> -> memref<128xi32, #tpu.memory_space<vmem>>
        %dma_start3A_505 = arith.constant 0 : i32
        %dma_start3A_506 = arith.constant 0 : i32
        %dma_start3A_507 = tpu.memref_slice %arg2[%dma_start3A_505, %dma_start3A_506] : memref<10240x64xbf16, #tpu.memory_space<hbm>> -> memref<10240x64xbf16, #tpu.memory_space<hbm>>
        tpu.enqueue_indirect_dma source(%dma_start3A_507 : memref<10240x64xbf16, #tpu.memory_space<hbm>>) target(%arg8 : memref<128x64xbf16, #tpu.memory_space<vmem>>) offsets(%dma_start3A_504 : memref<128xi32, #tpu.memory_space<vmem>>) semaphore(%arg20 : memref<!tpu.dma_semaphore, #tpu.memory_space<semaphore_mem>>)
      } else {
      }
      %mul3A_301 = arith.constant 10 : i32
      %mul3A_302 = arith.muli %mul3A_301, %while3A_214 : i32
      %add3A_303 = arith.constant 3 : i32
      %add3A_304 = arith.addi %mul3A_302, %add3A_303 : i32
      %dma_wait3A_305 = arith.constant 0 : i32
      %dma_wait3A_306 = tpu.memref_slice %arg5[%add3A_304, %dma_wait3A_305] : memref<80x128xi32, #tpu.memory_space<vmem>> -> memref<1x128xi32, #tpu.memory_space<vmem>>
      %dma_wait3A_307 = tpu.memref_squeeze %dma_wait3A_306 : memref<1x128xi32, #tpu.memory_space<vmem>> -> memref<128xi32, #tpu.memory_space<vmem>>
      %dma_wait3A_308 = arith.constant 0 : i32
      %dma_wait3A_309 = arith.constant 0 : i32
      %dma_wait3A_310 = tpu.memref_slice %arg2[%dma_wait3A_308, %dma_wait3A_309] : memref<10240x64xbf16, #tpu.memory_space<hbm>> -> memref<10240x64xbf16, #tpu.memory_space<hbm>>
      tpu.wait_indirect_dma semaphore(%arg22 : memref<!tpu.dma_semaphore, #tpu.memory_space<semaphore_mem>>) src(%dma_wait3A_310 : memref<10240x64xbf16, #tpu.memory_space<hbm>>) dst(%arg10 : memref<128x64xbf16, #tpu.memory_space<vmem>>)
      %dma_start3A_311 = arith.constant 0 : i32
      %dma_start3A_312 = tpu.memref_slice %arg6[%add3A_304, %dma_start3A_311] : memref<80x128xi32, #tpu.memory_space<vmem>> -> memref<1x128xi32, #tpu.memory_space<vmem>>
      %dma_start3A_313 = tpu.memref_squeeze %dma_start3A_312 : memref<1x128xi32, #tpu.memory_space<vmem>> -> memref<128xi32, #tpu.memory_space<vmem>>
      %dma_start3A_314 = arith.constant 0 : i32
      %dma_start3A_315 = arith.constant 0 : i32
      %dma_start3A_316 = tpu.memref_slice %arg18[%dma_start3A_314, %dma_start3A_315] : memref<10240x64xbf16, #tpu.memory_space<vmem_shared>> -> memref<10240x64xbf16, #tpu.memory_space<vmem_shared>>
      tpu.enqueue_indirect_dma source(%arg10 : memref<128x64xbf16, #tpu.memory_space<vmem>>) target(%dma_start3A_316 : memref<10240x64xbf16, #tpu.memory_space<vmem_shared>>) offsets(%dma_start3A_313 : memref<128xi32, #tpu.memory_space<vmem>>) semaphore(%arg32 : memref<!tpu.dma_semaphore, #tpu.memory_space<semaphore_mem>>) {add = true}
      %add3A_317 = arith.constant 10 : i32
      %add3A_318 = arith.addi %add3A_304, %add3A_317 : i32
      %sub3A_319 = arith.constant 1 : i32
      %sub3A_320 = arith.subi %add3A_318, %sub3A_319 : i32
      %lt3A_321 = arith.cmpi slt, %sub3A_320, %select_n3A : i32
      %gt3A_322 = arith.constant 0 : i32
      %gt3A_323 = arith.cmpi sgt, %add3A_304, %gt3A_322 : i32
      %and3A_324 = arith.andi %lt3A_321, %gt3A_323 : i1
      %convert_element_type3A_325 = arith.extui %and3A_324 : i1 to i32
      %cond3A_326 = arith.constant 0 : i32
      %cond3A_327 = arith.cmpi ne, %convert_element_type3A_325, %cond3A_326 : i32
      scf.if %cond3A_327 {
        %dma_wait3A_491 = arith.constant 0 : i32
        %dma_wait3A_492 = arith.constant 0 : i32
        %dma_wait3A_493 = tpu.memref_slice %arg6[%dma_wait3A_491, %dma_wait3A_492] : memref<80x128xi32, #tpu.memory_space<vmem>> -> memref<1x128xi32, #tpu.memory_space<vmem>>
        %dma_wait3A_494 = tpu.memref_squeeze %dma_wait3A_493 : memref<1x128xi32, #tpu.memory_space<vmem>> -> memref<128xi32, #tpu.memory_space<vmem>>
        %dma_wait3A_495 = arith.constant 0 : i32
        %dma_wait3A_496 = arith.constant 0 : i32
        %dma_wait3A_497 = tpu.memref_slice %arg18[%dma_wait3A_495, %dma_wait3A_496] : memref<10240x64xbf16, #tpu.memory_space<vmem_shared>> -> memref<10240x64xbf16, #tpu.memory_space<vmem_shared>>
        tpu.wait_indirect_dma semaphore(%arg31 : memref<!tpu.dma_semaphore, #tpu.memory_space<semaphore_mem>>) src(%arg9 : memref<128x64xbf16, #tpu.memory_space<vmem>>) dst(%dma_wait3A_497 : memref<10240x64xbf16, #tpu.memory_space<vmem_shared>>)
        %add3A_498 = arith.constant 10 : i32
        %add3A_499 = arith.addi %add3A_304, %add3A_498 : i32
        %sub3A_500 = arith.constant 1 : i32
        %sub3A_501 = arith.subi %add3A_499, %sub3A_500 : i32
        %dma_start3A_502 = arith.constant 0 : i32
        %dma_start3A_503 = tpu.memref_slice %arg5[%sub3A_501, %dma_start3A_502] : memref<80x128xi32, #tpu.memory_space<vmem>> -> memref<1x128xi32, #tpu.memory_space<vmem>>
        %dma_start3A_504 = tpu.memref_squeeze %dma_start3A_503 : memref<1x128xi32, #tpu.memory_space<vmem>> -> memref<128xi32, #tpu.memory_space<vmem>>
        %dma_start3A_505 = arith.constant 0 : i32
        %dma_start3A_506 = arith.constant 0 : i32
        %dma_start3A_507 = tpu.memref_slice %arg2[%dma_start3A_505, %dma_start3A_506] : memref<10240x64xbf16, #tpu.memory_space<hbm>> -> memref<10240x64xbf16, #tpu.memory_space<hbm>>
        tpu.enqueue_indirect_dma source(%dma_start3A_507 : memref<10240x64xbf16, #tpu.memory_space<hbm>>) target(%arg9 : memref<128x64xbf16, #tpu.memory_space<vmem>>) offsets(%dma_start3A_504 : memref<128xi32, #tpu.memory_space<vmem>>) semaphore(%arg21 : memref<!tpu.dma_semaphore, #tpu.memory_space<semaphore_mem>>)
      } else {
      }
      %mul3A_328 = arith.constant 10 : i32
      %mul3A_329 = arith.muli %mul3A_328, %while3A_214 : i32
      %add3A_330 = arith.constant 4 : i32
      %add3A_331 = arith.addi %mul3A_329, %add3A_330 : i32
      %dma_wait3A_332 = arith.constant 0 : i32
      %dma_wait3A_333 = tpu.memref_slice %arg5[%add3A_331, %dma_wait3A_332] : memref<80x128xi32, #tpu.memory_space<vmem>> -> memref<1x128xi32, #tpu.memory_space<vmem>>
      %dma_wait3A_334 = tpu.memref_squeeze %dma_wait3A_333 : memref<1x128xi32, #tpu.memory_space<vmem>> -> memref<128xi32, #tpu.memory_space<vmem>>
      %dma_wait3A_335 = arith.constant 0 : i32
      %dma_wait3A_336 = arith.constant 0 : i32
      %dma_wait3A_337 = tpu.memref_slice %arg2[%dma_wait3A_335, %dma_wait3A_336] : memref<10240x64xbf16, #tpu.memory_space<hbm>> -> memref<10240x64xbf16, #tpu.memory_space<hbm>>
      tpu.wait_indirect_dma semaphore(%arg23 : memref<!tpu.dma_semaphore, #tpu.memory_space<semaphore_mem>>) src(%dma_wait3A_337 : memref<10240x64xbf16, #tpu.memory_space<hbm>>) dst(%arg11 : memref<128x64xbf16, #tpu.memory_space<vmem>>)
      %dma_start3A_338 = arith.constant 0 : i32
      %dma_start3A_339 = tpu.memref_slice %arg6[%add3A_331, %dma_start3A_338] : memref<80x128xi32, #tpu.memory_space<vmem>> -> memref<1x128xi32, #tpu.memory_space<vmem>>
      %dma_start3A_340 = tpu.memref_squeeze %dma_start3A_339 : memref<1x128xi32, #tpu.memory_space<vmem>> -> memref<128xi32, #tpu.memory_space<vmem>>
      %dma_start3A_341 = arith.constant 0 : i32
      %dma_start3A_342 = arith.constant 0 : i32
      %dma_start3A_343 = tpu.memref_slice %arg18[%dma_start3A_341, %dma_start3A_342] : memref<10240x64xbf16, #tpu.memory_space<vmem_shared>> -> memref<10240x64xbf16, #tpu.memory_space<vmem_shared>>
      tpu.enqueue_indirect_dma source(%arg11 : memref<128x64xbf16, #tpu.memory_space<vmem>>) target(%dma_start3A_343 : memref<10240x64xbf16, #tpu.memory_space<vmem_shared>>) offsets(%dma_start3A_340 : memref<128xi32, #tpu.memory_space<vmem>>) semaphore(%arg33 : memref<!tpu.dma_semaphore, #tpu.memory_space<semaphore_mem>>) {add = true}
      %add3A_344 = arith.constant 10 : i32
      %add3A_345 = arith.addi %add3A_331, %add3A_344 : i32
      %sub3A_346 = arith.constant 1 : i32
      %sub3A_347 = arith.subi %add3A_345, %sub3A_346 : i32
      %lt3A_348 = arith.cmpi slt, %sub3A_347, %select_n3A : i32
      %gt3A_349 = arith.constant 0 : i32
      %gt3A_350 = arith.cmpi sgt, %add3A_331, %gt3A_349 : i32
      %and3A_351 = arith.andi %lt3A_348, %gt3A_350 : i1
      %convert_element_type3A_352 = arith.extui %and3A_351 : i1 to i32
      %cond3A_353 = arith.constant 0 : i32
      %cond3A_354 = arith.cmpi ne, %convert_element_type3A_352, %cond3A_353 : i32
      scf.if %cond3A_354 {
        %dma_wait3A_491 = arith.constant 0 : i32
        %dma_wait3A_492 = arith.constant 0 : i32
        %dma_wait3A_493 = tpu.memref_slice %arg6[%dma_wait3A_491, %dma_wait3A_492] : memref<80x128xi32, #tpu.memory_space<vmem>> -> memref<1x128xi32, #tpu.memory_space<vmem>>
        %dma_wait3A_494 = tpu.memref_squeeze %dma_wait3A_493 : memref<1x128xi32, #tpu.memory_space<vmem>> -> memref<128xi32, #tpu.memory_space<vmem>>
        %dma_wait3A_495 = arith.constant 0 : i32
        %dma_wait3A_496 = arith.constant 0 : i32
        %dma_wait3A_497 = tpu.memref_slice %arg18[%dma_wait3A_495, %dma_wait3A_496] : memref<10240x64xbf16, #tpu.memory_space<vmem_shared>> -> memref<10240x64xbf16, #tpu.memory_space<vmem_shared>>
        tpu.wait_indirect_dma semaphore(%arg32 : memref<!tpu.dma_semaphore, #tpu.memory_space<semaphore_mem>>) src(%arg10 : memref<128x64xbf16, #tpu.memory_space<vmem>>) dst(%dma_wait3A_497 : memref<10240x64xbf16, #tpu.memory_space<vmem_shared>>)
        %add3A_498 = arith.constant 10 : i32
        %add3A_499 = arith.addi %add3A_331, %add3A_498 : i32
        %sub3A_500 = arith.constant 1 : i32
        %sub3A_501 = arith.subi %add3A_499, %sub3A_500 : i32
        %dma_start3A_502 = arith.constant 0 : i32
        %dma_start3A_503 = tpu.memref_slice %arg5[%sub3A_501, %dma_start3A_502] : memref<80x128xi32, #tpu.memory_space<vmem>> -> memref<1x128xi32, #tpu.memory_space<vmem>>
        %dma_start3A_504 = tpu.memref_squeeze %dma_start3A_503 : memref<1x128xi32, #tpu.memory_space<vmem>> -> memref<128xi32, #tpu.memory_space<vmem>>
        %dma_start3A_505 = arith.constant 0 : i32
        %dma_start3A_506 = arith.constant 0 : i32
        %dma_start3A_507 = tpu.memref_slice %arg2[%dma_start3A_505, %dma_start3A_506] : memref<10240x64xbf16, #tpu.memory_space<hbm>> -> memref<10240x64xbf16, #tpu.memory_space<hbm>>
        tpu.enqueue_indirect_dma source(%dma_start3A_507 : memref<10240x64xbf16, #tpu.memory_space<hbm>>) target(%arg10 : memref<128x64xbf16, #tpu.memory_space<vmem>>) offsets(%dma_start3A_504 : memref<128xi32, #tpu.memory_space<vmem>>) semaphore(%arg22 : memref<!tpu.dma_semaphore, #tpu.memory_space<semaphore_mem>>)
      } else {
      }
      %mul3A_355 = arith.constant 10 : i32
      %mul3A_356 = arith.muli %mul3A_355, %while3A_214 : i32
      %add3A_357 = arith.constant 5 : i32
      %add3A_358 = arith.addi %mul3A_356, %add3A_357 : i32
      %dma_wait3A_359 = arith.constant 0 : i32
      %dma_wait3A_360 = tpu.memref_slice %arg5[%add3A_358, %dma_wait3A_359] : memref<80x128xi32, #tpu.memory_space<vmem>> -> memref<1x128xi32, #tpu.memory_space<vmem>>
      %dma_wait3A_361 = tpu.memref_squeeze %dma_wait3A_360 : memref<1x128xi32, #tpu.memory_space<vmem>> -> memref<128xi32, #tpu.memory_space<vmem>>
      %dma_wait3A_362 = arith.constant 0 : i32
      %dma_wait3A_363 = arith.constant 0 : i32
      %dma_wait3A_364 = tpu.memref_slice %arg2[%dma_wait3A_362, %dma_wait3A_363] : memref<10240x64xbf16, #tpu.memory_space<hbm>> -> memref<10240x64xbf16, #tpu.memory_space<hbm>>
      tpu.wait_indirect_dma semaphore(%arg24 : memref<!tpu.dma_semaphore, #tpu.memory_space<semaphore_mem>>) src(%dma_wait3A_364 : memref<10240x64xbf16, #tpu.memory_space<hbm>>) dst(%arg12 : memref<128x64xbf16, #tpu.memory_space<vmem>>)
      %dma_start3A_365 = arith.constant 0 : i32
      %dma_start3A_366 = tpu.memref_slice %arg6[%add3A_358, %dma_start3A_365] : memref<80x128xi32, #tpu.memory_space<vmem>> -> memref<1x128xi32, #tpu.memory_space<vmem>>
      %dma_start3A_367 = tpu.memref_squeeze %dma_start3A_366 : memref<1x128xi32, #tpu.memory_space<vmem>> -> memref<128xi32, #tpu.memory_space<vmem>>
      %dma_start3A_368 = arith.constant 0 : i32
      %dma_start3A_369 = arith.constant 0 : i32
      %dma_start3A_370 = tpu.memref_slice %arg18[%dma_start3A_368, %dma_start3A_369] : memref<10240x64xbf16, #tpu.memory_space<vmem_shared>> -> memref<10240x64xbf16, #tpu.memory_space<vmem_shared>>
      tpu.enqueue_indirect_dma source(%arg12 : memref<128x64xbf16, #tpu.memory_space<vmem>>) target(%dma_start3A_370 : memref<10240x64xbf16, #tpu.memory_space<vmem_shared>>) offsets(%dma_start3A_367 : memref<128xi32, #tpu.memory_space<vmem>>) semaphore(%arg34 : memref<!tpu.dma_semaphore, #tpu.memory_space<semaphore_mem>>) {add = true}
      %add3A_371 = arith.constant 10 : i32
      %add3A_372 = arith.addi %add3A_358, %add3A_371 : i32
      %sub3A_373 = arith.constant 1 : i32
      %sub3A_374 = arith.subi %add3A_372, %sub3A_373 : i32
      %lt3A_375 = arith.cmpi slt, %sub3A_374, %select_n3A : i32
      %gt3A_376 = arith.constant 0 : i32
      %gt3A_377 = arith.cmpi sgt, %add3A_358, %gt3A_376 : i32
      %and3A_378 = arith.andi %lt3A_375, %gt3A_377 : i1
      %convert_element_type3A_379 = arith.extui %and3A_378 : i1 to i32
      %cond3A_380 = arith.constant 0 : i32
      %cond3A_381 = arith.cmpi ne, %convert_element_type3A_379, %cond3A_380 : i32
      scf.if %cond3A_381 {
        %dma_wait3A_491 = arith.constant 0 : i32
        %dma_wait3A_492 = arith.constant 0 : i32
        %dma_wait3A_493 = tpu.memref_slice %arg6[%dma_wait3A_491, %dma_wait3A_492] : memref<80x128xi32, #tpu.memory_space<vmem>> -> memref<1x128xi32, #tpu.memory_space<vmem>>
        %dma_wait3A_494 = tpu.memref_squeeze %dma_wait3A_493 : memref<1x128xi32, #tpu.memory_space<vmem>> -> memref<128xi32, #tpu.memory_space<vmem>>
        %dma_wait3A_495 = arith.constant 0 : i32
        %dma_wait3A_496 = arith.constant 0 : i32
        %dma_wait3A_497 = tpu.memref_slice %arg18[%dma_wait3A_495, %dma_wait3A_496] : memref<10240x64xbf16, #tpu.memory_space<vmem_shared>> -> memref<10240x64xbf16, #tpu.memory_space<vmem_shared>>
        tpu.wait_indirect_dma semaphore(%arg33 : memref<!tpu.dma_semaphore, #tpu.memory_space<semaphore_mem>>) src(%arg11 : memref<128x64xbf16, #tpu.memory_space<vmem>>) dst(%dma_wait3A_497 : memref<10240x64xbf16, #tpu.memory_space<vmem_shared>>)
        %add3A_498 = arith.constant 10 : i32
        %add3A_499 = arith.addi %add3A_358, %add3A_498 : i32
        %sub3A_500 = arith.constant 1 : i32
        %sub3A_501 = arith.subi %add3A_499, %sub3A_500 : i32
        %dma_start3A_502 = arith.constant 0 : i32
        %dma_start3A_503 = tpu.memref_slice %arg5[%sub3A_501, %dma_start3A_502] : memref<80x128xi32, #tpu.memory_space<vmem>> -> memref<1x128xi32, #tpu.memory_space<vmem>>
        %dma_start3A_504 = tpu.memref_squeeze %dma_start3A_503 : memref<1x128xi32, #tpu.memory_space<vmem>> -> memref<128xi32, #tpu.memory_space<vmem>>
        %dma_start3A_505 = arith.constant 0 : i32
        %dma_start3A_506 = arith.constant 0 : i32
        %dma_start3A_507 = tpu.memref_slice %arg2[%dma_start3A_505, %dma_start3A_506] : memref<10240x64xbf16, #tpu.memory_space<hbm>> -> memref<10240x64xbf16, #tpu.memory_space<hbm>>
        tpu.enqueue_indirect_dma source(%dma_start3A_507 : memref<10240x64xbf16, #tpu.memory_space<hbm>>) target(%arg11 : memref<128x64xbf16, #tpu.memory_space<vmem>>) offsets(%dma_start3A_504 : memref<128xi32, #tpu.memory_space<vmem>>) semaphore(%arg23 : memref<!tpu.dma_semaphore, #tpu.memory_space<semaphore_mem>>)
      } else {
      }
      %mul3A_382 = arith.constant 10 : i32
      %mul3A_383 = arith.muli %mul3A_382, %while3A_214 : i32
      %add3A_384 = arith.constant 6 : i32
      %add3A_385 = arith.addi %mul3A_383, %add3A_384 : i32
      %dma_wait3A_386 = arith.constant 0 : i32
      %dma_wait3A_387 = tpu.memref_slice %arg5[%add3A_385, %dma_wait3A_386] : memref<80x128xi32, #tpu.memory_space<vmem>> -> memref<1x128xi32, #tpu.memory_space<vmem>>
      %dma_wait3A_388 = tpu.memref_squeeze %dma_wait3A_387 : memref<1x128xi32, #tpu.memory_space<vmem>> -> memref<128xi32, #tpu.memory_space<vmem>>
      %dma_wait3A_389 = arith.constant 0 : i32
      %dma_wait3A_390 = arith.constant 0 : i32
      %dma_wait3A_391 = tpu.memref_slice %arg2[%dma_wait3A_389, %dma_wait3A_390] : memref<10240x64xbf16, #tpu.memory_space<hbm>> -> memref<10240x64xbf16, #tpu.memory_space<hbm>>
      tpu.wait_indirect_dma semaphore(%arg25 : memref<!tpu.dma_semaphore, #tpu.memory_space<semaphore_mem>>) src(%dma_wait3A_391 : memref<10240x64xbf16, #tpu.memory_space<hbm>>) dst(%arg13 : memref<128x64xbf16, #tpu.memory_space<vmem>>)
      %dma_start3A_392 = arith.constant 0 : i32
      %dma_start3A_393 = tpu.memref_slice %arg6[%add3A_385, %dma_start3A_392] : memref<80x128xi32, #tpu.memory_space<vmem>> -> memref<1x128xi32, #tpu.memory_space<vmem>>
      %dma_start3A_394 = tpu.memref_squeeze %dma_start3A_393 : memref<1x128xi32, #tpu.memory_space<vmem>> -> memref<128xi32, #tpu.memory_space<vmem>>
      %dma_start3A_395 = arith.constant 0 : i32
      %dma_start3A_396 = arith.constant 0 : i32
      %dma_start3A_397 = tpu.memref_slice %arg18[%dma_start3A_395, %dma_start3A_396] : memref<10240x64xbf16, #tpu.memory_space<vmem_shared>> -> memref<10240x64xbf16, #tpu.memory_space<vmem_shared>>
      tpu.enqueue_indirect_dma source(%arg13 : memref<128x64xbf16, #tpu.memory_space<vmem>>) target(%dma_start3A_397 : memref<10240x64xbf16, #tpu.memory_space<vmem_shared>>) offsets(%dma_start3A_394 : memref<128xi32, #tpu.memory_space<vmem>>) semaphore(%arg35 : memref<!tpu.dma_semaphore, #tpu.memory_space<semaphore_mem>>) {add = true}
      %add3A_398 = arith.constant 10 : i32
      %add3A_399 = arith.addi %add3A_385, %add3A_398 : i32
      %sub3A_400 = arith.constant 1 : i32
      %sub3A_401 = arith.subi %add3A_399, %sub3A_400 : i32
      %lt3A_402 = arith.cmpi slt, %sub3A_401, %select_n3A : i32
      %gt3A_403 = arith.constant 0 : i32
      %gt3A_404 = arith.cmpi sgt, %add3A_385, %gt3A_403 : i32
      %and3A_405 = arith.andi %lt3A_402, %gt3A_404 : i1
      %convert_element_type3A_406 = arith.extui %and3A_405 : i1 to i32
      %cond3A_407 = arith.constant 0 : i32
      %cond3A_408 = arith.cmpi ne, %convert_element_type3A_406, %cond3A_407 : i32
      scf.if %cond3A_408 {
        %dma_wait3A_491 = arith.constant 0 : i32
        %dma_wait3A_492 = arith.constant 0 : i32
        %dma_wait3A_493 = tpu.memref_slice %arg6[%dma_wait3A_491, %dma_wait3A_492] : memref<80x128xi32, #tpu.memory_space<vmem>> -> memref<1x128xi32, #tpu.memory_space<vmem>>
        %dma_wait3A_494 = tpu.memref_squeeze %dma_wait3A_493 : memref<1x128xi32, #tpu.memory_space<vmem>> -> memref<128xi32, #tpu.memory_space<vmem>>
        %dma_wait3A_495 = arith.constant 0 : i32
        %dma_wait3A_496 = arith.constant 0 : i32
        %dma_wait3A_497 = tpu.memref_slice %arg18[%dma_wait3A_495, %dma_wait3A_496] : memref<10240x64xbf16, #tpu.memory_space<vmem_shared>> -> memref<10240x64xbf16, #tpu.memory_space<vmem_shared>>
        tpu.wait_indirect_dma semaphore(%arg34 : memref<!tpu.dma_semaphore, #tpu.memory_space<semaphore_mem>>) src(%arg12 : memref<128x64xbf16, #tpu.memory_space<vmem>>) dst(%dma_wait3A_497 : memref<10240x64xbf16, #tpu.memory_space<vmem_shared>>)
        %add3A_498 = arith.constant 10 : i32
        %add3A_499 = arith.addi %add3A_385, %add3A_498 : i32
        %sub3A_500 = arith.constant 1 : i32
        %sub3A_501 = arith.subi %add3A_499, %sub3A_500 : i32
        %dma_start3A_502 = arith.constant 0 : i32
        %dma_start3A_503 = tpu.memref_slice %arg5[%sub3A_501, %dma_start3A_502] : memref<80x128xi32, #tpu.memory_space<vmem>> -> memref<1x128xi32, #tpu.memory_space<vmem>>
        %dma_start3A_504 = tpu.memref_squeeze %dma_start3A_503 : memref<1x128xi32, #tpu.memory_space<vmem>> -> memref<128xi32, #tpu.memory_space<vmem>>
        %dma_start3A_505 = arith.constant 0 : i32
        %dma_start3A_506 = arith.constant 0 : i32
        %dma_start3A_507 = tpu.memref_slice %arg2[%dma_start3A_505, %dma_start3A_506] : memref<10240x64xbf16, #tpu.memory_space<hbm>> -> memref<10240x64xbf16, #tpu.memory_space<hbm>>
        tpu.enqueue_indirect_dma source(%dma_start3A_507 : memref<10240x64xbf16, #tpu.memory_space<hbm>>) target(%arg12 : memref<128x64xbf16, #tpu.memory_space<vmem>>) offsets(%dma_start3A_504 : memref<128xi32, #tpu.memory_space<vmem>>) semaphore(%arg24 : memref<!tpu.dma_semaphore, #tpu.memory_space<semaphore_mem>>)
      } else {
      }
      %mul3A_409 = arith.constant 10 : i32
      %mul3A_410 = arith.muli %mul3A_409, %while3A_214 : i32
      %add3A_411 = arith.constant 7 : i32
      %add3A_412 = arith.addi %mul3A_410, %add3A_411 : i32
      %dma_wait3A_413 = arith.constant 0 : i32
      %dma_wait3A_414 = tpu.memref_slice %arg5[%add3A_412, %dma_wait3A_413] : memref<80x128xi32, #tpu.memory_space<vmem>> -> memref<1x128xi32, #tpu.memory_space<vmem>>
      %dma_wait3A_415 = tpu.memref_squeeze %dma_wait3A_414 : memref<1x128xi32, #tpu.memory_space<vmem>> -> memref<128xi32, #tpu.memory_space<vmem>>
      %dma_wait3A_416 = arith.constant 0 : i32
      %dma_wait3A_417 = arith.constant 0 : i32
      %dma_wait3A_418 = tpu.memref_slice %arg2[%dma_wait3A_416, %dma_wait3A_417] : memref<10240x64xbf16, #tpu.memory_space<hbm>> -> memref<10240x64xbf16, #tpu.memory_space<hbm>>
      tpu.wait_indirect_dma semaphore(%arg26 : memref<!tpu.dma_semaphore, #tpu.memory_space<semaphore_mem>>) src(%dma_wait3A_418 : memref<10240x64xbf16, #tpu.memory_space<hbm>>) dst(%arg14 : memref<128x64xbf16, #tpu.memory_space<vmem>>)
      %dma_start3A_419 = arith.constant 0 : i32
      %dma_start3A_420 = tpu.memref_slice %arg6[%add3A_412, %dma_start3A_419] : memref<80x128xi32, #tpu.memory_space<vmem>> -> memref<1x128xi32, #tpu.memory_space<vmem>>
      %dma_start3A_421 = tpu.memref_squeeze %dma_start3A_420 : memref<1x128xi32, #tpu.memory_space<vmem>> -> memref<128xi32, #tpu.memory_space<vmem>>
      %dma_start3A_422 = arith.constant 0 : i32
      %dma_start3A_423 = arith.constant 0 : i32
      %dma_start3A_424 = tpu.memref_slice %arg18[%dma_start3A_422, %dma_start3A_423] : memref<10240x64xbf16, #tpu.memory_space<vmem_shared>> -> memref<10240x64xbf16, #tpu.memory_space<vmem_shared>>
      tpu.enqueue_indirect_dma source(%arg14 : memref<128x64xbf16, #tpu.memory_space<vmem>>) target(%dma_start3A_424 : memref<10240x64xbf16, #tpu.memory_space<vmem_shared>>) offsets(%dma_start3A_421 : memref<128xi32, #tpu.memory_space<vmem>>) semaphore(%arg36 : memref<!tpu.dma_semaphore, #tpu.memory_space<semaphore_mem>>) {add = true}
      %add3A_425 = arith.constant 10 : i32
      %add3A_426 = arith.addi %add3A_412, %add3A_425 : i32
      %sub3A_427 = arith.constant 1 : i32
      %sub3A_428 = arith.subi %add3A_426, %sub3A_427 : i32
      %lt3A_429 = arith.cmpi slt, %sub3A_428, %select_n3A : i32
      %gt3A_430 = arith.constant 0 : i32
      %gt3A_431 = arith.cmpi sgt, %add3A_412, %gt3A_430 : i32
      %and3A_432 = arith.andi %lt3A_429, %gt3A_431 : i1
      %convert_element_type3A_433 = arith.extui %and3A_432 : i1 to i32
      %cond3A_434 = arith.constant 0 : i32
      %cond3A_435 = arith.cmpi ne, %convert_element_type3A_433, %cond3A_434 : i32
      scf.if %cond3A_435 {
        %dma_wait3A_491 = arith.constant 0 : i32
        %dma_wait3A_492 = arith.constant 0 : i32
        %dma_wait3A_493 = tpu.memref_slice %arg6[%dma_wait3A_491, %dma_wait3A_492] : memref<80x128xi32, #tpu.memory_space<vmem>> -> memref<1x128xi32, #tpu.memory_space<vmem>>
        %dma_wait3A_494 = tpu.memref_squeeze %dma_wait3A_493 : memref<1x128xi32, #tpu.memory_space<vmem>> -> memref<128xi32, #tpu.memory_space<vmem>>
        %dma_wait3A_495 = arith.constant 0 : i32
        %dma_wait3A_496 = arith.constant 0 : i32
        %dma_wait3A_497 = tpu.memref_slice %arg18[%dma_wait3A_495, %dma_wait3A_496] : memref<10240x64xbf16, #tpu.memory_space<vmem_shared>> -> memref<10240x64xbf16, #tpu.memory_space<vmem_shared>>
        tpu.wait_indirect_dma semaphore(%arg35 : memref<!tpu.dma_semaphore, #tpu.memory_space<semaphore_mem>>) src(%arg13 : memref<128x64xbf16, #tpu.memory_space<vmem>>) dst(%dma_wait3A_497 : memref<10240x64xbf16, #tpu.memory_space<vmem_shared>>)
        %add3A_498 = arith.constant 10 : i32
        %add3A_499 = arith.addi %add3A_412, %add3A_498 : i32
        %sub3A_500 = arith.constant 1 : i32
        %sub3A_501 = arith.subi %add3A_499, %sub3A_500 : i32
        %dma_start3A_502 = arith.constant 0 : i32
        %dma_start3A_503 = tpu.memref_slice %arg5[%sub3A_501, %dma_start3A_502] : memref<80x128xi32, #tpu.memory_space<vmem>> -> memref<1x128xi32, #tpu.memory_space<vmem>>
        %dma_start3A_504 = tpu.memref_squeeze %dma_start3A_503 : memref<1x128xi32, #tpu.memory_space<vmem>> -> memref<128xi32, #tpu.memory_space<vmem>>
        %dma_start3A_505 = arith.constant 0 : i32
        %dma_start3A_506 = arith.constant 0 : i32
        %dma_start3A_507 = tpu.memref_slice %arg2[%dma_start3A_505, %dma_start3A_506] : memref<10240x64xbf16, #tpu.memory_space<hbm>> -> memref<10240x64xbf16, #tpu.memory_space<hbm>>
        tpu.enqueue_indirect_dma source(%dma_start3A_507 : memref<10240x64xbf16, #tpu.memory_space<hbm>>) target(%arg13 : memref<128x64xbf16, #tpu.memory_space<vmem>>) offsets(%dma_start3A_504 : memref<128xi32, #tpu.memory_space<vmem>>) semaphore(%arg25 : memref<!tpu.dma_semaphore, #tpu.memory_space<semaphore_mem>>)
      } else {
      }
      %mul3A_436 = arith.constant 10 : i32
      %mul3A_437 = arith.muli %mul3A_436, %while3A_214 : i32
      %add3A_438 = arith.constant 8 : i32
      %add3A_439 = arith.addi %mul3A_437, %add3A_438 : i32
      %dma_wait3A_440 = arith.constant 0 : i32
      %dma_wait3A_441 = tpu.memref_slice %arg5[%add3A_439, %dma_wait3A_440] : memref<80x128xi32, #tpu.memory_space<vmem>> -> memref<1x128xi32, #tpu.memory_space<vmem>>
      %dma_wait3A_442 = tpu.memref_squeeze %dma_wait3A_441 : memref<1x128xi32, #tpu.memory_space<vmem>> -> memref<128xi32, #tpu.memory_space<vmem>>
      %dma_wait3A_443 = arith.constant 0 : i32
      %dma_wait3A_444 = arith.constant 0 : i32
      %dma_wait3A_445 = tpu.memref_slice %arg2[%dma_wait3A_443, %dma_wait3A_444] : memref<10240x64xbf16, #tpu.memory_space<hbm>> -> memref<10240x64xbf16, #tpu.memory_space<hbm>>
      tpu.wait_indirect_dma semaphore(%arg27 : memref<!tpu.dma_semaphore, #tpu.memory_space<semaphore_mem>>) src(%dma_wait3A_445 : memref<10240x64xbf16, #tpu.memory_space<hbm>>) dst(%arg15 : memref<128x64xbf16, #tpu.memory_space<vmem>>)
      %dma_start3A_446 = arith.constant 0 : i32
      %dma_start3A_447 = tpu.memref_slice %arg6[%add3A_439, %dma_start3A_446] : memref<80x128xi32, #tpu.memory_space<vmem>> -> memref<1x128xi32, #tpu.memory_space<vmem>>
      %dma_start3A_448 = tpu.memref_squeeze %dma_start3A_447 : memref<1x128xi32, #tpu.memory_space<vmem>> -> memref<128xi32, #tpu.memory_space<vmem>>
      %dma_start3A_449 = arith.constant 0 : i32
      %dma_start3A_450 = arith.constant 0 : i32
      %dma_start3A_451 = tpu.memref_slice %arg18[%dma_start3A_449, %dma_start3A_450] : memref<10240x64xbf16, #tpu.memory_space<vmem_shared>> -> memref<10240x64xbf16, #tpu.memory_space<vmem_shared>>
      tpu.enqueue_indirect_dma source(%arg15 : memref<128x64xbf16, #tpu.memory_space<vmem>>) target(%dma_start3A_451 : memref<10240x64xbf16, #tpu.memory_space<vmem_shared>>) offsets(%dma_start3A_448 : memref<128xi32, #tpu.memory_space<vmem>>) semaphore(%arg37 : memref<!tpu.dma_semaphore, #tpu.memory_space<semaphore_mem>>) {add = true}
      %add3A_452 = arith.constant 10 : i32
      %add3A_453 = arith.addi %add3A_439, %add3A_452 : i32
      %sub3A_454 = arith.constant 1 : i32
      %sub3A_455 = arith.subi %add3A_453, %sub3A_454 : i32
      %lt3A_456 = arith.cmpi slt, %sub3A_455, %select_n3A : i32
      %gt3A_457 = arith.constant 0 : i32
      %gt3A_458 = arith.cmpi sgt, %add3A_439, %gt3A_457 : i32
      %and3A_459 = arith.andi %lt3A_456, %gt3A_458 : i1
      %convert_element_type3A_460 = arith.extui %and3A_459 : i1 to i32
      %cond3A_461 = arith.constant 0 : i32
      %cond3A_462 = arith.cmpi ne, %convert_element_type3A_460, %cond3A_461 : i32
      scf.if %cond3A_462 {
        %dma_wait3A_491 = arith.constant 0 : i32
        %dma_wait3A_492 = arith.constant 0 : i32
        %dma_wait3A_493 = tpu.memref_slice %arg6[%dma_wait3A_491, %dma_wait3A_492] : memref<80x128xi32, #tpu.memory_space<vmem>> -> memref<1x128xi32, #tpu.memory_space<vmem>>
        %dma_wait3A_494 = tpu.memref_squeeze %dma_wait3A_493 : memref<1x128xi32, #tpu.memory_space<vmem>> -> memref<128xi32, #tpu.memory_space<vmem>>
        %dma_wait3A_495 = arith.constant 0 : i32
        %dma_wait3A_496 = arith.constant 0 : i32
        %dma_wait3A_497 = tpu.memref_slice %arg18[%dma_wait3A_495, %dma_wait3A_496] : memref<10240x64xbf16, #tpu.memory_space<vmem_shared>> -> memref<10240x64xbf16, #tpu.memory_space<vmem_shared>>
        tpu.wait_indirect_dma semaphore(%arg36 : memref<!tpu.dma_semaphore, #tpu.memory_space<semaphore_mem>>) src(%arg14 : memref<128x64xbf16, #tpu.memory_space<vmem>>) dst(%dma_wait3A_497 : memref<10240x64xbf16, #tpu.memory_space<vmem_shared>>)
        %add3A_498 = arith.constant 10 : i32
        %add3A_499 = arith.addi %add3A_439, %add3A_498 : i32
        %sub3A_500 = arith.constant 1 : i32
        %sub3A_501 = arith.subi %add3A_499, %sub3A_500 : i32
        %dma_start3A_502 = arith.constant 0 : i32
        %dma_start3A_503 = tpu.memref_slice %arg5[%sub3A_501, %dma_start3A_502] : memref<80x128xi32, #tpu.memory_space<vmem>> -> memref<1x128xi32, #tpu.memory_space<vmem>>
        %dma_start3A_504 = tpu.memref_squeeze %dma_start3A_503 : memref<1x128xi32, #tpu.memory_space<vmem>> -> memref<128xi32, #tpu.memory_space<vmem>>
        %dma_start3A_505 = arith.constant 0 : i32
        %dma_start3A_506 = arith.constant 0 : i32
        %dma_start3A_507 = tpu.memref_slice %arg2[%dma_start3A_505, %dma_start3A_506] : memref<10240x64xbf16, #tpu.memory_space<hbm>> -> memref<10240x64xbf16, #tpu.memory_space<hbm>>
        tpu.enqueue_indirect_dma source(%dma_start3A_507 : memref<10240x64xbf16, #tpu.memory_space<hbm>>) target(%arg14 : memref<128x64xbf16, #tpu.memory_space<vmem>>) offsets(%dma_start3A_504 : memref<128xi32, #tpu.memory_space<vmem>>) semaphore(%arg26 : memref<!tpu.dma_semaphore, #tpu.memory_space<semaphore_mem>>)
      } else {
      }
      %mul3A_463 = arith.constant 10 : i32
      %mul3A_464 = arith.muli %mul3A_463, %while3A_214 : i32
      %add3A_465 = arith.constant 9 : i32
      %add3A_466 = arith.addi %mul3A_464, %add3A_465 : i32
      %dma_wait3A_467 = arith.constant 0 : i32
      %dma_wait3A_468 = tpu.memref_slice %arg5[%add3A_466, %dma_wait3A_467] : memref<80x128xi32, #tpu.memory_space<vmem>> -> memref<1x128xi32, #tpu.memory_space<vmem>>
      %dma_wait3A_469 = tpu.memref_squeeze %dma_wait3A_468 : memref<1x128xi32, #tpu.memory_space<vmem>> -> memref<128xi32, #tpu.memory_space<vmem>>
      %dma_wait3A_470 = arith.constant 0 : i32
      %dma_wait3A_471 = arith.constant 0 : i32
      %dma_wait3A_472 = tpu.memref_slice %arg2[%dma_wait3A_470, %dma_wait3A_471] : memref<10240x64xbf16, #tpu.memory_space<hbm>> -> memref<10240x64xbf16, #tpu.memory_space<hbm>>
      tpu.wait_indirect_dma semaphore(%arg28 : memref<!tpu.dma_semaphore, #tpu.memory_space<semaphore_mem>>) src(%dma_wait3A_472 : memref<10240x64xbf16, #tpu.memory_space<hbm>>) dst(%arg16 : memref<128x64xbf16, #tpu.memory_space<vmem>>)
      %dma_start3A_473 = arith.constant 0 : i32
      %dma_start3A_474 = tpu.memref_slice %arg6[%add3A_466, %dma_start3A_473] : memref<80x128xi32, #tpu.memory_space<vmem>> -> memref<1x128xi32, #tpu.memory_space<vmem>>
      %dma_start3A_475 = tpu.memref_squeeze %dma_start3A_474 : memref<1x128xi32, #tpu.memory_space<vmem>> -> memref<128xi32, #tpu.memory_space<vmem>>
      %dma_start3A_476 = arith.constant 0 : i32
      %dma_start3A_477 = arith.constant 0 : i32
      %dma_start3A_478 = tpu.memref_slice %arg18[%dma_start3A_476, %dma_start3A_477] : memref<10240x64xbf16, #tpu.memory_space<vmem_shared>> -> memref<10240x64xbf16, #tpu.memory_space<vmem_shared>>
      tpu.enqueue_indirect_dma source(%arg16 : memref<128x64xbf16, #tpu.memory_space<vmem>>) target(%dma_start3A_478 : memref<10240x64xbf16, #tpu.memory_space<vmem_shared>>) offsets(%dma_start3A_475 : memref<128xi32, #tpu.memory_space<vmem>>) semaphore(%arg38 : memref<!tpu.dma_semaphore, #tpu.memory_space<semaphore_mem>>) {add = true}
      %add3A_479 = arith.constant 10 : i32
      %add3A_480 = arith.addi %add3A_466, %add3A_479 : i32
      %sub3A_481 = arith.constant 1 : i32
      %sub3A_482 = arith.subi %add3A_480, %sub3A_481 : i32
      %lt3A_483 = arith.cmpi slt, %sub3A_482, %select_n3A : i32
      %gt3A_484 = arith.constant 0 : i32
      %gt3A_485 = arith.cmpi sgt, %add3A_466, %gt3A_484 : i32
      %and3A_486 = arith.andi %lt3A_483, %gt3A_485 : i1
      %convert_element_type3A_487 = arith.extui %and3A_486 : i1 to i32
      %cond3A_488 = arith.constant 0 : i32
      %cond3A_489 = arith.cmpi ne, %convert_element_type3A_487, %cond3A_488 : i32
      scf.if %cond3A_489 {
        %dma_wait3A_491 = arith.constant 0 : i32
        %dma_wait3A_492 = arith.constant 0 : i32
        %dma_wait3A_493 = tpu.memref_slice %arg6[%dma_wait3A_491, %dma_wait3A_492] : memref<80x128xi32, #tpu.memory_space<vmem>> -> memref<1x128xi32, #tpu.memory_space<vmem>>
        %dma_wait3A_494 = tpu.memref_squeeze %dma_wait3A_493 : memref<1x128xi32, #tpu.memory_space<vmem>> -> memref<128xi32, #tpu.memory_space<vmem>>
        %dma_wait3A_495 = arith.constant 0 : i32
        %dma_wait3A_496 = arith.constant 0 : i32
        %dma_wait3A_497 = tpu.memref_slice %arg18[%dma_wait3A_495, %dma_wait3A_496] : memref<10240x64xbf16, #tpu.memory_space<vmem_shared>> -> memref<10240x64xbf16, #tpu.memory_space<vmem_shared>>
        tpu.wait_indirect_dma semaphore(%arg37 : memref<!tpu.dma_semaphore, #tpu.memory_space<semaphore_mem>>) src(%arg15 : memref<128x64xbf16, #tpu.memory_space<vmem>>) dst(%dma_wait3A_497 : memref<10240x64xbf16, #tpu.memory_space<vmem_shared>>)
        %add3A_498 = arith.constant 10 : i32
        %add3A_499 = arith.addi %add3A_466, %add3A_498 : i32
        %sub3A_500 = arith.constant 1 : i32
        %sub3A_501 = arith.subi %add3A_499, %sub3A_500 : i32
        %dma_start3A_502 = arith.constant 0 : i32
        %dma_start3A_503 = tpu.memref_slice %arg5[%sub3A_501, %dma_start3A_502] : memref<80x128xi32, #tpu.memory_space<vmem>> -> memref<1x128xi32, #tpu.memory_space<vmem>>
        %dma_start3A_504 = tpu.memref_squeeze %dma_start3A_503 : memref<1x128xi32, #tpu.memory_space<vmem>> -> memref<128xi32, #tpu.memory_space<vmem>>
        %dma_start3A_505 = arith.constant 0 : i32
        %dma_start3A_506 = arith.constant 0 : i32
        %dma_start3A_507 = tpu.memref_slice %arg2[%dma_start3A_505, %dma_start3A_506] : memref<10240x64xbf16, #tpu.memory_space<hbm>> -> memref<10240x64xbf16, #tpu.memory_space<hbm>>
        tpu.enqueue_indirect_dma source(%dma_start3A_507 : memref<10240x64xbf16, #tpu.memory_space<hbm>>) target(%arg15 : memref<128x64xbf16, #tpu.memory_space<vmem>>) offsets(%dma_start3A_504 : memref<128xi32, #tpu.memory_space<vmem>>) semaphore(%arg27 : memref<!tpu.dma_semaphore, #tpu.memory_space<semaphore_mem>>)
      } else {
      }
      %while3A_490 = arith.constant 0 : i32
      scf.yield %while3A_490 : i32
    }
    %dma_wait3A = arith.constant 0 : i32
    %dma_wait3A_138 = arith.constant 0 : i32
    %dma_wait3A_139 = tpu.memref_slice %arg6[%dma_wait3A, %dma_wait3A_138] : memref<80x128xi32, #tpu.memory_space<vmem>> -> memref<1x128xi32, #tpu.memory_space<vmem>>
    %dma_wait3A_140 = tpu.memref_squeeze %dma_wait3A_139 : memref<1x128xi32, #tpu.memory_space<vmem>> -> memref<128xi32, #tpu.memory_space<vmem>>
    %dma_wait3A_141 = arith.constant 0 : i32
    %dma_wait3A_142 = arith.constant 0 : i32
    %dma_wait3A_143 = tpu.memref_slice %arg18[%dma_wait3A_141, %dma_wait3A_142] : memref<10240x64xbf16, #tpu.memory_space<vmem_shared>> -> memref<10240x64xbf16, #tpu.memory_space<vmem_shared>>
    tpu.wait_indirect_dma semaphore(%arg29 : memref<!tpu.dma_semaphore, #tpu.memory_space<semaphore_mem>>) src(%arg7 : memref<128x64xbf16, #tpu.memory_space<vmem>>) dst(%dma_wait3A_143 : memref<10240x64xbf16, #tpu.memory_space<vmem_shared>>)
    %dma_wait3A_144 = arith.constant 0 : i32
    %dma_wait3A_145 = arith.constant 0 : i32
    %dma_wait3A_146 = tpu.memref_slice %arg6[%dma_wait3A_144, %dma_wait3A_145] : memref<80x128xi32, #tpu.memory_space<vmem>> -> memref<1x128xi32, #tpu.memory_space<vmem>>
    %dma_wait3A_147 = tpu.memref_squeeze %dma_wait3A_146 : memref<1x128xi32, #tpu.memory_space<vmem>> -> memref<128xi32, #tpu.memory_space<vmem>>
    %dma_wait3A_148 = arith.constant 0 : i32
    %dma_wait3A_149 = arith.constant 0 : i32
    %dma_wait3A_150 = tpu.memref_slice %arg18[%dma_wait3A_148, %dma_wait3A_149] : memref<10240x64xbf16, #tpu.memory_space<vmem_shared>> -> memref<10240x64xbf16, #tpu.memory_space<vmem_shared>>
    tpu.wait_indirect_dma semaphore(%arg30 : memref<!tpu.dma_semaphore, #tpu.memory_space<semaphore_mem>>) src(%arg8 : memref<128x64xbf16, #tpu.memory_space<vmem>>) dst(%dma_wait3A_150 : memref<10240x64xbf16, #tpu.memory_space<vmem_shared>>)
    %dma_wait3A_151 = arith.constant 0 : i32
    %dma_wait3A_152 = arith.constant 0 : i32
    %dma_wait3A_153 = tpu.memref_slice %arg6[%dma_wait3A_151, %dma_wait3A_152] : memref<80x128xi32, #tpu.memory_space<vmem>> -> memref<1x128xi32, #tpu.memory_space<vmem>>
    %dma_wait3A_154 = tpu.memref_squeeze %dma_wait3A_153 : memref<1x128xi32, #tpu.memory_space<vmem>> -> memref<128xi32, #tpu.memory_space<vmem>>
    %dma_wait3A_155 = arith.constant 0 : i32
    %dma_wait3A_156 = arith.constant 0 : i32
    %dma_wait3A_157 = tpu.memref_slice %arg18[%dma_wait3A_155, %dma_wait3A_156] : memref<10240x64xbf16, #tpu.memory_space<vmem_shared>> -> memref<10240x64xbf16, #tpu.memory_space<vmem_shared>>
    tpu.wait_indirect_dma semaphore(%arg31 : memref<!tpu.dma_semaphore, #tpu.memory_space<semaphore_mem>>) src(%arg9 : memref<128x64xbf16, #tpu.memory_space<vmem>>) dst(%dma_wait3A_157 : memref<10240x64xbf16, #tpu.memory_space<vmem_shared>>)
    %dma_wait3A_158 = arith.constant 0 : i32
    %dma_wait3A_159 = arith.constant 0 : i32
    %dma_wait3A_160 = tpu.memref_slice %arg6[%dma_wait3A_158, %dma_wait3A_159] : memref<80x128xi32, #tpu.memory_space<vmem>> -> memref<1x128xi32, #tpu.memory_space<vmem>>
    %dma_wait3A_161 = tpu.memref_squeeze %dma_wait3A_160 : memref<1x128xi32, #tpu.memory_space<vmem>> -> memref<128xi32, #tpu.memory_space<vmem>>
    %dma_wait3A_162 = arith.constant 0 : i32
    %dma_wait3A_163 = arith.constant 0 : i32
    %dma_wait3A_164 = tpu.memref_slice %arg18[%dma_wait3A_162, %dma_wait3A_163] : memref<10240x64xbf16, #tpu.memory_space<vmem_shared>> -> memref<10240x64xbf16, #tpu.memory_space<vmem_shared>>
    tpu.wait_indirect_dma semaphore(%arg32 : memref<!tpu.dma_semaphore, #tpu.memory_space<semaphore_mem>>) src(%arg10 : memref<128x64xbf16, #tpu.memory_space<vmem>>) dst(%dma_wait3A_164 : memref<10240x64xbf16, #tpu.memory_space<vmem_shared>>)
    %dma_wait3A_165 = arith.constant 0 : i32
    %dma_wait3A_166 = arith.constant 0 : i32
    %dma_wait3A_167 = tpu.memref_slice %arg6[%dma_wait3A_165, %dma_wait3A_166] : memref<80x128xi32, #tpu.memory_space<vmem>> -> memref<1x128xi32, #tpu.memory_space<vmem>>
    %dma_wait3A_168 = tpu.memref_squeeze %dma_wait3A_167 : memref<1x128xi32, #tpu.memory_space<vmem>> -> memref<128xi32, #tpu.memory_space<vmem>>
    %dma_wait3A_169 = arith.constant 0 : i32
    %dma_wait3A_170 = arith.constant 0 : i32
    %dma_wait3A_171 = tpu.memref_slice %arg18[%dma_wait3A_169, %dma_wait3A_170] : memref<10240x64xbf16, #tpu.memory_space<vmem_shared>> -> memref<10240x64xbf16, #tpu.memory_space<vmem_shared>>
    tpu.wait_indirect_dma semaphore(%arg33 : memref<!tpu.dma_semaphore, #tpu.memory_space<semaphore_mem>>) src(%arg11 : memref<128x64xbf16, #tpu.memory_space<vmem>>) dst(%dma_wait3A_171 : memref<10240x64xbf16, #tpu.memory_space<vmem_shared>>)
    %dma_wait3A_172 = arith.constant 0 : i32
    %dma_wait3A_173 = arith.constant 0 : i32
    %dma_wait3A_174 = tpu.memref_slice %arg6[%dma_wait3A_172, %dma_wait3A_173] : memref<80x128xi32, #tpu.memory_space<vmem>> -> memref<1x128xi32, #tpu.memory_space<vmem>>
    %dma_wait3A_175 = tpu.memref_squeeze %dma_wait3A_174 : memref<1x128xi32, #tpu.memory_space<vmem>> -> memref<128xi32, #tpu.memory_space<vmem>>
    %dma_wait3A_176 = arith.constant 0 : i32
    %dma_wait3A_177 = arith.constant 0 : i32
    %dma_wait3A_178 = tpu.memref_slice %arg18[%dma_wait3A_176, %dma_wait3A_177] : memref<10240x64xbf16, #tpu.memory_space<vmem_shared>> -> memref<10240x64xbf16, #tpu.memory_space<vmem_shared>>
    tpu.wait_indirect_dma semaphore(%arg34 : memref<!tpu.dma_semaphore, #tpu.memory_space<semaphore_mem>>) src(%arg12 : memref<128x64xbf16, #tpu.memory_space<vmem>>) dst(%dma_wait3A_178 : memref<10240x64xbf16, #tpu.memory_space<vmem_shared>>)
    %dma_wait3A_179 = arith.constant 0 : i32
    %dma_wait3A_180 = arith.constant 0 : i32
    %dma_wait3A_181 = tpu.memref_slice %arg6[%dma_wait3A_179, %dma_wait3A_180] : memref<80x128xi32, #tpu.memory_space<vmem>> -> memref<1x128xi32, #tpu.memory_space<vmem>>
    %dma_wait3A_182 = tpu.memref_squeeze %dma_wait3A_181 : memref<1x128xi32, #tpu.memory_space<vmem>> -> memref<128xi32, #tpu.memory_space<vmem>>
    %dma_wait3A_183 = arith.constant 0 : i32
    %dma_wait3A_184 = arith.constant 0 : i32
    %dma_wait3A_185 = tpu.memref_slice %arg18[%dma_wait3A_183, %dma_wait3A_184] : memref<10240x64xbf16, #tpu.memory_space<vmem_shared>> -> memref<10240x64xbf16, #tpu.memory_space<vmem_shared>>
    tpu.wait_indirect_dma semaphore(%arg35 : memref<!tpu.dma_semaphore, #tpu.memory_space<semaphore_mem>>) src(%arg13 : memref<128x64xbf16, #tpu.memory_space<vmem>>) dst(%dma_wait3A_185 : memref<10240x64xbf16, #tpu.memory_space<vmem_shared>>)
    %dma_wait3A_186 = arith.constant 0 : i32
    %dma_wait3A_187 = arith.constant 0 : i32
    %dma_wait3A_188 = tpu.memref_slice %arg6[%dma_wait3A_186, %dma_wait3A_187] : memref<80x128xi32, #tpu.memory_space<vmem>> -> memref<1x128xi32, #tpu.memory_space<vmem>>
    %dma_wait3A_189 = tpu.memref_squeeze %dma_wait3A_188 : memref<1x128xi32, #tpu.memory_space<vmem>> -> memref<128xi32, #tpu.memory_space<vmem>>
    %dma_wait3A_190 = arith.constant 0 : i32
    %dma_wait3A_191 = arith.constant 0 : i32
    %dma_wait3A_192 = tpu.memref_slice %arg18[%dma_wait3A_190, %dma_wait3A_191] : memref<10240x64xbf16, #tpu.memory_space<vmem_shared>> -> memref<10240x64xbf16, #tpu.memory_space<vmem_shared>>
    tpu.wait_indirect_dma semaphore(%arg36 : memref<!tpu.dma_semaphore, #tpu.memory_space<semaphore_mem>>) src(%arg14 : memref<128x64xbf16, #tpu.memory_space<vmem>>) dst(%dma_wait3A_192 : memref<10240x64xbf16, #tpu.memory_space<vmem_shared>>)
    %dma_wait3A_193 = arith.constant 0 : i32
    %dma_wait3A_194 = arith.constant 0 : i32
    %dma_wait3A_195 = tpu.memref_slice %arg6[%dma_wait3A_193, %dma_wait3A_194] : memref<80x128xi32, #tpu.memory_space<vmem>> -> memref<1x128xi32, #tpu.memory_space<vmem>>
    %dma_wait3A_196 = tpu.memref_squeeze %dma_wait3A_195 : memref<1x128xi32, #tpu.memory_space<vmem>> -> memref<128xi32, #tpu.memory_space<vmem>>
    %dma_wait3A_197 = arith.constant 0 : i32
    %dma_wait3A_198 = arith.constant 0 : i32
    %dma_wait3A_199 = tpu.memref_slice %arg18[%dma_wait3A_197, %dma_wait3A_198] : memref<10240x64xbf16, #tpu.memory_space<vmem_shared>> -> memref<10240x64xbf16, #tpu.memory_space<vmem_shared>>
    tpu.wait_indirect_dma semaphore(%arg37 : memref<!tpu.dma_semaphore, #tpu.memory_space<semaphore_mem>>) src(%arg15 : memref<128x64xbf16, #tpu.memory_space<vmem>>) dst(%dma_wait3A_199 : memref<10240x64xbf16, #tpu.memory_space<vmem_shared>>)
    %dma_wait3A_200 = arith.constant 0 : i32
    %dma_wait3A_201 = arith.constant 0 : i32
    %dma_wait3A_202 = tpu.memref_slice %arg6[%dma_wait3A_200, %dma_wait3A_201] : memref<80x128xi32, #tpu.memory_space<vmem>> -> memref<1x128xi32, #tpu.memory_space<vmem>>
    %dma_wait3A_203 = tpu.memref_squeeze %dma_wait3A_202 : memref<1x128xi32, #tpu.memory_space<vmem>> -> memref<128xi32, #tpu.memory_space<vmem>>
    %dma_wait3A_204 = arith.constant 0 : i32
    %dma_wait3A_205 = arith.constant 0 : i32
    %dma_wait3A_206 = tpu.memref_slice %arg18[%dma_wait3A_204, %dma_wait3A_205] : memref<10240x64xbf16, #tpu.memory_space<vmem_shared>> -> memref<10240x64xbf16, #tpu.memory_space<vmem_shared>>
    tpu.wait_indirect_dma semaphore(%arg38 : memref<!tpu.dma_semaphore, #tpu.memory_space<semaphore_mem>>) src(%arg16 : memref<128x64xbf16, #tpu.memory_space<vmem>>) dst(%dma_wait3A_206 : memref<10240x64xbf16, #tpu.memory_space<vmem_shared>>)
    %barrier3A_207 = arith.constant 0 : index
    tpu.barrier barrier_id(%barrier3A_207)
    %mul3A_208 = arith.constant 640 : i32
    %mul3A_209 = arith.muli %arg1, %mul3A_208 : i32
    %mul3A_210 = arith.constant 640 : i32
    %mul3A_211 = arith.muli %arg1, %mul3A_210 : i32
    %mul3A_212 = arith.constant 64 : i32
    %mul3A_213 = arith.muli %arg0, %mul3A_212 : i32
    "tpu.region"() ({
      %run_scoped3A = tpu.sem_alloc : memref<!tpu.dma_semaphore, #tpu.memory_space<semaphore_mem>>
      %dma_start3A_214 = tpu.memref_slice %arg4[%mul3A_211, %mul3A_213] : memref<10240x128xbf16, #tpu.memory_space<hbm>> -> memref<640x64xbf16, #tpu.memory_space<hbm>>
      %dma_start3A_215 = arith.constant 0 : i32
      %dma_start3A_216 = tpu.memref_slice %arg18[%mul3A_209, %dma_start3A_215] : memref<10240x64xbf16, #tpu.memory_space<vmem_shared>> -> memref<640x64xbf16, #tpu.memory_space<vmem_shared>>
      tpu.enqueue_dma source(%dma_start3A_216 : memref<640x64xbf16, #tpu.memory_space<vmem_shared>>) target(%dma_start3A_214 : memref<640x64xbf16, #tpu.memory_space<hbm>>) target_semaphore(%run_scoped3A : memref<!tpu.dma_semaphore, #tpu.memory_space<semaphore_mem>>)
      %dma_wait3A_217 = tpu.memref_slice %arg4[%mul3A_211, %mul3A_213] : memref<10240x128xbf16, #tpu.memory_space<hbm>> -> memref<640x64xbf16, #tpu.memory_space<hbm>>
      %dma_wait3A_218 = arith.constant 0 : i32
      %dma_wait3A_219 = tpu.memref_slice %arg18[%mul3A_209, %dma_wait3A_218] : memref<10240x64xbf16, #tpu.memory_space<vmem_shared>> -> memref<640x64xbf16, #tpu.memory_space<vmem_shared>>
      tpu.wait_dma2 semaphore(%run_scoped3A : memref<!tpu.dma_semaphore, #tpu.memory_space<semaphore_mem>>) src(%dma_wait3A_219 : memref<640x64xbf16, #tpu.memory_space<vmem_shared>>) dst(%dma_wait3A_217 : memref<640x64xbf16, #tpu.memory_space<hbm>>)
      tpu.yield
    }) : () -> ()
    return
  }
}

#map = affine_map<(d0, d1) -> (0, 0, 0)>
#map1 = affine_map<(d0, d1) -> (0, 0)>
module attributes {stable_mosaic.version = 14 : i64} {
  func.func @_deg_body(%arg0: i32, %arg1: i32, %arg2: memref<2x2500x128xi32, #tpu.memory_space<hbm>>, %arg3: memref<2x10240xf32, #tpu.memory_space<hbm>>, %arg4: memref<80x128xi32, #tpu.memory_space<vmem>>, %arg5: memref<128xf32, #tpu.memory_space<vmem>>, %arg6: memref<640xf32, #tpu.memory_space<vmem>>, %arg7: memref<10240xf32, #tpu.memory_space<vmem_shared>>, %arg8: memref<!tpu.dma_semaphore, #tpu.memory_space<semaphore_mem>>, %arg9: memref<!tpu.dma_semaphore, #tpu.memory_space<semaphore_mem>>, %arg10: memref<!tpu.dma_semaphore, #tpu.memory_space<semaphore_mem>>, %arg11: memref<!tpu.dma_semaphore, #tpu.memory_space<semaphore_mem>>) attributes {dimension_semantics = [#tpu.dimension_semantics<core_parallel>, #tpu.dimension_semantics<subcore_parallel>], iteration_bounds = array<i64: 2, 16>, scalar_prefetch = 0 : i64, scratch_operands = 8 : i64, tpu.core_type = #tpu.core_type<sc_vector_subcore>, window_params = [{transform_indices = #map}, {transform_indices = #map1}]} {
    %mul3A = arith.constant 16 : i32
    %mul3A_0 = arith.muli %arg0, %mul3A : i32
    %add3A = arith.addi %mul3A_0, %arg1 : i32
    %eq3A = arith.constant 31 : i32
    %eq3A_1 = arith.cmpi eq, %add3A, %eq3A : i32
    %jit3A = arith.constant 20 : i32
    %jit3A_2 = arith.constant 80 : i32
    %select_n3A = arith.select %eq3A_1, %jit3A, %jit3A_2 : i32
    %broadcast_in_dim3A = arith.constant 1.000000e+00 : f32
    %broadcast_in_dim3A_3 = vector.broadcast %broadcast_in_dim3A : f32 to vector<16xf32>
    %broadcast_in_dim3A_4 = arith.constant 0.000000e+00 : f32
    %broadcast_in_dim3A_5 = vector.broadcast %broadcast_in_dim3A_4 : f32 to vector<16xf32>
    %swap3A = arith.constant 0 : index
    %swap3A_6 = tpu.vector_load %arg5[%swap3A] {strides = array<i32>} : memref<128xf32, #tpu.memory_space<vmem>>, vector<16xf32>,
    %swap3A_7 = vector.shape_cast %swap3A_6 : vector<16xf32> to vector<16xf32>
    %swap3A_8 = vector.shape_cast %broadcast_in_dim3A_3 : vector<16xf32> to vector<16xf32>
    tpu.vector_store %arg5[%swap3A], %swap3A_8 {strides = array<i32>} : memref<128xf32, #tpu.memory_space<vmem>>, vector<16xf32>,
    %swap3A_9 = arith.constant 16 : index
    %swap3A_10 = tpu.vector_load %arg5[%swap3A_9] {strides = array<i32>} : memref<128xf32, #tpu.memory_space<vmem>>, vector<16xf32>,
    %swap3A_11 = vector.shape_cast %swap3A_10 : vector<16xf32> to vector<16xf32>
    %swap3A_12 = vector.shape_cast %broadcast_in_dim3A_3 : vector<16xf32> to vector<16xf32>
    tpu.vector_store %arg5[%swap3A_9], %swap3A_12 {strides = array<i32>} : memref<128xf32, #tpu.memory_space<vmem>>, vector<16xf32>,
    %swap3A_13 = arith.constant 32 : index
    %swap3A_14 = tpu.vector_load %arg5[%swap3A_13] {strides = array<i32>} : memref<128xf32, #tpu.memory_space<vmem>>, vector<16xf32>,
    %swap3A_15 = vector.shape_cast %swap3A_14 : vector<16xf32> to vector<16xf32>
    %swap3A_16 = vector.shape_cast %broadcast_in_dim3A_3 : vector<16xf32> to vector<16xf32>
    tpu.vector_store %arg5[%swap3A_13], %swap3A_16 {strides = array<i32>} : memref<128xf32, #tpu.memory_space<vmem>>, vector<16xf32>,
    %swap3A_17 = arith.constant 48 : index
    %swap3A_18 = tpu.vector_load %arg5[%swap3A_17] {strides = array<i32>} : memref<128xf32, #tpu.memory_space<vmem>>, vector<16xf32>,
    %swap3A_19 = vector.shape_cast %swap3A_18 : vector<16xf32> to vector<16xf32>
    %swap3A_20 = vector.shape_cast %broadcast_in_dim3A_3 : vector<16xf32> to vector<16xf32>
    tpu.vector_store %arg5[%swap3A_17], %swap3A_20 {strides = array<i32>} : memref<128xf32, #tpu.memory_space<vmem>>, vector<16xf32>,
    %swap3A_21 = arith.constant 64 : index
    %swap3A_22 = tpu.vector_load %arg5[%swap3A_21] {strides = array<i32>} : memref<128xf32, #tpu.memory_space<vmem>>, vector<16xf32>,
    %swap3A_23 = vector.shape_cast %swap3A_22 : vector<16xf32> to vector<16xf32>
    %swap3A_24 = vector.shape_cast %broadcast_in_dim3A_3 : vector<16xf32> to vector<16xf32>
    tpu.vector_store %arg5[%swap3A_21], %swap3A_24 {strides = array<i32>} : memref<128xf32, #tpu.memory_space<vmem>>, vector<16xf32>,
    %swap3A_25 = arith.constant 80 : index
    %swap3A_26 = tpu.vector_load %arg5[%swap3A_25] {strides = array<i32>} : memref<128xf32, #tpu.memory_space<vmem>>, vector<16xf32>,
    %swap3A_27 = vector.shape_cast %swap3A_26 : vector<16xf32> to vector<16xf32>
    %swap3A_28 = vector.shape_cast %broadcast_in_dim3A_3 : vector<16xf32> to vector<16xf32>
    tpu.vector_store %arg5[%swap3A_25], %swap3A_28 {strides = array<i32>} : memref<128xf32, #tpu.memory_space<vmem>>, vector<16xf32>,
    %swap3A_29 = arith.constant 96 : index
    %swap3A_30 = tpu.vector_load %arg5[%swap3A_29] {strides = array<i32>} : memref<128xf32, #tpu.memory_space<vmem>>, vector<16xf32>,
    %swap3A_31 = vector.shape_cast %swap3A_30 : vector<16xf32> to vector<16xf32>
    %swap3A_32 = vector.shape_cast %broadcast_in_dim3A_3 : vector<16xf32> to vector<16xf32>
    tpu.vector_store %arg5[%swap3A_29], %swap3A_32 {strides = array<i32>} : memref<128xf32, #tpu.memory_space<vmem>>, vector<16xf32>,
    %swap3A_33 = arith.constant 112 : index
    %swap3A_34 = tpu.vector_load %arg5[%swap3A_33] {strides = array<i32>} : memref<128xf32, #tpu.memory_space<vmem>>, vector<16xf32>,
    %swap3A_35 = vector.shape_cast %swap3A_34 : vector<16xf32> to vector<16xf32>
    %swap3A_36 = vector.shape_cast %broadcast_in_dim3A_3 : vector<16xf32> to vector<16xf32>
    tpu.vector_store %arg5[%swap3A_33], %swap3A_36 {strides = array<i32>} : memref<128xf32, #tpu.memory_space<vmem>>, vector<16xf32>,
    %swap3A_37 = arith.constant 0 : index
    %swap3A_38 = tpu.vector_load %arg6[%swap3A_37] {strides = array<i32>} : memref<640xf32, #tpu.memory_space<vmem>>, vector<16xf32>,
    %swap3A_39 = vector.shape_cast %swap3A_38 : vector<16xf32> to vector<16xf32>
    %swap3A_40 = vector.shape_cast %broadcast_in_dim3A_5 : vector<16xf32> to vector<16xf32>
    tpu.vector_store %arg6[%swap3A_37], %swap3A_40 {strides = array<i32>} : memref<640xf32, #tpu.memory_space<vmem>>, vector<16xf32>,
    %swap3A_41 = arith.constant 16 : index
    %swap3A_42 = tpu.vector_load %arg6[%swap3A_41] {strides = array<i32>} : memref<640xf32, #tpu.memory_space<vmem>>, vector<16xf32>,
    %swap3A_43 = vector.shape_cast %swap3A_42 : vector<16xf32> to vector<16xf32>
    %swap3A_44 = vector.shape_cast %broadcast_in_dim3A_5 : vector<16xf32> to vector<16xf32>
    tpu.vector_store %arg6[%swap3A_41], %swap3A_44 {strides = array<i32>} : memref<640xf32, #tpu.memory_space<vmem>>, vector<16xf32>,
    %swap3A_45 = arith.constant 32 : index
    %swap3A_46 = tpu.vector_load %arg6[%swap3A_45] {strides = array<i32>} : memref<640xf32, #tpu.memory_space<vmem>>, vector<16xf32>,
    %swap3A_47 = vector.shape_cast %swap3A_46 : vector<16xf32> to vector<16xf32>
    %swap3A_48 = vector.shape_cast %broadcast_in_dim3A_5 : vector<16xf32> to vector<16xf32>
    tpu.vector_store %arg6[%swap3A_45], %swap3A_48 {strides = array<i32>} : memref<640xf32, #tpu.memory_space<vmem>>, vector<16xf32>,
    %swap3A_49 = arith.constant 48 : index
    %swap3A_50 = tpu.vector_load %arg6[%swap3A_49] {strides = array<i32>} : memref<640xf32, #tpu.memory_space<vmem>>, vector<16xf32>,
    %swap3A_51 = vector.shape_cast %swap3A_50 : vector<16xf32> to vector<16xf32>
    %swap3A_52 = vector.shape_cast %broadcast_in_dim3A_5 : vector<16xf32> to vector<16xf32>
    tpu.vector_store %arg6[%swap3A_49], %swap3A_52 {strides = array<i32>} : memref<640xf32, #tpu.memory_space<vmem>>, vector<16xf32>,
    %swap3A_53 = arith.constant 64 : index
    %swap3A_54 = tpu.vector_load %arg6[%swap3A_53] {strides = array<i32>} : memref<640xf32, #tpu.memory_space<vmem>>, vector<16xf32>,
    %swap3A_55 = vector.shape_cast %swap3A_54 : vector<16xf32> to vector<16xf32>
    %swap3A_56 = vector.shape_cast %broadcast_in_dim3A_5 : vector<16xf32> to vector<16xf32>
    tpu.vector_store %arg6[%swap3A_53], %swap3A_56 {strides = array<i32>} : memref<640xf32, #tpu.memory_space<vmem>>, vector<16xf32>,
    %swap3A_57 = arith.constant 80 : index
    %swap3A_58 = tpu.vector_load %arg6[%swap3A_57] {strides = array<i32>} : memref<640xf32, #tpu.memory_space<vmem>>, vector<16xf32>,
    %swap3A_59 = vector.shape_cast %swap3A_58 : vector<16xf32> to vector<16xf32>
    %swap3A_60 = vector.shape_cast %broadcast_in_dim3A_5 : vector<16xf32> to vector<16xf32>
    tpu.vector_store %arg6[%swap3A_57], %swap3A_60 {strides = array<i32>} : memref<640xf32, #tpu.memory_space<vmem>>, vector<16xf32>,
    %swap3A_61 = arith.constant 96 : index
    %swap3A_62 = tpu.vector_load %arg6[%swap3A_61] {strides = array<i32>} : memref<640xf32, #tpu.memory_space<vmem>>, vector<16xf32>,
    %swap3A_63 = vector.shape_cast %swap3A_62 : vector<16xf32> to vector<16xf32>
    %swap3A_64 = vector.shape_cast %broadcast_in_dim3A_5 : vector<16xf32> to vector<16xf32>
    tpu.vector_store %arg6[%swap3A_61], %swap3A_64 {strides = array<i32>} : memref<640xf32, #tpu.memory_space<vmem>>, vector<16xf32>,
    %swap3A_65 = arith.constant 112 : index
    %swap3A_66 = tpu.vector_load %arg6[%swap3A_65] {strides = array<i32>} : memref<640xf32, #tpu.memory_space<vmem>>, vector<16xf32>,
    %swap3A_67 = vector.shape_cast %swap3A_66 : vector<16xf32> to vector<16xf32>
    %swap3A_68 = vector.shape_cast %broadcast_in_dim3A_5 : vector<16xf32> to vector<16xf32>
    tpu.vector_store %arg6[%swap3A_65], %swap3A_68 {strides = array<i32>} : memref<640xf32, #tpu.memory_space<vmem>>, vector<16xf32>,
    %swap3A_69 = arith.constant 128 : index
    %swap3A_70 = tpu.vector_load %arg6[%swap3A_69] {strides = array<i32>} : memref<640xf32, #tpu.memory_space<vmem>>, vector<16xf32>,
    %swap3A_71 = vector.shape_cast %swap3A_70 : vector<16xf32> to vector<16xf32>
    %swap3A_72 = vector.shape_cast %broadcast_in_dim3A_5 : vector<16xf32> to vector<16xf32>
    tpu.vector_store %arg6[%swap3A_69], %swap3A_72 {strides = array<i32>} : memref<640xf32, #tpu.memory_space<vmem>>, vector<16xf32>,
    %swap3A_73 = arith.constant 144 : index
    %swap3A_74 = tpu.vector_load %arg6[%swap3A_73] {strides = array<i32>} : memref<640xf32, #tpu.memory_space<vmem>>, vector<16xf32>,
    %swap3A_75 = vector.shape_cast %swap3A_74 : vector<16xf32> to vector<16xf32>
    %swap3A_76 = vector.shape_cast %broadcast_in_dim3A_5 : vector<16xf32> to vector<16xf32>
    tpu.vector_store %arg6[%swap3A_73], %swap3A_76 {strides = array<i32>} : memref<640xf32, #tpu.memory_space<vmem>>, vector<16xf32>,
    %swap3A_77 = arith.constant 160 : index
    %swap3A_78 = tpu.vector_load %arg6[%swap3A_77] {strides = array<i32>} : memref<640xf32, #tpu.memory_space<vmem>>, vector<16xf32>,
    %swap3A_79 = vector.shape_cast %swap3A_78 : vector<16xf32> to vector<16xf32>
    %swap3A_80 = vector.shape_cast %broadcast_in_dim3A_5 : vector<16xf32> to vector<16xf32>
    tpu.vector_store %arg6[%swap3A_77], %swap3A_80 {strides = array<i32>} : memref<640xf32, #tpu.memory_space<vmem>>, vector<16xf32>,
    %swap3A_81 = arith.constant 176 : index
    %swap3A_82 = tpu.vector_load %arg6[%swap3A_81] {strides = array<i32>} : memref<640xf32, #tpu.memory_space<vmem>>, vector<16xf32>,
    %swap3A_83 = vector.shape_cast %swap3A_82 : vector<16xf32> to vector<16xf32>
    %swap3A_84 = vector.shape_cast %broadcast_in_dim3A_5 : vector<16xf32> to vector<16xf32>
    tpu.vector_store %arg6[%swap3A_81], %swap3A_84 {strides = array<i32>} : memref<640xf32, #tpu.memory_space<vmem>>, vector<16xf32>,
    %swap3A_85 = arith.constant 192 : index
    %swap3A_86 = tpu.vector_load %arg6[%swap3A_85] {strides = array<i32>} : memref<640xf32, #tpu.memory_space<vmem>>, vector<16xf32>,
    %swap3A_87 = vector.shape_cast %swap3A_86 : vector<16xf32> to vector<16xf32>
    %swap3A_88 = vector.shape_cast %broadcast_in_dim3A_5 : vector<16xf32> to vector<16xf32>
    tpu.vector_store %arg6[%swap3A_85], %swap3A_88 {strides = array<i32>} : memref<640xf32, #tpu.memory_space<vmem>>, vector<16xf32>,
    %swap3A_89 = arith.constant 208 : index
    %swap3A_90 = tpu.vector_load %arg6[%swap3A_89] {strides = array<i32>} : memref<640xf32, #tpu.memory_space<vmem>>, vector<16xf32>,
    %swap3A_91 = vector.shape_cast %swap3A_90 : vector<16xf32> to vector<16xf32>
    %swap3A_92 = vector.shape_cast %broadcast_in_dim3A_5 : vector<16xf32> to vector<16xf32>
    tpu.vector_store %arg6[%swap3A_89], %swap3A_92 {strides = array<i32>} : memref<640xf32, #tpu.memory_space<vmem>>, vector<16xf32>,
    %swap3A_93 = arith.constant 224 : index
    %swap3A_94 = tpu.vector_load %arg6[%swap3A_93] {strides = array<i32>} : memref<640xf32, #tpu.memory_space<vmem>>, vector<16xf32>,
    %swap3A_95 = vector.shape_cast %swap3A_94 : vector<16xf32> to vector<16xf32>
    %swap3A_96 = vector.shape_cast %broadcast_in_dim3A_5 : vector<16xf32> to vector<16xf32>
    tpu.vector_store %arg6[%swap3A_93], %swap3A_96 {strides = array<i32>} : memref<640xf32, #tpu.memory_space<vmem>>, vector<16xf32>,
    %swap3A_97 = arith.constant 240 : index
    %swap3A_98 = tpu.vector_load %arg6[%swap3A_97] {strides = array<i32>} : memref<640xf32, #tpu.memory_space<vmem>>, vector<16xf32>,
    %swap3A_99 = vector.shape_cast %swap3A_98 : vector<16xf32> to vector<16xf32>
    %swap3A_100 = vector.shape_cast %broadcast_in_dim3A_5 : vector<16xf32> to vector<16xf32>
    tpu.vector_store %arg6[%swap3A_97], %swap3A_100 {strides = array<i32>} : memref<640xf32, #tpu.memory_space<vmem>>, vector<16xf32>,
    %swap3A_101 = arith.constant 256 : index
    %swap3A_102 = tpu.vector_load %arg6[%swap3A_101] {strides = array<i32>} : memref<640xf32, #tpu.memory_space<vmem>>, vector<16xf32>,
    %swap3A_103 = vector.shape_cast %swap3A_102 : vector<16xf32> to vector<16xf32>
    %swap3A_104 = vector.shape_cast %broadcast_in_dim3A_5 : vector<16xf32> to vector<16xf32>
    tpu.vector_store %arg6[%swap3A_101], %swap3A_104 {strides = array<i32>} : memref<640xf32, #tpu.memory_space<vmem>>, vector<16xf32>,
    %swap3A_105 = arith.constant 272 : index
    %swap3A_106 = tpu.vector_load %arg6[%swap3A_105] {strides = array<i32>} : memref<640xf32, #tpu.memory_space<vmem>>, vector<16xf32>,
    %swap3A_107 = vector.shape_cast %swap3A_106 : vector<16xf32> to vector<16xf32>
    %swap3A_108 = vector.shape_cast %broadcast_in_dim3A_5 : vector<16xf32> to vector<16xf32>
    tpu.vector_store %arg6[%swap3A_105], %swap3A_108 {strides = array<i32>} : memref<640xf32, #tpu.memory_space<vmem>>, vector<16xf32>,
    %swap3A_109 = arith.constant 288 : index
    %swap3A_110 = tpu.vector_load %arg6[%swap3A_109] {strides = array<i32>} : memref<640xf32, #tpu.memory_space<vmem>>, vector<16xf32>,
    %swap3A_111 = vector.shape_cast %swap3A_110 : vector<16xf32> to vector<16xf32>
    %swap3A_112 = vector.shape_cast %broadcast_in_dim3A_5 : vector<16xf32> to vector<16xf32>
    tpu.vector_store %arg6[%swap3A_109], %swap3A_112 {strides = array<i32>} : memref<640xf32, #tpu.memory_space<vmem>>, vector<16xf32>,
    %swap3A_113 = arith.constant 304 : index
    %swap3A_114 = tpu.vector_load %arg6[%swap3A_113] {strides = array<i32>} : memref<640xf32, #tpu.memory_space<vmem>>, vector<16xf32>,
    %swap3A_115 = vector.shape_cast %swap3A_114 : vector<16xf32> to vector<16xf32>
    %swap3A_116 = vector.shape_cast %broadcast_in_dim3A_5 : vector<16xf32> to vector<16xf32>
    tpu.vector_store %arg6[%swap3A_113], %swap3A_116 {strides = array<i32>} : memref<640xf32, #tpu.memory_space<vmem>>, vector<16xf32>,
    %swap3A_117 = arith.constant 320 : index
    %swap3A_118 = tpu.vector_load %arg6[%swap3A_117] {strides = array<i32>} : memref<640xf32, #tpu.memory_space<vmem>>, vector<16xf32>,
    %swap3A_119 = vector.shape_cast %swap3A_118 : vector<16xf32> to vector<16xf32>
    %swap3A_120 = vector.shape_cast %broadcast_in_dim3A_5 : vector<16xf32> to vector<16xf32>
    tpu.vector_store %arg6[%swap3A_117], %swap3A_120 {strides = array<i32>} : memref<640xf32, #tpu.memory_space<vmem>>, vector<16xf32>,
    %swap3A_121 = arith.constant 336 : index
    %swap3A_122 = tpu.vector_load %arg6[%swap3A_121] {strides = array<i32>} : memref<640xf32, #tpu.memory_space<vmem>>, vector<16xf32>,
    %swap3A_123 = vector.shape_cast %swap3A_122 : vector<16xf32> to vector<16xf32>
    %swap3A_124 = vector.shape_cast %broadcast_in_dim3A_5 : vector<16xf32> to vector<16xf32>
    tpu.vector_store %arg6[%swap3A_121], %swap3A_124 {strides = array<i32>} : memref<640xf32, #tpu.memory_space<vmem>>, vector<16xf32>,
    %swap3A_125 = arith.constant 352 : index
    %swap3A_126 = tpu.vector_load %arg6[%swap3A_125] {strides = array<i32>} : memref<640xf32, #tpu.memory_space<vmem>>, vector<16xf32>,
    %swap3A_127 = vector.shape_cast %swap3A_126 : vector<16xf32> to vector<16xf32>
    %swap3A_128 = vector.shape_cast %broadcast_in_dim3A_5 : vector<16xf32> to vector<16xf32>
    tpu.vector_store %arg6[%swap3A_125], %swap3A_128 {strides = array<i32>} : memref<640xf32, #tpu.memory_space<vmem>>, vector<16xf32>,
    %swap3A_129 = arith.constant 368 : index
    %swap3A_130 = tpu.vector_load %arg6[%swap3A_129] {strides = array<i32>} : memref<640xf32, #tpu.memory_space<vmem>>, vector<16xf32>,
    %swap3A_131 = vector.shape_cast %swap3A_130 : vector<16xf32> to vector<16xf32>
    %swap3A_132 = vector.shape_cast %broadcast_in_dim3A_5 : vector<16xf32> to vector<16xf32>
    tpu.vector_store %arg6[%swap3A_129], %swap3A_132 {strides = array<i32>} : memref<640xf32, #tpu.memory_space<vmem>>, vector<16xf32>,
    %swap3A_133 = arith.constant 384 : index
    %swap3A_134 = tpu.vector_load %arg6[%swap3A_133] {strides = array<i32>} : memref<640xf32, #tpu.memory_space<vmem>>, vector<16xf32>,
    %swap3A_135 = vector.shape_cast %swap3A_134 : vector<16xf32> to vector<16xf32>
    %swap3A_136 = vector.shape_cast %broadcast_in_dim3A_5 : vector<16xf32> to vector<16xf32>
    tpu.vector_store %arg6[%swap3A_133], %swap3A_136 {strides = array<i32>} : memref<640xf32, #tpu.memory_space<vmem>>, vector<16xf32>,
    %swap3A_137 = arith.constant 400 : index
    %swap3A_138 = tpu.vector_load %arg6[%swap3A_137] {strides = array<i32>} : memref<640xf32, #tpu.memory_space<vmem>>, vector<16xf32>,
    %swap3A_139 = vector.shape_cast %swap3A_138 : vector<16xf32> to vector<16xf32>
    %swap3A_140 = vector.shape_cast %broadcast_in_dim3A_5 : vector<16xf32> to vector<16xf32>
    tpu.vector_store %arg6[%swap3A_137], %swap3A_140 {strides = array<i32>} : memref<640xf32, #tpu.memory_space<vmem>>, vector<16xf32>,
    %swap3A_141 = arith.constant 416 : index
    %swap3A_142 = tpu.vector_load %arg6[%swap3A_141] {strides = array<i32>} : memref<640xf32, #tpu.memory_space<vmem>>, vector<16xf32>,
    %swap3A_143 = vector.shape_cast %swap3A_142 : vector<16xf32> to vector<16xf32>
    %swap3A_144 = vector.shape_cast %broadcast_in_dim3A_5 : vector<16xf32> to vector<16xf32>
    tpu.vector_store %arg6[%swap3A_141], %swap3A_144 {strides = array<i32>} : memref<640xf32, #tpu.memory_space<vmem>>, vector<16xf32>,
    %swap3A_145 = arith.constant 432 : index
    %swap3A_146 = tpu.vector_load %arg6[%swap3A_145] {strides = array<i32>} : memref<640xf32, #tpu.memory_space<vmem>>, vector<16xf32>,
    %swap3A_147 = vector.shape_cast %swap3A_146 : vector<16xf32> to vector<16xf32>
    %swap3A_148 = vector.shape_cast %broadcast_in_dim3A_5 : vector<16xf32> to vector<16xf32>
    tpu.vector_store %arg6[%swap3A_145], %swap3A_148 {strides = array<i32>} : memref<640xf32, #tpu.memory_space<vmem>>, vector<16xf32>,
    %swap3A_149 = arith.constant 448 : index
    %swap3A_150 = tpu.vector_load %arg6[%swap3A_149] {strides = array<i32>} : memref<640xf32, #tpu.memory_space<vmem>>, vector<16xf32>,
    %swap3A_151 = vector.shape_cast %swap3A_150 : vector<16xf32> to vector<16xf32>
    %swap3A_152 = vector.shape_cast %broadcast_in_dim3A_5 : vector<16xf32> to vector<16xf32>
    tpu.vector_store %arg6[%swap3A_149], %swap3A_152 {strides = array<i32>} : memref<640xf32, #tpu.memory_space<vmem>>, vector<16xf32>,
    %swap3A_153 = arith.constant 464 : index
    %swap3A_154 = tpu.vector_load %arg6[%swap3A_153] {strides = array<i32>} : memref<640xf32, #tpu.memory_space<vmem>>, vector<16xf32>,
    %swap3A_155 = vector.shape_cast %swap3A_154 : vector<16xf32> to vector<16xf32>
    %swap3A_156 = vector.shape_cast %broadcast_in_dim3A_5 : vector<16xf32> to vector<16xf32>
    tpu.vector_store %arg6[%swap3A_153], %swap3A_156 {strides = array<i32>} : memref<640xf32, #tpu.memory_space<vmem>>, vector<16xf32>,
    %swap3A_157 = arith.constant 480 : index
    %swap3A_158 = tpu.vector_load %arg6[%swap3A_157] {strides = array<i32>} : memref<640xf32, #tpu.memory_space<vmem>>, vector<16xf32>,
    %swap3A_159 = vector.shape_cast %swap3A_158 : vector<16xf32> to vector<16xf32>
    %swap3A_160 = vector.shape_cast %broadcast_in_dim3A_5 : vector<16xf32> to vector<16xf32>
    tpu.vector_store %arg6[%swap3A_157], %swap3A_160 {strides = array<i32>} : memref<640xf32, #tpu.memory_space<vmem>>, vector<16xf32>,
    %swap3A_161 = arith.constant 496 : index
    %swap3A_162 = tpu.vector_load %arg6[%swap3A_161] {strides = array<i32>} : memref<640xf32, #tpu.memory_space<vmem>>, vector<16xf32>,
    %swap3A_163 = vector.shape_cast %swap3A_162 : vector<16xf32> to vector<16xf32>
    %swap3A_164 = vector.shape_cast %broadcast_in_dim3A_5 : vector<16xf32> to vector<16xf32>
    tpu.vector_store %arg6[%swap3A_161], %swap3A_164 {strides = array<i32>} : memref<640xf32, #tpu.memory_space<vmem>>, vector<16xf32>,
    %swap3A_165 = arith.constant 512 : index
    %swap3A_166 = tpu.vector_load %arg6[%swap3A_165] {strides = array<i32>} : memref<640xf32, #tpu.memory_space<vmem>>, vector<16xf32>,
    %swap3A_167 = vector.shape_cast %swap3A_166 : vector<16xf32> to vector<16xf32>
    %swap3A_168 = vector.shape_cast %broadcast_in_dim3A_5 : vector<16xf32> to vector<16xf32>
    tpu.vector_store %arg6[%swap3A_165], %swap3A_168 {strides = array<i32>} : memref<640xf32, #tpu.memory_space<vmem>>, vector<16xf32>,
    %swap3A_169 = arith.constant 528 : index
    %swap3A_170 = tpu.vector_load %arg6[%swap3A_169] {strides = array<i32>} : memref<640xf32, #tpu.memory_space<vmem>>, vector<16xf32>,
    %swap3A_171 = vector.shape_cast %swap3A_170 : vector<16xf32> to vector<16xf32>
    %swap3A_172 = vector.shape_cast %broadcast_in_dim3A_5 : vector<16xf32> to vector<16xf32>
    tpu.vector_store %arg6[%swap3A_169], %swap3A_172 {strides = array<i32>} : memref<640xf32, #tpu.memory_space<vmem>>, vector<16xf32>,
    %swap3A_173 = arith.constant 544 : index
    %swap3A_174 = tpu.vector_load %arg6[%swap3A_173] {strides = array<i32>} : memref<640xf32, #tpu.memory_space<vmem>>, vector<16xf32>,
    %swap3A_175 = vector.shape_cast %swap3A_174 : vector<16xf32> to vector<16xf32>
    %swap3A_176 = vector.shape_cast %broadcast_in_dim3A_5 : vector<16xf32> to vector<16xf32>
    tpu.vector_store %arg6[%swap3A_173], %swap3A_176 {strides = array<i32>} : memref<640xf32, #tpu.memory_space<vmem>>, vector<16xf32>,
    %swap3A_177 = arith.constant 560 : index
    %swap3A_178 = tpu.vector_load %arg6[%swap3A_177] {strides = array<i32>} : memref<640xf32, #tpu.memory_space<vmem>>, vector<16xf32>,
    %swap3A_179 = vector.shape_cast %swap3A_178 : vector<16xf32> to vector<16xf32>
    %swap3A_180 = vector.shape_cast %broadcast_in_dim3A_5 : vector<16xf32> to vector<16xf32>
    tpu.vector_store %arg6[%swap3A_177], %swap3A_180 {strides = array<i32>} : memref<640xf32, #tpu.memory_space<vmem>>, vector<16xf32>,
    %swap3A_181 = arith.constant 576 : index
    %swap3A_182 = tpu.vector_load %arg6[%swap3A_181] {strides = array<i32>} : memref<640xf32, #tpu.memory_space<vmem>>, vector<16xf32>,
    %swap3A_183 = vector.shape_cast %swap3A_182 : vector<16xf32> to vector<16xf32>
    %swap3A_184 = vector.shape_cast %broadcast_in_dim3A_5 : vector<16xf32> to vector<16xf32>
    tpu.vector_store %arg6[%swap3A_181], %swap3A_184 {strides = array<i32>} : memref<640xf32, #tpu.memory_space<vmem>>, vector<16xf32>,
    %swap3A_185 = arith.constant 592 : index
    %swap3A_186 = tpu.vector_load %arg6[%swap3A_185] {strides = array<i32>} : memref<640xf32, #tpu.memory_space<vmem>>, vector<16xf32>,
    %swap3A_187 = vector.shape_cast %swap3A_186 : vector<16xf32> to vector<16xf32>
    %swap3A_188 = vector.shape_cast %broadcast_in_dim3A_5 : vector<16xf32> to vector<16xf32>
    tpu.vector_store %arg6[%swap3A_185], %swap3A_188 {strides = array<i32>} : memref<640xf32, #tpu.memory_space<vmem>>, vector<16xf32>,
    %swap3A_189 = arith.constant 608 : index
    %swap3A_190 = tpu.vector_load %arg6[%swap3A_189] {strides = array<i32>} : memref<640xf32, #tpu.memory_space<vmem>>, vector<16xf32>,
    %swap3A_191 = vector.shape_cast %swap3A_190 : vector<16xf32> to vector<16xf32>
    %swap3A_192 = vector.shape_cast %broadcast_in_dim3A_5 : vector<16xf32> to vector<16xf32>
    tpu.vector_store %arg6[%swap3A_189], %swap3A_192 {strides = array<i32>} : memref<640xf32, #tpu.memory_space<vmem>>, vector<16xf32>,
    %swap3A_193 = arith.constant 624 : index
    %swap3A_194 = tpu.vector_load %arg6[%swap3A_193] {strides = array<i32>} : memref<640xf32, #tpu.memory_space<vmem>>, vector<16xf32>,
    %swap3A_195 = vector.shape_cast %swap3A_194 : vector<16xf32> to vector<16xf32>
    %swap3A_196 = vector.shape_cast %broadcast_in_dim3A_5 : vector<16xf32> to vector<16xf32>
    tpu.vector_store %arg6[%swap3A_193], %swap3A_196 {strides = array<i32>} : memref<640xf32, #tpu.memory_space<vmem>>, vector<16xf32>,
    %mul3A_197 = arith.constant 640 : i32
    %mul3A_198 = arith.muli %arg1, %mul3A_197 : i32
    "tpu.region"() ({
      %run_scoped3A = tpu.sem_alloc : memref<!tpu.dma_semaphore, #tpu.memory_space<semaphore_mem>>
      %dma_start3A = tpu.memref_slice %arg7[%mul3A_198] : memref<10240xf32, #tpu.memory_space<vmem_shared>> -> memref<640xf32, #tpu.memory_space<vmem_shared>>
      %dma_start3A_263 = tpu.memref_slice %arg7[%mul3A_198] : memref<10240xf32, #tpu.memory_space<vmem_shared>> -> memref<640xf32, #tpu.memory_space<vmem_shared>>
      tpu.enqueue_dma source(%arg6 : memref<640xf32, #tpu.memory_space<vmem>>) target(%dma_start3A_263 : memref<640xf32, #tpu.memory_space<vmem_shared>>) target_semaphore(%run_scoped3A : memref<!tpu.dma_semaphore, #tpu.memory_space<semaphore_mem>>)
      %dma_wait3A_264 = tpu.memref_slice %arg7[%mul3A_198] : memref<10240xf32, #tpu.memory_space<vmem_shared>> -> memref<640xf32, #tpu.memory_space<vmem_shared>>
      %dma_wait3A_265 = tpu.memref_slice %arg7[%mul3A_198] : memref<10240xf32, #tpu.memory_space<vmem_shared>> -> memref<640xf32, #tpu.memory_space<vmem_shared>>
      tpu.wait_dma2 semaphore(%run_scoped3A : memref<!tpu.dma_semaphore, #tpu.memory_space<semaphore_mem>>) src(%arg6 : memref<640xf32, #tpu.memory_space<vmem>>) dst(%dma_wait3A_265 : memref<640xf32, #tpu.memory_space<vmem_shared>>)
      tpu.yield
    }) : () -> ()
    %barrier3A = arith.constant 0 : index
    tpu.barrier barrier_id(%barrier3A)
    %lt3A = arith.constant 31 : i32
    %lt3A_199 = arith.cmpi slt, %add3A, %lt3A : i32
    %convert_element_type3A = arith.extui %lt3A_199 : i1 to i32
    %cond3A = arith.constant 0 : i32
    %cond3A_200 = arith.cmpi ne, %convert_element_type3A, %cond3A : i32
    scf.if %cond3A_200 {
      %mul3A_263 = arith.constant 80 : i32
      %mul3A_264 = arith.muli %add3A, %mul3A_263 : i32
      %run_scoped3A = arith.constant 1 : i32
      "tpu.region"() ({
        %run_scoped3A_265 = tpu.sem_alloc : memref<!tpu.dma_semaphore, #tpu.memory_space<semaphore_mem>>
        %dma_start3A = arith.constant 0 : i32
        %dma_start3A_266 = tpu.memref_slice %arg2[%run_scoped3A, %mul3A_264, %dma_start3A] : memref<2x2500x128xi32, #tpu.memory_space<hbm>> -> memref<1x80x128xi32, #tpu.memory_space<hbm>>
        %dma_start3A_267 = tpu.memref_squeeze %dma_start3A_266 : memref<1x80x128xi32, #tpu.memory_space<hbm>> -> memref<80x128xi32, #tpu.memory_space<hbm>>
        %dma_start3A_268 = arith.constant 0 : i32
        %dma_start3A_269 = tpu.memref_slice %arg2[%run_scoped3A, %mul3A_264, %dma_start3A_268] : memref<2x2500x128xi32, #tpu.memory_space<hbm>> -> memref<1x80x128xi32, #tpu.memory_space<hbm>>
        %dma_start3A_270 = tpu.memref_squeeze %dma_start3A_269 : memref<1x80x128xi32, #tpu.memory_space<hbm>> -> memref<80x128xi32, #tpu.memory_space<hbm>>
        tpu.enqueue_dma source(%dma_start3A_270 : memref<80x128xi32, #tpu.memory_space<hbm>>) target(%arg4 : memref<80x128xi32, #tpu.memory_space<vmem>>) target_semaphore(%run_scoped3A_265 : memref<!tpu.dma_semaphore, #tpu.memory_space<semaphore_mem>>)
        %dma_wait3A_271 = arith.constant 0 : i32
        %dma_wait3A_272 = tpu.memref_slice %arg2[%run_scoped3A, %mul3A_264, %dma_wait3A_271] : memref<2x2500x128xi32, #tpu.memory_space<hbm>> -> memref<1x80x128xi32, #tpu.memory_space<hbm>>
        %dma_wait3A_273 = tpu.memref_squeeze %dma_wait3A_272 : memref<1x80x128xi32, #tpu.memory_space<hbm>> -> memref<80x128xi32, #tpu.memory_space<hbm>>
        %dma_wait3A_274 = arith.constant 0 : i32
        %dma_wait3A_275 = tpu.memref_slice %arg2[%run_scoped3A, %mul3A_264, %dma_wait3A_274] : memref<2x2500x128xi32, #tpu.memory_space<hbm>> -> memref<1x80x128xi32, #tpu.memory_space<hbm>>
        %dma_wait3A_276 = tpu.memref_squeeze %dma_wait3A_275 : memref<1x80x128xi32, #tpu.memory_space<hbm>> -> memref<80x128xi32, #tpu.memory_space<hbm>>
        tpu.wait_dma2 semaphore(%run_scoped3A_265 : memref<!tpu.dma_semaphore, #tpu.memory_space<semaphore_mem>>) src(%dma_wait3A_276 : memref<80x128xi32, #tpu.memory_space<hbm>>) dst(%arg4 : memref<80x128xi32, #tpu.memory_space<vmem>>)
        tpu.yield
      }) : () -> ()
    } else {
    }
    %eq3A_201 = arith.constant 31 : i32
    %eq3A_202 = arith.cmpi eq, %add3A, %eq3A_201 : i32
    %convert_element_type3A_203 = arith.extui %eq3A_202 : i1 to i32
    %cond3A_204 = arith.constant 0 : i32
    %cond3A_205 = arith.cmpi ne, %convert_element_type3A_203, %cond3A_204 : i32
    scf.if %cond3A_205 {
      %run_scoped3A = arith.constant 1 : i32
      "tpu.region"() ({
        %run_scoped3A_263 = tpu.sem_alloc : memref<!tpu.dma_semaphore, #tpu.memory_space<semaphore_mem>>
        %dma_start3A = arith.constant 0 : i32
        %dma_start3A_264 = arith.constant 0 : i32
        %dma_start3A_265 = tpu.memref_slice %arg4[%dma_start3A, %dma_start3A_264] : memref<80x128xi32, #tpu.memory_space<vmem>> -> memref<20x128xi32, #tpu.memory_space<vmem>>
        %dma_start3A_266 = arith.constant 2480 : i32
        %dma_start3A_267 = arith.constant 0 : i32
        %dma_start3A_268 = tpu.memref_slice %arg2[%run_scoped3A, %dma_start3A_266, %dma_start3A_267] : memref<2x2500x128xi32, #tpu.memory_space<hbm>> -> memref<1x20x128xi32, #tpu.memory_space<hbm>>
        %dma_start3A_269 = tpu.memref_squeeze %dma_start3A_268 : memref<1x20x128xi32, #tpu.memory_space<hbm>> -> memref<20x128xi32, #tpu.memory_space<hbm>>
        %dma_start3A_270 = arith.constant 0 : i32
        %dma_start3A_271 = arith.constant 0 : i32
        %dma_start3A_272 = tpu.memref_slice %arg4[%dma_start3A_270, %dma_start3A_271] : memref<80x128xi32, #tpu.memory_space<vmem>> -> memref<20x128xi32, #tpu.memory_space<vmem>>
        %dma_start3A_273 = arith.constant 2480 : i32
        %dma_start3A_274 = arith.constant 0 : i32
        %dma_start3A_275 = tpu.memref_slice %arg2[%run_scoped3A, %dma_start3A_273, %dma_start3A_274] : memref<2x2500x128xi32, #tpu.memory_space<hbm>> -> memref<1x20x128xi32, #tpu.memory_space<hbm>>
        %dma_start3A_276 = tpu.memref_squeeze %dma_start3A_275 : memref<1x20x128xi32, #tpu.memory_space<hbm>> -> memref<20x128xi32, #tpu.memory_space<hbm>>
        tpu.enqueue_dma source(%dma_start3A_276 : memref<20x128xi32, #tpu.memory_space<hbm>>) target(%dma_start3A_272 : memref<20x128xi32, #tpu.memory_space<vmem>>) target_semaphore(%run_scoped3A_263 : memref<!tpu.dma_semaphore, #tpu.memory_space<semaphore_mem>>)
        %dma_wait3A_277 = arith.constant 0 : i32
        %dma_wait3A_278 = arith.constant 0 : i32
        %dma_wait3A_279 = tpu.memref_slice %arg4[%dma_wait3A_277, %dma_wait3A_278] : memref<80x128xi32, #tpu.memory_space<vmem>> -> memref<20x128xi32, #tpu.memory_space<vmem>>
        %dma_wait3A_280 = arith.constant 2480 : i32
        %dma_wait3A_281 = arith.constant 0 : i32
        %dma_wait3A_282 = tpu.memref_slice %arg2[%run_scoped3A, %dma_wait3A_280, %dma_wait3A_281] : memref<2x2500x128xi32, #tpu.memory_space<hbm>> -> memref<1x20x128xi32, #tpu.memory_space<hbm>>
        %dma_wait3A_283 = tpu.memref_squeeze %dma_wait3A_282 : memref<1x20x128xi32, #tpu.memory_space<hbm>> -> memref<20x128xi32, #tpu.memory_space<hbm>>
        %dma_wait3A_284 = arith.constant 0 : i32
        %dma_wait3A_285 = arith.constant 0 : i32
        %dma_wait3A_286 = tpu.memref_slice %arg4[%dma_wait3A_284, %dma_wait3A_285] : memref<80x128xi32, #tpu.memory_space<vmem>> -> memref<20x128xi32, #tpu.memory_space<vmem>>
        %dma_wait3A_287 = arith.constant 2480 : i32
        %dma_wait3A_288 = arith.constant 0 : i32
        %dma_wait3A_289 = tpu.memref_slice %arg2[%run_scoped3A, %dma_wait3A_287, %dma_wait3A_288] : memref<2x2500x128xi32, #tpu.memory_space<hbm>> -> memref<1x20x128xi32, #tpu.memory_space<hbm>>
        %dma_wait3A_290 = tpu.memref_squeeze %dma_wait3A_289 : memref<1x20x128xi32, #tpu.memory_space<hbm>> -> memref<20x128xi32, #tpu.memory_space<hbm>>
        tpu.wait_dma2 semaphore(%run_scoped3A_263 : memref<!tpu.dma_semaphore, #tpu.memory_space<semaphore_mem>>) src(%dma_wait3A_290 : memref<20x128xi32, #tpu.memory_space<hbm>>) dst(%dma_wait3A_286 : memref<20x128xi32, #tpu.memory_space<vmem>>)
        tpu.yield
      }) : () -> ()
    } else {
    }
    %jit3A_206 = arith.constant 4 : i32
    %div3A = arith.divsi %select_n3A, %jit3A_206 : i32
    %sign3A = arith.constant 0 : i32
    %sign3A_207 = arith.cmpi sgt, %select_n3A, %sign3A : i32
    %sign3A_208 = arith.extui %sign3A_207 : i1 to i32
    %sign3A_209 = arith.constant 0 : i32
    %sign3A_210 = arith.cmpi slt, %select_n3A, %sign3A_209 : i32
    %sign3A_211 = arith.extui %sign3A_210 : i1 to i32
    %sign3A_212 = arith.subi %sign3A_208, %sign3A_211 : i32
    %sign3A_213 = arith.constant 0 : i32
    %sign3A_214 = arith.cmpi sgt, %jit3A_206, %sign3A_213 : i32
    %sign3A_215 = arith.extui %sign3A_214 : i1 to i32
    %sign3A_216 = arith.constant 0 : i32
    %sign3A_217 = arith.cmpi slt, %jit3A_206, %sign3A_216 : i32
    %sign3A_218 = arith.extui %sign3A_217 : i1 to i32
    %sign3A_219 = arith.subi %sign3A_215, %sign3A_218 : i32
    %ne3A = arith.cmpi ne, %sign3A_212, %sign3A_219 : i32
    %rem3A = arith.remsi %select_n3A, %jit3A_206 : i32
    %ne3A_220 = arith.constant 0 : i32
    %ne3A_221 = arith.cmpi ne, %rem3A, %ne3A_220 : i32
    %and3A = arith.andi %ne3A, %ne3A_221 : i1
    %sub3A = arith.constant 1 : i32
    %sub3A_222 = arith.subi %div3A, %sub3A : i32
    %select_n3A_223 = arith.select %and3A, %sub3A_222, %div3A : i32
    %while3A = arith.constant 0 : i32
    %while3A_224 = arith.constant 0 : i32
    %while3A_225 = arith.subi %select_n3A_223, %while3A : i32
    %while3A_226 = arith.addi %while3A, %while3A_225 : i32
    %while3A_227 = arith.constant 1 : i32
    %while3A_228 = arith.divsi %while3A_225, %while3A_227 : i32
    %while3A_229 = arith.muli %while3A_228, %while3A_227 : i32
    %while3A_230 = arith.addi %while3A, %while3A_229 : i32
    %while3A_231 = arith.constant 1 : i32
    %while3A_232 = scf.for %while3A_263 = %while3A to %while3A_230 step %while3A_231 iter_args(%while3A_264 = %while3A_224) -> (i32)  : i32 {
      %mul3A_265 = arith.constant 4 : i32
      %mul3A_266 = arith.muli %mul3A_265, %while3A_263 : i32
      %add3A_267 = arith.constant 0 : i32
      %add3A_268 = arith.addi %mul3A_266, %add3A_267 : i32
      %ge3A = arith.constant 4 : i32
      %ge3A_269 = arith.cmpi sge, %add3A_268, %ge3A : i32
      %convert_element_type3A_270 = arith.extui %ge3A_269 : i1 to i32
      %cond3A_271 = arith.constant 0 : i32
      %cond3A_272 = arith.cmpi ne, %convert_element_type3A_270, %cond3A_271 : i32
      scf.if %cond3A_272 {
        %dma_wait3A_320 = arith.constant 0 : i32
        %dma_wait3A_321 = arith.constant 0 : i32
        %dma_wait3A_322 = tpu.memref_slice %arg4[%dma_wait3A_320, %dma_wait3A_321] : memref<80x128xi32, #tpu.memory_space<vmem>> -> memref<1x128xi32, #tpu.memory_space<vmem>>
        %dma_wait3A_323 = tpu.memref_squeeze %dma_wait3A_322 : memref<1x128xi32, #tpu.memory_space<vmem>> -> memref<128xi32, #tpu.memory_space<vmem>>
        %dma_wait3A_324 = arith.constant 0 : i32
        %dma_wait3A_325 = tpu.memref_slice %arg7[%dma_wait3A_324] : memref<10240xf32, #tpu.memory_space<vmem_shared>> -> memref<10240xf32, #tpu.memory_space<vmem_shared>>
        tpu.wait_indirect_dma semaphore(%arg8 : memref<!tpu.dma_semaphore, #tpu.memory_space<semaphore_mem>>) src(%arg5 : memref<128xf32, #tpu.memory_space<vmem>>) dst(%dma_wait3A_325 : memref<10240xf32, #tpu.memory_space<vmem_shared>>)
      } else {
      }
      %dma_start3A = arith.constant 0 : i32
      %dma_start3A_273 = tpu.memref_slice %arg4[%add3A_268, %dma_start3A] : memref<80x128xi32, #tpu.memory_space<vmem>> -> memref<1x128xi32, #tpu.memory_space<vmem>>
      %dma_start3A_274 = tpu.memref_squeeze %dma_start3A_273 : memref<1x128xi32, #tpu.memory_space<vmem>> -> memref<128xi32, #tpu.memory_space<vmem>>
      %dma_start3A_275 = arith.constant 0 : i32
      %dma_start3A_276 = tpu.memref_slice %arg7[%dma_start3A_275] : memref<10240xf32, #tpu.memory_space<vmem_shared>> -> memref<10240xf32, #tpu.memory_space<vmem_shared>>
      tpu.enqueue_indirect_dma source(%arg5 : memref<128xf32, #tpu.memory_space<vmem>>) target(%dma_start3A_276 : memref<10240xf32, #tpu.memory_space<vmem_shared>>) offsets(%dma_start3A_274 : memref<128xi32, #tpu.memory_space<vmem>>) semaphore(%arg8 : memref<!tpu.dma_semaphore, #tpu.memory_space<semaphore_mem>>) {add = true}
      %mul3A_277 = arith.constant 4 : i32
      %mul3A_278 = arith.muli %mul3A_277, %while3A_263 : i32
      %add3A_279 = arith.constant 1 : i32
      %add3A_280 = arith.addi %mul3A_278, %add3A_279 : i32
      %ge3A_281 = arith.constant 4 : i32
      %ge3A_282 = arith.cmpi sge, %add3A_280, %ge3A_281 : i32
      %convert_element_type3A_283 = arith.extui %ge3A_282 : i1 to i32
      %cond3A_284 = arith.constant 0 : i32
      %cond3A_285 = arith.cmpi ne, %convert_element_type3A_283, %cond3A_284 : i32
      scf.if %cond3A_285 {
        %dma_wait3A_320 = arith.constant 0 : i32
        %dma_wait3A_321 = arith.constant 0 : i32
        %dma_wait3A_322 = tpu.memref_slice %arg4[%dma_wait3A_320, %dma_wait3A_321] : memref<80x128xi32, #tpu.memory_space<vmem>> -> memref<1x128xi32, #tpu.memory_space<vmem>>
        %dma_wait3A_323 = tpu.memref_squeeze %dma_wait3A_322 : memref<1x128xi32, #tpu.memory_space<vmem>> -> memref<128xi32, #tpu.memory_space<vmem>>
        %dma_wait3A_324 = arith.constant 0 : i32
        %dma_wait3A_325 = tpu.memref_slice %arg7[%dma_wait3A_324] : memref<10240xf32, #tpu.memory_space<vmem_shared>> -> memref<10240xf32, #tpu.memory_space<vmem_shared>>
        tpu.wait_indirect_dma semaphore(%arg9 : memref<!tpu.dma_semaphore, #tpu.memory_space<semaphore_mem>>) src(%arg5 : memref<128xf32, #tpu.memory_space<vmem>>) dst(%dma_wait3A_325 : memref<10240xf32, #tpu.memory_space<vmem_shared>>)
      } else {
      }
      %dma_start3A_286 = arith.constant 0 : i32
      %dma_start3A_287 = tpu.memref_slice %arg4[%add3A_280, %dma_start3A_286] : memref<80x128xi32, #tpu.memory_space<vmem>> -> memref<1x128xi32, #tpu.memory_space<vmem>>
      %dma_start3A_288 = tpu.memref_squeeze %dma_start3A_287 : memref<1x128xi32, #tpu.memory_space<vmem>> -> memref<128xi32, #tpu.memory_space<vmem>>
      %dma_start3A_289 = arith.constant 0 : i32
      %dma_start3A_290 = tpu.memref_slice %arg7[%dma_start3A_289] : memref<10240xf32, #tpu.memory_space<vmem_shared>> -> memref<10240xf32, #tpu.memory_space<vmem_shared>>
      tpu.enqueue_indirect_dma source(%arg5 : memref<128xf32, #tpu.memory_space<vmem>>) target(%dma_start3A_290 : memref<10240xf32, #tpu.memory_space<vmem_shared>>) offsets(%dma_start3A_288 : memref<128xi32, #tpu.memory_space<vmem>>) semaphore(%arg9 : memref<!tpu.dma_semaphore, #tpu.memory_space<semaphore_mem>>) {add = true}
      %mul3A_291 = arith.constant 4 : i32
      %mul3A_292 = arith.muli %mul3A_291, %while3A_263 : i32
      %add3A_293 = arith.constant 2 : i32
      %add3A_294 = arith.addi %mul3A_292, %add3A_293 : i32
      %ge3A_295 = arith.constant 4 : i32
      %ge3A_296 = arith.cmpi sge, %add3A_294, %ge3A_295 : i32
      %convert_element_type3A_297 = arith.extui %ge3A_296 : i1 to i32
      %cond3A_298 = arith.constant 0 : i32
      %cond3A_299 = arith.cmpi ne, %convert_element_type3A_297, %cond3A_298 : i32
      scf.if %cond3A_299 {
        %dma_wait3A_320 = arith.constant 0 : i32
        %dma_wait3A_321 = arith.constant 0 : i32
        %dma_wait3A_322 = tpu.memref_slice %arg4[%dma_wait3A_320, %dma_wait3A_321] : memref<80x128xi32, #tpu.memory_space<vmem>> -> memref<1x128xi32, #tpu.memory_space<vmem>>
        %dma_wait3A_323 = tpu.memref_squeeze %dma_wait3A_322 : memref<1x128xi32, #tpu.memory_space<vmem>> -> memref<128xi32, #tpu.memory_space<vmem>>
        %dma_wait3A_324 = arith.constant 0 : i32
        %dma_wait3A_325 = tpu.memref_slice %arg7[%dma_wait3A_324] : memref<10240xf32, #tpu.memory_space<vmem_shared>> -> memref<10240xf32, #tpu.memory_space<vmem_shared>>
        tpu.wait_indirect_dma semaphore(%arg10 : memref<!tpu.dma_semaphore, #tpu.memory_space<semaphore_mem>>) src(%arg5 : memref<128xf32, #tpu.memory_space<vmem>>) dst(%dma_wait3A_325 : memref<10240xf32, #tpu.memory_space<vmem_shared>>)
      } else {
      }
      %dma_start3A_300 = arith.constant 0 : i32
      %dma_start3A_301 = tpu.memref_slice %arg4[%add3A_294, %dma_start3A_300] : memref<80x128xi32, #tpu.memory_space<vmem>> -> memref<1x128xi32, #tpu.memory_space<vmem>>
      %dma_start3A_302 = tpu.memref_squeeze %dma_start3A_301 : memref<1x128xi32, #tpu.memory_space<vmem>> -> memref<128xi32, #tpu.memory_space<vmem>>
      %dma_start3A_303 = arith.constant 0 : i32
      %dma_start3A_304 = tpu.memref_slice %arg7[%dma_start3A_303] : memref<10240xf32, #tpu.memory_space<vmem_shared>> -> memref<10240xf32, #tpu.memory_space<vmem_shared>>
      tpu.enqueue_indirect_dma source(%arg5 : memref<128xf32, #tpu.memory_space<vmem>>) target(%dma_start3A_304 : memref<10240xf32, #tpu.memory_space<vmem_shared>>) offsets(%dma_start3A_302 : memref<128xi32, #tpu.memory_space<vmem>>) semaphore(%arg10 : memref<!tpu.dma_semaphore, #tpu.memory_space<semaphore_mem>>) {add = true}
      %mul3A_305 = arith.constant 4 : i32
      %mul3A_306 = arith.muli %mul3A_305, %while3A_263 : i32
      %add3A_307 = arith.constant 3 : i32
      %add3A_308 = arith.addi %mul3A_306, %add3A_307 : i32
      %ge3A_309 = arith.constant 4 : i32
      %ge3A_310 = arith.cmpi sge, %add3A_308, %ge3A_309 : i32
      %convert_element_type3A_311 = arith.extui %ge3A_310 : i1 to i32
      %cond3A_312 = arith.constant 0 : i32
      %cond3A_313 = arith.cmpi ne, %convert_element_type3A_311, %cond3A_312 : i32
      scf.if %cond3A_313 {
        %dma_wait3A_320 = arith.constant 0 : i32
        %dma_wait3A_321 = arith.constant 0 : i32
        %dma_wait3A_322 = tpu.memref_slice %arg4[%dma_wait3A_320, %dma_wait3A_321] : memref<80x128xi32, #tpu.memory_space<vmem>> -> memref<1x128xi32, #tpu.memory_space<vmem>>
        %dma_wait3A_323 = tpu.memref_squeeze %dma_wait3A_322 : memref<1x128xi32, #tpu.memory_space<vmem>> -> memref<128xi32, #tpu.memory_space<vmem>>
        %dma_wait3A_324 = arith.constant 0 : i32
        %dma_wait3A_325 = tpu.memref_slice %arg7[%dma_wait3A_324] : memref<10240xf32, #tpu.memory_space<vmem_shared>> -> memref<10240xf32, #tpu.memory_space<vmem_shared>>
        tpu.wait_indirect_dma semaphore(%arg11 : memref<!tpu.dma_semaphore, #tpu.memory_space<semaphore_mem>>) src(%arg5 : memref<128xf32, #tpu.memory_space<vmem>>) dst(%dma_wait3A_325 : memref<10240xf32, #tpu.memory_space<vmem_shared>>)
      } else {
      }
      %dma_start3A_314 = arith.constant 0 : i32
      %dma_start3A_315 = tpu.memref_slice %arg4[%add3A_308, %dma_start3A_314] : memref<80x128xi32, #tpu.memory_space<vmem>> -> memref<1x128xi32, #tpu.memory_space<vmem>>
      %dma_start3A_316 = tpu.memref_squeeze %dma_start3A_315 : memref<1x128xi32, #tpu.memory_space<vmem>> -> memref<128xi32, #tpu.memory_space<vmem>>
      %dma_start3A_317 = arith.constant 0 : i32
      %dma_start3A_318 = tpu.memref_slice %arg7[%dma_start3A_317] : memref<10240xf32, #tpu.memory_space<vmem_shared>> -> memref<10240xf32, #tpu.memory_space<vmem_shared>>
      tpu.enqueue_indirect_dma source(%arg5 : memref<128xf32, #tpu.memory_space<vmem>>) target(%dma_start3A_318 : memref<10240xf32, #tpu.memory_space<vmem_shared>>) offsets(%dma_start3A_316 : memref<128xi32, #tpu.memory_space<vmem>>) semaphore(%arg11 : memref<!tpu.dma_semaphore, #tpu.memory_space<semaphore_mem>>) {add = true}
      %while3A_319 = arith.constant 0 : i32
      scf.yield %while3A_319 : i32
    }
    %while3A_233 = arith.constant 1 : i32
    %while3A_234 = scf.for %while3A_263 = %while3A_230 to %while3A_226 step %while3A_233 iter_args(%while3A_264 = %while3A_232) -> (i32)  : i32 {
      %mul3A_265 = arith.constant 4 : i32
      %mul3A_266 = arith.muli %mul3A_265, %while3A_263 : i32
      %add3A_267 = arith.constant 0 : i32
      %add3A_268 = arith.addi %mul3A_266, %add3A_267 : i32
      %ge3A = arith.constant 4 : i32
      %ge3A_269 = arith.cmpi sge, %add3A_268, %ge3A : i32
      %convert_element_type3A_270 = arith.extui %ge3A_269 : i1 to i32
      %cond3A_271 = arith.constant 0 : i32
      %cond3A_272 = arith.cmpi ne, %convert_element_type3A_270, %cond3A_271 : i32
      scf.if %cond3A_272 {
        %dma_wait3A_320 = arith.constant 0 : i32
        %dma_wait3A_321 = arith.constant 0 : i32
        %dma_wait3A_322 = tpu.memref_slice %arg4[%dma_wait3A_320, %dma_wait3A_321] : memref<80x128xi32, #tpu.memory_space<vmem>> -> memref<1x128xi32, #tpu.memory_space<vmem>>
        %dma_wait3A_323 = tpu.memref_squeeze %dma_wait3A_322 : memref<1x128xi32, #tpu.memory_space<vmem>> -> memref<128xi32, #tpu.memory_space<vmem>>
        %dma_wait3A_324 = arith.constant 0 : i32
        %dma_wait3A_325 = tpu.memref_slice %arg7[%dma_wait3A_324] : memref<10240xf32, #tpu.memory_space<vmem_shared>> -> memref<10240xf32, #tpu.memory_space<vmem_shared>>
        tpu.wait_indirect_dma semaphore(%arg8 : memref<!tpu.dma_semaphore, #tpu.memory_space<semaphore_mem>>) src(%arg5 : memref<128xf32, #tpu.memory_space<vmem>>) dst(%dma_wait3A_325 : memref<10240xf32, #tpu.memory_space<vmem_shared>>)
      } else {
      }
      %dma_start3A = arith.constant 0 : i32
      %dma_start3A_273 = tpu.memref_slice %arg4[%add3A_268, %dma_start3A] : memref<80x128xi32, #tpu.memory_space<vmem>> -> memref<1x128xi32, #tpu.memory_space<vmem>>
      %dma_start3A_274 = tpu.memref_squeeze %dma_start3A_273 : memref<1x128xi32, #tpu.memory_space<vmem>> -> memref<128xi32, #tpu.memory_space<vmem>>
      %dma_start3A_275 = arith.constant 0 : i32
      %dma_start3A_276 = tpu.memref_slice %arg7[%dma_start3A_275] : memref<10240xf32, #tpu.memory_space<vmem_shared>> -> memref<10240xf32, #tpu.memory_space<vmem_shared>>
      tpu.enqueue_indirect_dma source(%arg5 : memref<128xf32, #tpu.memory_space<vmem>>) target(%dma_start3A_276 : memref<10240xf32, #tpu.memory_space<vmem_shared>>) offsets(%dma_start3A_274 : memref<128xi32, #tpu.memory_space<vmem>>) semaphore(%arg8 : memref<!tpu.dma_semaphore, #tpu.memory_space<semaphore_mem>>) {add = true}
      %mul3A_277 = arith.constant 4 : i32
      %mul3A_278 = arith.muli %mul3A_277, %while3A_263 : i32
      %add3A_279 = arith.constant 1 : i32
      %add3A_280 = arith.addi %mul3A_278, %add3A_279 : i32
      %ge3A_281 = arith.constant 4 : i32
      %ge3A_282 = arith.cmpi sge, %add3A_280, %ge3A_281 : i32
      %convert_element_type3A_283 = arith.extui %ge3A_282 : i1 to i32
      %cond3A_284 = arith.constant 0 : i32
      %cond3A_285 = arith.cmpi ne, %convert_element_type3A_283, %cond3A_284 : i32
      scf.if %cond3A_285 {
        %dma_wait3A_320 = arith.constant 0 : i32
        %dma_wait3A_321 = arith.constant 0 : i32
        %dma_wait3A_322 = tpu.memref_slice %arg4[%dma_wait3A_320, %dma_wait3A_321] : memref<80x128xi32, #tpu.memory_space<vmem>> -> memref<1x128xi32, #tpu.memory_space<vmem>>
        %dma_wait3A_323 = tpu.memref_squeeze %dma_wait3A_322 : memref<1x128xi32, #tpu.memory_space<vmem>> -> memref<128xi32, #tpu.memory_space<vmem>>
        %dma_wait3A_324 = arith.constant 0 : i32
        %dma_wait3A_325 = tpu.memref_slice %arg7[%dma_wait3A_324] : memref<10240xf32, #tpu.memory_space<vmem_shared>> -> memref<10240xf32, #tpu.memory_space<vmem_shared>>
        tpu.wait_indirect_dma semaphore(%arg9 : memref<!tpu.dma_semaphore, #tpu.memory_space<semaphore_mem>>) src(%arg5 : memref<128xf32, #tpu.memory_space<vmem>>) dst(%dma_wait3A_325 : memref<10240xf32, #tpu.memory_space<vmem_shared>>)
      } else {
      }
      %dma_start3A_286 = arith.constant 0 : i32
      %dma_start3A_287 = tpu.memref_slice %arg4[%add3A_280, %dma_start3A_286] : memref<80x128xi32, #tpu.memory_space<vmem>> -> memref<1x128xi32, #tpu.memory_space<vmem>>
      %dma_start3A_288 = tpu.memref_squeeze %dma_start3A_287 : memref<1x128xi32, #tpu.memory_space<vmem>> -> memref<128xi32, #tpu.memory_space<vmem>>
      %dma_start3A_289 = arith.constant 0 : i32
      %dma_start3A_290 = tpu.memref_slice %arg7[%dma_start3A_289] : memref<10240xf32, #tpu.memory_space<vmem_shared>> -> memref<10240xf32, #tpu.memory_space<vmem_shared>>
      tpu.enqueue_indirect_dma source(%arg5 : memref<128xf32, #tpu.memory_space<vmem>>) target(%dma_start3A_290 : memref<10240xf32, #tpu.memory_space<vmem_shared>>) offsets(%dma_start3A_288 : memref<128xi32, #tpu.memory_space<vmem>>) semaphore(%arg9 : memref<!tpu.dma_semaphore, #tpu.memory_space<semaphore_mem>>) {add = true}
      %mul3A_291 = arith.constant 4 : i32
      %mul3A_292 = arith.muli %mul3A_291, %while3A_263 : i32
      %add3A_293 = arith.constant 2 : i32
      %add3A_294 = arith.addi %mul3A_292, %add3A_293 : i32
      %ge3A_295 = arith.constant 4 : i32
      %ge3A_296 = arith.cmpi sge, %add3A_294, %ge3A_295 : i32
      %convert_element_type3A_297 = arith.extui %ge3A_296 : i1 to i32
      %cond3A_298 = arith.constant 0 : i32
      %cond3A_299 = arith.cmpi ne, %convert_element_type3A_297, %cond3A_298 : i32
      scf.if %cond3A_299 {
        %dma_wait3A_320 = arith.constant 0 : i32
        %dma_wait3A_321 = arith.constant 0 : i32
        %dma_wait3A_322 = tpu.memref_slice %arg4[%dma_wait3A_320, %dma_wait3A_321] : memref<80x128xi32, #tpu.memory_space<vmem>> -> memref<1x128xi32, #tpu.memory_space<vmem>>
        %dma_wait3A_323 = tpu.memref_squeeze %dma_wait3A_322 : memref<1x128xi32, #tpu.memory_space<vmem>> -> memref<128xi32, #tpu.memory_space<vmem>>
        %dma_wait3A_324 = arith.constant 0 : i32
        %dma_wait3A_325 = tpu.memref_slice %arg7[%dma_wait3A_324] : memref<10240xf32, #tpu.memory_space<vmem_shared>> -> memref<10240xf32, #tpu.memory_space<vmem_shared>>
        tpu.wait_indirect_dma semaphore(%arg10 : memref<!tpu.dma_semaphore, #tpu.memory_space<semaphore_mem>>) src(%arg5 : memref<128xf32, #tpu.memory_space<vmem>>) dst(%dma_wait3A_325 : memref<10240xf32, #tpu.memory_space<vmem_shared>>)
      } else {
      }
      %dma_start3A_300 = arith.constant 0 : i32
      %dma_start3A_301 = tpu.memref_slice %arg4[%add3A_294, %dma_start3A_300] : memref<80x128xi32, #tpu.memory_space<vmem>> -> memref<1x128xi32, #tpu.memory_space<vmem>>
      %dma_start3A_302 = tpu.memref_squeeze %dma_start3A_301 : memref<1x128xi32, #tpu.memory_space<vmem>> -> memref<128xi32, #tpu.memory_space<vmem>>
      %dma_start3A_303 = arith.constant 0 : i32
      %dma_start3A_304 = tpu.memref_slice %arg7[%dma_start3A_303] : memref<10240xf32, #tpu.memory_space<vmem_shared>> -> memref<10240xf32, #tpu.memory_space<vmem_shared>>
      tpu.enqueue_indirect_dma source(%arg5 : memref<128xf32, #tpu.memory_space<vmem>>) target(%dma_start3A_304 : memref<10240xf32, #tpu.memory_space<vmem_shared>>) offsets(%dma_start3A_302 : memref<128xi32, #tpu.memory_space<vmem>>) semaphore(%arg10 : memref<!tpu.dma_semaphore, #tpu.memory_space<semaphore_mem>>) {add = true}
      %mul3A_305 = arith.constant 4 : i32
      %mul3A_306 = arith.muli %mul3A_305, %while3A_263 : i32
      %add3A_307 = arith.constant 3 : i32
      %add3A_308 = arith.addi %mul3A_306, %add3A_307 : i32
      %ge3A_309 = arith.constant 4 : i32
      %ge3A_310 = arith.cmpi sge, %add3A_308, %ge3A_309 : i32
      %convert_element_type3A_311 = arith.extui %ge3A_310 : i1 to i32
      %cond3A_312 = arith.constant 0 : i32
      %cond3A_313 = arith.cmpi ne, %convert_element_type3A_311, %cond3A_312 : i32
      scf.if %cond3A_313 {
        %dma_wait3A_320 = arith.constant 0 : i32
        %dma_wait3A_321 = arith.constant 0 : i32
        %dma_wait3A_322 = tpu.memref_slice %arg4[%dma_wait3A_320, %dma_wait3A_321] : memref<80x128xi32, #tpu.memory_space<vmem>> -> memref<1x128xi32, #tpu.memory_space<vmem>>
        %dma_wait3A_323 = tpu.memref_squeeze %dma_wait3A_322 : memref<1x128xi32, #tpu.memory_space<vmem>> -> memref<128xi32, #tpu.memory_space<vmem>>
        %dma_wait3A_324 = arith.constant 0 : i32
        %dma_wait3A_325 = tpu.memref_slice %arg7[%dma_wait3A_324] : memref<10240xf32, #tpu.memory_space<vmem_shared>> -> memref<10240xf32, #tpu.memory_space<vmem_shared>>
        tpu.wait_indirect_dma semaphore(%arg11 : memref<!tpu.dma_semaphore, #tpu.memory_space<semaphore_mem>>) src(%arg5 : memref<128xf32, #tpu.memory_space<vmem>>) dst(%dma_wait3A_325 : memref<10240xf32, #tpu.memory_space<vmem_shared>>)
      } else {
      }
      %dma_start3A_314 = arith.constant 0 : i32
      %dma_start3A_315 = tpu.memref_slice %arg4[%add3A_308, %dma_start3A_314] : memref<80x128xi32, #tpu.memory_space<vmem>> -> memref<1x128xi32, #tpu.memory_space<vmem>>
      %dma_start3A_316 = tpu.memref_squeeze %dma_start3A_315 : memref<1x128xi32, #tpu.memory_space<vmem>> -> memref<128xi32, #tpu.memory_space<vmem>>
      %dma_start3A_317 = arith.constant 0 : i32
      %dma_start3A_318 = tpu.memref_slice %arg7[%dma_start3A_317] : memref<10240xf32, #tpu.memory_space<vmem_shared>> -> memref<10240xf32, #tpu.memory_space<vmem_shared>>
      tpu.enqueue_indirect_dma source(%arg5 : memref<128xf32, #tpu.memory_space<vmem>>) target(%dma_start3A_318 : memref<10240xf32, #tpu.memory_space<vmem_shared>>) offsets(%dma_start3A_316 : memref<128xi32, #tpu.memory_space<vmem>>) semaphore(%arg11 : memref<!tpu.dma_semaphore, #tpu.memory_space<semaphore_mem>>) {add = true}
      %while3A_319 = arith.constant 0 : i32
      scf.yield %while3A_319 : i32
    }
    %dma_wait3A = arith.constant 0 : i32
    %dma_wait3A_235 = arith.constant 0 : i32
    %dma_wait3A_236 = tpu.memref_slice %arg4[%dma_wait3A, %dma_wait3A_235] : memref<80x128xi32, #tpu.memory_space<vmem>> -> memref<1x128xi32, #tpu.memory_space<vmem>>
    %dma_wait3A_237 = tpu.memref_squeeze %dma_wait3A_236 : memref<1x128xi32, #tpu.memory_space<vmem>> -> memref<128xi32, #tpu.memory_space<vmem>>
    %dma_wait3A_238 = arith.constant 0 : i32
    %dma_wait3A_239 = tpu.memref_slice %arg7[%dma_wait3A_238] : memref<10240xf32, #tpu.memory_space<vmem_shared>> -> memref<10240xf32, #tpu.memory_space<vmem_shared>>
    tpu.wait_indirect_dma semaphore(%arg8 : memref<!tpu.dma_semaphore, #tpu.memory_space<semaphore_mem>>) src(%arg5 : memref<128xf32, #tpu.memory_space<vmem>>) dst(%dma_wait3A_239 : memref<10240xf32, #tpu.memory_space<vmem_shared>>)
    %dma_wait3A_240 = arith.constant 0 : i32
    %dma_wait3A_241 = arith.constant 0 : i32
    %dma_wait3A_242 = tpu.memref_slice %arg4[%dma_wait3A_240, %dma_wait3A_241] : memref<80x128xi32, #tpu.memory_space<vmem>> -> memref<1x128xi32, #tpu.memory_space<vmem>>
    %dma_wait3A_243 = tpu.memref_squeeze %dma_wait3A_242 : memref<1x128xi32, #tpu.memory_space<vmem>> -> memref<128xi32, #tpu.memory_space<vmem>>
    %dma_wait3A_244 = arith.constant 0 : i32
    %dma_wait3A_245 = tpu.memref_slice %arg7[%dma_wait3A_244] : memref<10240xf32, #tpu.memory_space<vmem_shared>> -> memref<10240xf32, #tpu.memory_space<vmem_shared>>
    tpu.wait_indirect_dma semaphore(%arg9 : memref<!tpu.dma_semaphore, #tpu.memory_space<semaphore_mem>>) src(%arg5 : memref<128xf32, #tpu.memory_space<vmem>>) dst(%dma_wait3A_245 : memref<10240xf32, #tpu.memory_space<vmem_shared>>)
    %dma_wait3A_246 = arith.constant 0 : i32
    %dma_wait3A_247 = arith.constant 0 : i32
    %dma_wait3A_248 = tpu.memref_slice %arg4[%dma_wait3A_246, %dma_wait3A_247] : memref<80x128xi32, #tpu.memory_space<vmem>> -> memref<1x128xi32, #tpu.memory_space<vmem>>
    %dma_wait3A_249 = tpu.memref_squeeze %dma_wait3A_248 : memref<1x128xi32, #tpu.memory_space<vmem>> -> memref<128xi32, #tpu.memory_space<vmem>>
    %dma_wait3A_250 = arith.constant 0 : i32
    %dma_wait3A_251 = tpu.memref_slice %arg7[%dma_wait3A_250] : memref<10240xf32, #tpu.memory_space<vmem_shared>> -> memref<10240xf32, #tpu.memory_space<vmem_shared>>
    tpu.wait_indirect_dma semaphore(%arg10 : memref<!tpu.dma_semaphore, #tpu.memory_space<semaphore_mem>>) src(%arg5 : memref<128xf32, #tpu.memory_space<vmem>>) dst(%dma_wait3A_251 : memref<10240xf32, #tpu.memory_space<vmem_shared>>)
    %dma_wait3A_252 = arith.constant 0 : i32
    %dma_wait3A_253 = arith.constant 0 : i32
    %dma_wait3A_254 = tpu.memref_slice %arg4[%dma_wait3A_252, %dma_wait3A_253] : memref<80x128xi32, #tpu.memory_space<vmem>> -> memref<1x128xi32, #tpu.memory_space<vmem>>
    %dma_wait3A_255 = tpu.memref_squeeze %dma_wait3A_254 : memref<1x128xi32, #tpu.memory_space<vmem>> -> memref<128xi32, #tpu.memory_space<vmem>>
    %dma_wait3A_256 = arith.constant 0 : i32
    %dma_wait3A_257 = tpu.memref_slice %arg7[%dma_wait3A_256] : memref<10240xf32, #tpu.memory_space<vmem_shared>> -> memref<10240xf32, #tpu.memory_space<vmem_shared>>
    tpu.wait_indirect_dma semaphore(%arg11 : memref<!tpu.dma_semaphore, #tpu.memory_space<semaphore_mem>>) src(%arg5 : memref<128xf32, #tpu.memory_space<vmem>>) dst(%dma_wait3A_257 : memref<10240xf32, #tpu.memory_space<vmem_shared>>)
    %barrier3A_258 = arith.constant 0 : index
    tpu.barrier barrier_id(%barrier3A_258)
    %mul3A_259 = arith.constant 640 : i32
    %mul3A_260 = arith.muli %arg1, %mul3A_259 : i32
    %mul3A_261 = arith.constant 640 : i32
    %mul3A_262 = arith.muli %arg1, %mul3A_261 : i32
    "tpu.region"() ({
      %run_scoped3A = tpu.sem_alloc : memref<!tpu.dma_semaphore, #tpu.memory_space<semaphore_mem>>
      %dma_start3A = tpu.memref_slice %arg3[%arg0, %mul3A_262] : memref<2x10240xf32, #tpu.memory_space<hbm>> -> memref<1x640xf32, #tpu.memory_space<hbm>>
      %dma_start3A_263 = tpu.memref_squeeze %dma_start3A : memref<1x640xf32, #tpu.memory_space<hbm>> -> memref<640xf32, #tpu.memory_space<hbm>>
      %dma_start3A_264 = tpu.memref_slice %arg7[%mul3A_260] : memref<10240xf32, #tpu.memory_space<vmem_shared>> -> memref<640xf32, #tpu.memory_space<vmem_shared>>
      tpu.enqueue_dma source(%dma_start3A_264 : memref<640xf32, #tpu.memory_space<vmem_shared>>) target(%dma_start3A_263 : memref<640xf32, #tpu.memory_space<hbm>>) target_semaphore(%run_scoped3A : memref<!tpu.dma_semaphore, #tpu.memory_space<semaphore_mem>>)
      %dma_wait3A_265 = tpu.memref_slice %arg3[%arg0, %mul3A_262] : memref<2x10240xf32, #tpu.memory_space<hbm>> -> memref<1x640xf32, #tpu.memory_space<hbm>>
      %dma_wait3A_266 = tpu.memref_squeeze %dma_wait3A_265 : memref<1x640xf32, #tpu.memory_space<hbm>> -> memref<640xf32, #tpu.memory_space<hbm>>
      %dma_wait3A_267 = tpu.memref_slice %arg7[%mul3A_260] : memref<10240xf32, #tpu.memory_space<vmem_shared>> -> memref<640xf32, #tpu.memory_space<vmem_shared>>
      tpu.wait_dma2 semaphore(%run_scoped3A : memref<!tpu.dma_semaphore, #tpu.memory_space<semaphore_mem>>) src(%dma_wait3A_267 : memref<640xf32, #tpu.memory_space<vmem_shared>>) dst(%dma_wait3A_266 : memref<640xf32, #tpu.memory_space<hbm>>)
      tpu.yield
    }) : () -> ()
    return
  }
}

module attributes {stable_mosaic.version = 14 : i64} {
  func.func @_tca0_body(%arg0: i32, %arg1: memref<2000x128xf32, #tpu.memory_space<vmem>>, %arg2: memref<128x64xf32, #tpu.memory_space<vmem>>, %arg3: memref<2000x64xf32, #tpu.memory_space<vmem>>) attributes {dimension_semantics = [#tpu.dimension_semantics<arbitrary>], iteration_bounds = array<i64: 5>, scalar_prefetch = 0 : i64, scratch_operands = 0 : i64, tpu.core_type = #tpu.core_type<tc>, window_params = [{transform_indices = @transform_0, window_bounds = array<i64: 2000, 128>}, {pipeline_mode = #tpu.pipeline_mode<synchronous>, transform_indices = @transform_1, window_bounds = array<i64: 128, 64>}, {transform_indices = @transform_2, window_bounds = array<i64: 2000, 64>}]} {
    %get3A = arith.constant 0 : index
    %get3A_0 = arith.constant 0 : index
    %get3A_1 = vector.load %arg1[%get3A, %get3A_0] : memref<2000x128xf32, #tpu.memory_space<vmem>>, vector<2000x128xf32>
    %get3A_2 = arith.constant 0 : index
    %get3A_3 = arith.constant 0 : index
    %get3A_4 = vector.load %arg2[%get3A_2, %get3A_3] : memref<128x64xf32, #tpu.memory_space<vmem>>, vector<128x64xf32>
    %dot_general3A = arith.constant dense<0.000000e+00> : vector<2000x64xf32>
    %dot_general3A_5 = tpu.matmul %get3A_1, %get3A_4, %dot_general3A {dimension_numbers = #tpu.dot_dimension_numbers<[1], [0], [0], [1], [0, 0, 1, 1], [], []>, transpose_lhs_hint = false} : vector<2000x128xf32>, vector<128x64xf32>, vector<2000x64xf32> -> vector<2000x64xf32>
    %swap3A = arith.constant 0 : index
    %swap3A_6 = arith.constant 0 : index
    %swap3A_7 = vector.load %arg3[%swap3A, %swap3A_6] : memref<2000x64xf32, #tpu.memory_space<vmem>>, vector<2000x64xf32>
    tpu.vector_store %arg3[%swap3A, %swap3A_6], %dot_general3A_5 {strides = array<i32>} : memref<2000x64xf32, #tpu.memory_space<vmem>>, vector<2000x64xf32>,
    return
  }
  func.func @transform_0(%arg0: i32) -> (i32, i32) {
    %c0_i32 = arith.constant 0 : i32
    %c0_i32_0 = arith.constant 0 : i32
    return %arg0, %c0_i32 : i32, i32
  }
  func.func @transform_1(%arg0: i32) -> (i32, i32) {
    %c0_i32 = arith.constant 0 : i32
    %c0_i32_0 = arith.constant 0 : i32
    %c0_i32_1 = arith.constant 0 : i32
    return %c0_i32, %c0_i32_0 : i32, i32
  }
  func.func @transform_2(%arg0: i32) -> (i32, i32) {
    %c0_i32 = arith.constant 0 : i32
    %c0_i32_0 = arith.constant 0 : i32
    return %arg0, %c0_i32 : i32, i32
  }
}

module attributes {stable_mosaic.version = 14 : i64} {
  func.func @_tca1_body(%arg0: i32, %arg1: memref<2048x64xf32, #tpu.memory_space<vmem>>, %arg2: memref<2x16x128xf32, #tpu.memory_space<vmem>>, %arg3: memref<2048x64xbf16, #tpu.memory_space<vmem>>) attributes {dimension_semantics = [#tpu.dimension_semantics<arbitrary>], iteration_bounds = array<i64: 5>, scalar_prefetch = 0 : i64, scratch_operands = 0 : i64, tpu.core_type = #tpu.core_type<tc>, window_params = [{transform_indices = @transform_0, window_bounds = array<i64: 2048, 64>}, {transform_indices = @transform_1, window_bounds = array<i64: 2, 16, 128>}, {transform_indices = @transform_2, window_bounds = array<i64: 2048, 64>}]} {
    %get3A = arith.constant 0 : index
    %get3A_0 = arith.constant 0 : index
    %get3A_1 = vector.load %arg1[%get3A, %get3A_0] : memref<2048x64xf32, #tpu.memory_space<vmem>>, vector<2048x64xf32>
    %get3A_2 = arith.constant 0 : index
    %get3A_3 = arith.constant 0 : index
    %get3A_4 = arith.constant 0 : index
    %get3A_5 = vector.load %arg2[%get3A_2, %get3A_3, %get3A_4] : memref<2x16x128xf32, #tpu.memory_space<vmem>>, vector<1x16x128xf32>
    %get3A_6 = vector.shape_cast %get3A_5 : vector<1x16x128xf32> to vector<16x128xf32>
    %get3A_7 = arith.constant 1 : index
    %get3A_8 = arith.constant 0 : index
    %get3A_9 = arith.constant 0 : index
    %get3A_10 = vector.load %arg2[%get3A_7, %get3A_8, %get3A_9] : memref<2x16x128xf32, #tpu.memory_space<vmem>>, vector<1x16x128xf32>
    %get3A_11 = vector.shape_cast %get3A_10 : vector<1x16x128xf32> to vector<16x128xf32>
    %add3A = arith.addf %get3A_6, %get3A_11 : vector<16x128xf32>
    %broadcast_in_dim3A = vector.shape_cast %add3A : vector<16x128xf32> to vector<16x1x128xf32>
    %broadcast_in_dim3A_12 = vector.shape_cast %broadcast_in_dim3A : vector<16x1x128xf32> to vector<16x1x128xf32>
    %broadcast_in_dim3A_13 = vector.broadcast %broadcast_in_dim3A_12 : vector<16x1x128xf32> to vector<16x128x128xf32>
    %reshape3A = vector.shape_cast %broadcast_in_dim3A_13 : vector<16x128x128xf32> to vector<2048x128xf32>
    %iota3A = tpu.iota {dimensions = array<i32: 1>} : vector<2048x128xi32>
    %iota3A_14 = tpu.iota {dimensions = array<i32: 0>} : vector<2048x128xi32>
    %jit3A = arith.constant 128 : i32
    %eq3A = arith.constant 0 : i32
    %eq3A_15 = arith.cmpi eq, %jit3A, %eq3A : i32
    %jit3A_16 = arith.constant 1 : i32
    %select_n3A = arith.select %eq3A_15, %jit3A_16, %jit3A : i32
    %rem3A = vector.broadcast %select_n3A : i32 to vector<2048x128xi32>
    %rem3A_17 = arith.remsi %iota3A_14, %rem3A : vector<2048x128xi32>
    %ne3A = arith.constant 0 : i32
    %ne3A_18 = vector.broadcast %ne3A : i32 to vector<2048x128xi32>
    %ne3A_19 = arith.cmpi ne, %rem3A_17, %ne3A_18 : vector<2048x128xi32>
    %lt3A = arith.constant 0 : i32
    %lt3A_20 = vector.broadcast %lt3A : i32 to vector<2048x128xi32>
    %lt3A_21 = arith.cmpi slt, %rem3A_17, %lt3A_20 : vector<2048x128xi32>
    %lt3A_22 = arith.constant 0 : i32
    %lt3A_23 = arith.cmpi slt, %select_n3A, %lt3A_22 : i32
    %ne3A_24 = vector.broadcast %lt3A_23 : i1 to vector<2048x128xi1>
    %ne3A_25 = vector.broadcast %ne3A_24 : vector<2048x128xi1> to vector<2048x128xi1>
    %ne3A_26 = arith.xori %lt3A_21, %ne3A_25 : vector<2048x128xi1>
    %and3A = arith.andi %ne3A_26, %ne3A_19 : vector<2048x128xi1>
    %add3A_27 = vector.broadcast %select_n3A : i32 to vector<2048x128xi32>
    %add3A_28 = arith.addi %rem3A_17, %add3A_27 : vector<2048x128xi32>
    %select_n3A_29 = arith.select %and3A, %add3A_28, %rem3A_17 : vector<2048x128xi1>, vector<2048x128xi32>
    %eq3A_30 = arith.cmpi eq, %iota3A, %select_n3A_29 : vector<2048x128xi32>
    %jit3A_31 = arith.constant 0.000000e+00 : f32
    %broadcast_in_dim3A_32 = vector.broadcast %jit3A_31 : f32 to vector<2048x128xf32>
    %select_n3A_33 = arith.select %eq3A_30, %reshape3A, %broadcast_in_dim3A_32 : vector<2048x128xi1>, vector<2048x128xf32>
    %reduce_sum3A = arith.constant dense<0.000000e+00> : vector<2048xf32>
    %reduce_sum3A_34 = vector.multi_reduction <add>, %select_n3A_33, %reduce_sum3A [1] : vector<2048x128xf32> to vector<2048xf32>
    %broadcast_in_dim3A_35 = vector.shape_cast %reduce_sum3A_34 : vector<2048xf32> to vector<2048x1xf32>
    %add3A_36 = arith.constant 1.000000e+00 : f32
    %add3A_37 = vector.broadcast %add3A_36 : f32 to vector<2048x1xf32>
    %add3A_38 = arith.addf %broadcast_in_dim3A_35, %add3A_37 : vector<2048x1xf32>
    %rsqrt3A = math.rsqrt %add3A_38 : vector<2048x1xf32>
    %mul3A = vector.broadcast %rsqrt3A : vector<2048x1xf32> to vector<2048x64xf32>
    %mul3A_39 = arith.mulf %get3A_1, %mul3A : vector<2048x64xf32>
    %convert_element_type3A = arith.truncf %mul3A_39 : vector<2048x64xf32> to vector<2048x64xbf16>
    %swap3A = arith.constant 0 : index
    %swap3A_40 = arith.constant 0 : index
    %swap3A_41 = vector.load %arg3[%swap3A, %swap3A_40] : memref<2048x64xbf16, #tpu.memory_space<vmem>>, vector<2048x64xbf16>
    tpu.vector_store %arg3[%swap3A, %swap3A_40], %convert_element_type3A {strides = array<i32>} : memref<2048x64xbf16, #tpu.memory_space<vmem>>, vector<2048x64xbf16>,
    return
  }
  func.func @transform_0(%arg0: i32) -> (i32, i32) {
    %c0_i32 = arith.constant 0 : i32
    %c0_i32_0 = arith.constant 0 : i32
    return %arg0, %c0_i32 : i32, i32
  }
  func.func @transform_1(%arg0: i32) -> (i32, i32, i32) {
    %c0_i32 = arith.constant 0 : i32
    %c0_i32_0 = arith.constant 0 : i32
    %c0_i32_1 = arith.constant 0 : i32
    return %c0_i32, %arg0, %c0_i32_0 : i32, i32, i32
  }
  func.func @transform_2(%arg0: i32) -> (i32, i32) {
    %c0_i32 = arith.constant 0 : i32
    %c0_i32_0 = arith.constant 0 : i32
    return %arg0, %c0_i32 : i32, i32
  }
}

module attributes {stable_mosaic.version = 14 : i64} {
  func.func @_tcb_body(%arg0: i32, %arg1: memref<2048x128xbf16, #tpu.memory_space<vmem>>, %arg2: memref<2048x64xbf16, #tpu.memory_space<vmem>>, %arg3: memref<2x16x128xf32, #tpu.memory_space<vmem>>, %arg4: memref<1x1x2048xi32, #tpu.memory_space<vmem>>, %arg5: memref<1x64xf32, #tpu.memory_space<vmem>>, %arg6: memref<64x32xf32, #tpu.memory_space<vmem>>, %arg7: memref<1x32xf32, #tpu.memory_space<vmem>>, %arg8: memref<64x32xf32, #tpu.memory_space<vmem>>, %arg9: memref<64x64xf32, #tpu.memory_space<vmem>>, %arg10: memref<64x1xf32, #tpu.memory_space<vmem>>) attributes {dimension_semantics = [#tpu.dimension_semantics<arbitrary>], iteration_bounds = array<i64: 5>, scalar_prefetch = 0 : i64, scratch_operands = 2 : i64, tpu.core_type = #tpu.core_type<tc>, window_params = [{transform_indices = @transform_0, window_bounds = array<i64: 2048, 128>}, {transform_indices = @transform_1, window_bounds = array<i64: 2048, 64>}, {transform_indices = @transform_2, window_bounds = array<i64: 2, 16, 128>}, {transform_indices = @transform_3, window_bounds = array<i64: 1, 1, 2048>}, {pipeline_mode = #tpu.pipeline_mode<synchronous>, transform_indices = @transform_4, window_bounds = array<i64: 1, 64>}, {pipeline_mode = #tpu.pipeline_mode<synchronous>, transform_indices = @transform_5, window_bounds = array<i64: 64, 32>}, {pipeline_mode = #tpu.pipeline_mode<synchronous>, transform_indices = @transform_6, window_bounds = array<i64: 1, 32>}, {pipeline_mode = #tpu.pipeline_mode<synchronous>, transform_indices = @transform_7, window_bounds = array<i64: 64, 32>}]} {
    %eq3A = arith.constant 0 : i32
    %eq3A_0 = arith.cmpi eq, %arg0, %eq3A : i32
    %convert_element_type3A = arith.extui %eq3A_0 : i1 to i32
    %cond3A = arith.constant 0 : i32
    %cond3A_1 = arith.cmpi ne, %convert_element_type3A, %cond3A : i32
    scf.if %cond3A_1 {
      %broadcast_in_dim3A_113 = arith.constant 0.000000e+00 : f32
      %broadcast_in_dim3A_114 = vector.broadcast %broadcast_in_dim3A_113 : f32 to vector<64x64xf32>
      %swap3A_115 = arith.constant 0 : index
      %swap3A_116 = arith.constant 0 : index
      %swap3A_117 = vector.load %arg9[%swap3A_115, %swap3A_116] : memref<64x64xf32, #tpu.memory_space<vmem>>, vector<64x64xf32>
      tpu.vector_store %arg9[%swap3A_115, %swap3A_116], %broadcast_in_dim3A_114 {strides = array<i32>} : memref<64x64xf32, #tpu.memory_space<vmem>>, vector<64x64xf32>,
      %broadcast_in_dim3A_118 = arith.constant 0.000000e+00 : f32
      %broadcast_in_dim3A_119 = vector.broadcast %broadcast_in_dim3A_118 : f32 to vector<64x1xf32>
      %swap3A_120 = arith.constant 0 : index
      %swap3A_121 = arith.constant 0 : index
      %swap3A_122 = vector.load %arg10[%swap3A_120, %swap3A_121] : memref<64x1xf32, #tpu.memory_space<vmem>>, vector<64x1xf32>
      tpu.vector_store %arg10[%swap3A_120, %swap3A_121], %broadcast_in_dim3A_119 {strides = array<i32>} : memref<64x1xf32, #tpu.memory_space<vmem>>, vector<64x1xf32>,
    } else {
    }
    %get3A = arith.constant 0 : index
    %get3A_2 = arith.constant 0 : index
    %get3A_3 = vector.load %arg1[%get3A, %get3A_2] : memref<2048x128xbf16, #tpu.memory_space<vmem>>, vector<2048x64xbf16>
    %convert_element_type3A_4 = arith.extf %get3A_3 : vector<2048x64xbf16> to vector<2048x64xf32>
    %get3A_5 = arith.constant 0 : index
    %get3A_6 = arith.constant 64 : index
    %get3A_7 = vector.load %arg1[%get3A_5, %get3A_6] : memref<2048x128xbf16, #tpu.memory_space<vmem>>, vector<2048x64xbf16>
    %convert_element_type3A_8 = arith.extf %get3A_7 : vector<2048x64xbf16> to vector<2048x64xf32>
    %add3A = arith.addf %convert_element_type3A_4, %convert_element_type3A_8 : vector<2048x64xf32>
    %get3A_9 = arith.constant 0 : index
    %get3A_10 = arith.constant 0 : index
    %get3A_11 = arith.constant 0 : index
    %get3A_12 = vector.load %arg3[%get3A_9, %get3A_10, %get3A_11] : memref<2x16x128xf32, #tpu.memory_space<vmem>>, vector<1x16x128xf32>
    %get3A_13 = vector.shape_cast %get3A_12 : vector<1x16x128xf32> to vector<16x128xf32>
    %get3A_14 = arith.constant 1 : index
    %get3A_15 = arith.constant 0 : index
    %get3A_16 = arith.constant 0 : index
    %get3A_17 = vector.load %arg3[%get3A_14, %get3A_15, %get3A_16] : memref<2x16x128xf32, #tpu.memory_space<vmem>>, vector<1x16x128xf32>
    %get3A_18 = vector.shape_cast %get3A_17 : vector<1x16x128xf32> to vector<16x128xf32>
    %add3A_19 = arith.addf %get3A_13, %get3A_18 : vector<16x128xf32>
    %broadcast_in_dim3A = vector.shape_cast %add3A_19 : vector<16x128xf32> to vector<16x1x128xf32>
    %broadcast_in_dim3A_20 = vector.shape_cast %broadcast_in_dim3A : vector<16x1x128xf32> to vector<16x1x128xf32>
    %broadcast_in_dim3A_21 = vector.broadcast %broadcast_in_dim3A_20 : vector<16x1x128xf32> to vector<16x128x128xf32>
    %reshape3A = vector.shape_cast %broadcast_in_dim3A_21 : vector<16x128x128xf32> to vector<2048x128xf32>
    %iota3A = tpu.iota {dimensions = array<i32: 1>} : vector<2048x128xi32>
    %iota3A_22 = tpu.iota {dimensions = array<i32: 0>} : vector<2048x128xi32>
    %jit3A = arith.constant 128 : i32
    %eq3A_23 = arith.constant 0 : i32
    %eq3A_24 = arith.cmpi eq, %jit3A, %eq3A_23 : i32
    %jit3A_25 = arith.constant 1 : i32
    %select_n3A = arith.select %eq3A_24, %jit3A_25, %jit3A : i32
    %rem3A = vector.broadcast %select_n3A : i32 to vector<2048x128xi32>
    %rem3A_26 = arith.remsi %iota3A_22, %rem3A : vector<2048x128xi32>
    %ne3A = arith.constant 0 : i32
    %ne3A_27 = vector.broadcast %ne3A : i32 to vector<2048x128xi32>
    %ne3A_28 = arith.cmpi ne, %rem3A_26, %ne3A_27 : vector<2048x128xi32>
    %lt3A = arith.constant 0 : i32
    %lt3A_29 = vector.broadcast %lt3A : i32 to vector<2048x128xi32>
    %lt3A_30 = arith.cmpi slt, %rem3A_26, %lt3A_29 : vector<2048x128xi32>
    %lt3A_31 = arith.constant 0 : i32
    %lt3A_32 = arith.cmpi slt, %select_n3A, %lt3A_31 : i32
    %ne3A_33 = vector.broadcast %lt3A_32 : i1 to vector<2048x128xi1>
    %ne3A_34 = vector.broadcast %ne3A_33 : vector<2048x128xi1> to vector<2048x128xi1>
    %ne3A_35 = arith.xori %lt3A_30, %ne3A_34 : vector<2048x128xi1>
    %and3A = arith.andi %ne3A_35, %ne3A_28 : vector<2048x128xi1>
    %add3A_36 = vector.broadcast %select_n3A : i32 to vector<2048x128xi32>
    %add3A_37 = arith.addi %rem3A_26, %add3A_36 : vector<2048x128xi32>
    %select_n3A_38 = arith.select %and3A, %add3A_37, %rem3A_26 : vector<2048x128xi1>, vector<2048x128xi32>
    %eq3A_39 = arith.cmpi eq, %iota3A, %select_n3A_38 : vector<2048x128xi32>
    %jit3A_40 = arith.constant 0.000000e+00 : f32
    %broadcast_in_dim3A_41 = vector.broadcast %jit3A_40 : f32 to vector<2048x128xf32>
    %select_n3A_42 = arith.select %eq3A_39, %reshape3A, %broadcast_in_dim3A_41 : vector<2048x128xi1>, vector<2048x128xf32>
    %reduce_sum3A = arith.constant dense<0.000000e+00> : vector<2048xf32>
    %reduce_sum3A_43 = vector.multi_reduction <add>, %select_n3A_42, %reduce_sum3A [1] : vector<2048x128xf32> to vector<2048xf32>
    %broadcast_in_dim3A_44 = vector.shape_cast %reduce_sum3A_43 : vector<2048xf32> to vector<2048x1xf32>
    %add3A_45 = arith.constant 1.000000e+00 : f32
    %add3A_46 = vector.broadcast %add3A_45 : f32 to vector<2048x1xf32>
    %add3A_47 = arith.addf %broadcast_in_dim3A_44, %add3A_46 : vector<2048x1xf32>
    %rsqrt3A = math.rsqrt %add3A_47 : vector<2048x1xf32>
    %get3A_48 = arith.constant 0 : index
    %get3A_49 = arith.constant 0 : index
    %get3A_50 = vector.load %arg2[%get3A_48, %get3A_49] : memref<2048x64xbf16, #tpu.memory_space<vmem>>, vector<2048x64xbf16>
    %convert_element_type3A_51 = arith.extf %get3A_50 : vector<2048x64xbf16> to vector<2048x64xf32>
    %add3A_52 = arith.addf %add3A, %convert_element_type3A_51 : vector<2048x64xf32>
    %mul3A = vector.broadcast %rsqrt3A : vector<2048x1xf32> to vector<2048x64xf32>
    %mul3A_53 = arith.mulf %mul3A, %add3A_52 : vector<2048x64xf32>
    %get3A_54 = arith.constant 0 : index
    %get3A_55 = arith.constant 0 : index
    %get3A_56 = vector.load %arg5[%get3A_54, %get3A_55] : memref<1x64xf32, #tpu.memory_space<vmem>>, vector<1x64xf32>
    %add3A_57 = vector.broadcast %get3A_56 : vector<1x64xf32> to vector<2048x64xf32>
    %add3A_58 = arith.addf %mul3A_53, %add3A_57 : vector<2048x64xf32>
    %ge3A = arith.constant 0.000000e+00 : f32
    %ge3A_59 = vector.broadcast %ge3A : f32 to vector<2048x64xf32>
    %ge3A_60 = arith.cmpf oge, %add3A_58, %ge3A_59 : vector<2048x64xf32>
    %mul3A_61 = arith.constant 0.00999999977 : f32
    %mul3A_62 = vector.broadcast %mul3A_61 : f32 to vector<2048x64xf32>
    %mul3A_63 = arith.mulf %mul3A_62, %add3A_58 : vector<2048x64xf32>
    %select_n3A_64 = arith.select %ge3A_60, %add3A_58, %mul3A_63 : vector<2048x64xi1>, vector<2048x64xf32>
    %iota3A_65 = tpu.iota {dimensions = array<i32: 0>} : vector<2048x1xi32>
    %mul3A_66 = arith.constant 2048 : i32
    %mul3A_67 = arith.muli %arg0, %mul3A_66 : i32
    %add3A_68 = vector.broadcast %mul3A_67 : i32 to vector<2048x1xi32>
    %add3A_69 = arith.addi %iota3A_65, %add3A_68 : vector<2048x1xi32>
    %lt3A_70 = arith.constant 10000 : i32
    %lt3A_71 = vector.broadcast %lt3A_70 : i32 to vector<2048x1xi32>
    %lt3A_72 = arith.cmpi slt, %add3A_69, %lt3A_71 : vector<2048x1xi32>
    %jit3A_73 = arith.constant 0.000000e+00 : f32
    %broadcast_in_dim3A_74 = vector.shape_cast %lt3A_72 : vector<2048x1xi1> to vector<2048x1xi1>
    %broadcast_in_dim3A_75 = vector.broadcast %broadcast_in_dim3A_74 : vector<2048x1xi1> to vector<2048x64xi1>
    %broadcast_in_dim3A_76 = vector.broadcast %jit3A_73 : f32 to vector<2048x64xf32>
    %select_n3A_77 = arith.select %broadcast_in_dim3A_75, %select_n3A_64, %broadcast_in_dim3A_76 : vector<2048x64xi1>, vector<2048x64xf32>
    %get3A_78 = arith.constant 0 : index
    %get3A_79 = arith.constant 0 : index
    %get3A_80 = arith.constant 0 : index
    %get3A_81 = vector.load %arg4[%get3A_78, %get3A_79, %get3A_80] : memref<1x1x2048xi32, #tpu.memory_space<vmem>>, vector<1x1x2048xi32>
    %get3A_82 = vector.shape_cast %get3A_81 : vector<1x1x2048xi32> to vector<1x2048xi32>
    %iota3A_83 = tpu.iota {dimensions = array<i32: 0>} : vector<64x2048xi32>
    %eq3A_84 = vector.broadcast %get3A_82 : vector<1x2048xi32> to vector<64x2048xi32>
    %eq3A_85 = arith.cmpi eq, %iota3A_83, %eq3A_84 : vector<64x2048xi32>
    %jit3A_86 = arith.constant 1.000000e+00 : f32
    %jit3A_87 = arith.constant 0.000000e+00 : f32
    %broadcast_in_dim3A_88 = vector.broadcast %jit3A_86 : f32 to vector<64x2048xf32>
    %broadcast_in_dim3A_89 = vector.broadcast %jit3A_87 : f32 to vector<64x2048xf32>
    %select_n3A_90 = arith.select %eq3A_85, %broadcast_in_dim3A_88, %broadcast_in_dim3A_89 : vector<64x2048xi1>, vector<64x2048xf32>
    %get3A_91 = arith.constant 0 : index
    %get3A_92 = arith.constant 0 : index
    %get3A_93 = vector.load %arg9[%get3A_91, %get3A_92] : memref<64x64xf32, #tpu.memory_space<vmem>>, vector<64x64xf32>
    %dot_general3A = arith.constant dense<0.000000e+00> : vector<64x64xf32>
    %dot_general3A_94 = tpu.matmul %select_n3A_90, %select_n3A_77, %dot_general3A {dimension_numbers = #tpu.dot_dimension_numbers<[1], [0], [0], [1], [0, 0, 1, 1], [], []>, transpose_lhs_hint = false} : vector<64x2048xf32>, vector<2048x64xf32>, vector<64x64xf32> -> vector<64x64xf32>
    %add3A_95 = arith.addf %get3A_93, %dot_general3A_94 : vector<64x64xf32>
    %swap3A = arith.constant 0 : index
    %swap3A_96 = arith.constant 0 : index
    %swap3A_97 = vector.load %arg9[%swap3A, %swap3A_96] : memref<64x64xf32, #tpu.memory_space<vmem>>, vector<64x64xf32>
    tpu.vector_store %arg9[%swap3A, %swap3A_96], %add3A_95 {strides = array<i32>} : memref<64x64xf32, #tpu.memory_space<vmem>>, vector<64x64xf32>,
    %get3A_98 = arith.constant 0 : index
    %get3A_99 = arith.constant 0 : index
    %get3A_100 = vector.load %arg10[%get3A_98, %get3A_99] : memref<64x1xf32, #tpu.memory_space<vmem>>, vector<64x1xf32>
    %reduce_sum3A_101 = arith.constant dense<0.000000e+00> : vector<64xf32>
    %reduce_sum3A_102 = vector.multi_reduction <add>, %select_n3A_90, %reduce_sum3A_101 [1] : vector<64x2048xf32> to vector<64xf32>
    %broadcast_in_dim3A_103 = vector.shape_cast %reduce_sum3A_102 : vector<64xf32> to vector<64x1xf32>
    %add3A_104 = arith.addf %get3A_100, %broadcast_in_dim3A_103 : vector<64x1xf32>
    %swap3A_105 = arith.constant 0 : index
    %swap3A_106 = arith.constant 0 : index
    %swap3A_107 = vector.load %arg10[%swap3A_105, %swap3A_106] : memref<64x1xf32, #tpu.memory_space<vmem>>, vector<64x1xf32>
    tpu.vector_store %arg10[%swap3A_105, %swap3A_106], %add3A_104 {strides = array<i32>} : memref<64x1xf32, #tpu.memory_space<vmem>>, vector<64x1xf32>,
    %eq3A_108 = arith.constant 4 : i32
    %eq3A_109 = arith.cmpi eq, %arg0, %eq3A_108 : i32
    %convert_element_type3A_110 = arith.extui %eq3A_109 : i1 to i32
    %cond3A_111 = arith.constant 0 : i32
    %cond3A_112 = arith.cmpi ne, %convert_element_type3A_110, %cond3A_111 : i32
    scf.if %cond3A_112 {
      %get3A_113 = arith.constant 0 : index
      %get3A_114 = arith.constant 0 : index
      %get3A_115 = vector.load %arg9[%get3A_113, %get3A_114] : memref<64x64xf32, #tpu.memory_space<vmem>>, vector<64x64xf32>
      %get3A_116 = arith.constant 0 : index
      %get3A_117 = arith.constant 0 : index
      %get3A_118 = vector.load %arg10[%get3A_116, %get3A_117] : memref<64x1xf32, #tpu.memory_space<vmem>>, vector<64x1xf32>
      %max3A = arith.constant 1.000000e+00 : f32
      %max3A_119 = vector.broadcast %max3A : f32 to vector<64x1xf32>
      %max3A_120 = arith.maximumf %get3A_118, %max3A_119 : vector<64x1xf32>
      %div3A = vector.broadcast %max3A_120 : vector<64x1xf32> to vector<64x64xf32>
      %div3A_121 = arith.divf %get3A_115, %div3A : vector<64x64xf32>
      %get3A_122 = arith.constant 0 : index
      %get3A_123 = arith.constant 0 : index
      %get3A_124 = vector.load %arg6[%get3A_122, %get3A_123] : memref<64x32xf32, #tpu.memory_space<vmem>>, vector<64x32xf32>
      %dot_general3A_125 = arith.constant dense<0.000000e+00> : vector<64x32xf32>
      %dot_general3A_126 = tpu.matmul %div3A_121, %get3A_124, %dot_general3A_125 {dimension_numbers = #tpu.dot_dimension_numbers<[1], [0], [0], [1], [0, 0, 1, 1], [], []>, transpose_lhs_hint = false} : vector<64x64xf32>, vector<64x32xf32>, vector<64x32xf32> -> vector<64x32xf32>
      %get3A_127 = arith.constant 0 : index
      %get3A_128 = arith.constant 0 : index
      %get3A_129 = vector.load %arg7[%get3A_127, %get3A_128] : memref<1x32xf32, #tpu.memory_space<vmem>>, vector<1x32xf32>
      %add3A_130 = vector.broadcast %get3A_129 : vector<1x32xf32> to vector<64x32xf32>
      %add3A_131 = arith.addf %dot_general3A_126, %add3A_130 : vector<64x32xf32>
      %tanh3A = math.tanh %add3A_131 : vector<64x32xf32>
      %swap3A_132 = arith.constant 0 : index
      %swap3A_133 = arith.constant 0 : index
      %swap3A_134 = vector.load %arg8[%swap3A_132, %swap3A_133] : memref<64x32xf32, #tpu.memory_space<vmem>>, vector<64x32xf32>
      tpu.vector_store %arg8[%swap3A_132, %swap3A_133], %tanh3A {strides = array<i32>} : memref<64x32xf32, #tpu.memory_space<vmem>>, vector<64x32xf32>,
    } else {
    }
    return
  }
  func.func @transform_0(%arg0: i32) -> (i32, i32) {
    %c0_i32 = arith.constant 0 : i32
    %c0_i32_0 = arith.constant 0 : i32
    return %arg0, %c0_i32 : i32, i32
  }
  func.func @transform_1(%arg0: i32) -> (i32, i32) {
    %c0_i32 = arith.constant 0 : i32
    %c0_i32_0 = arith.constant 0 : i32
    return %arg0, %c0_i32 : i32, i32
  }
  func.func @transform_2(%arg0: i32) -> (i32, i32, i32) {
    %c0_i32 = arith.constant 0 : i32
    %c0_i32_0 = arith.constant 0 : i32
    %c0_i32_1 = arith.constant 0 : i32
    return %c0_i32, %arg0, %c0_i32_0 : i32, i32, i32
  }
  func.func @transform_3(%arg0: i32) -> (i32, i32, i32) {
    %c0_i32 = arith.constant 0 : i32
    %c0_i32_0 = arith.constant 0 : i32
    %c0_i32_1 = arith.constant 0 : i32
    return %arg0, %c0_i32, %c0_i32_0 : i32, i32, i32
  }
  func.func @transform_4(%arg0: i32) -> (i32, i32) {
    %c0_i32 = arith.constant 0 : i32
    %c0_i32_0 = arith.constant 0 : i32
    %c0_i32_1 = arith.constant 0 : i32
    return %c0_i32, %c0_i32_0 : i32, i32
  }
  func.func @transform_5(%arg0: i32) -> (i32, i32) {
    %c0_i32 = arith.constant 0 : i32
    %c0_i32_0 = arith.constant 0 : i32
    %c0_i32_1 = arith.constant 0 : i32
    return %c0_i32, %c0_i32_0 : i32, i32
  }
  func.func @transform_6(%arg0: i32) -> (i32, i32) {
    %c0_i32 = arith.constant 0 : i32
    %c0_i32_0 = arith.constant 0 : i32
    %c0_i32_1 = arith.constant 0 : i32
    return %c0_i32, %c0_i32_0 : i32, i32
  }
  func.func @transform_7(%arg0: i32) -> (i32, i32) {
    %c0_i32 = arith.constant 0 : i32
    %c0_i32_0 = arith.constant 0 : i32
    %c0_i32_1 = arith.constant 0 : i32
    return %c0_i32, %c0_i32_0 : i32, i32
  }
}

</mosaic_0001>

<sc_bundles>
// kernel: kernel.10.cloned.1.call-start
scs
__scs_entry_jumppad:
0x0: {  	(pc) =	sbr.rel $0x88, $3  }
0x1: {  	(tag) =	ssettag $0x0;
	lr =	simm.s32 $0x1  }
0x2: {  	[smem:$0x3F9A] =	sst lr;
	_ =	strace $0xD0000000  }
0x3: {  	_ = 	snop  }
0x4: {  	_ = 	snop  }
0x5: {  	_ = 	snop  }
0x6: {  	_ = 	snop  }
0x7: {  	_ = 	snop  }
__scs_overlays_trampoline_lowered:
0x8: {  	[smem:$0x3FA9] =	sst s0  }
0x9: {  	[smem:$0x3FAA] =	sst s1  }
0xa: {  	[smem:$0x3FAB] =	sst s2  }
0xb: {  	[smem:$0x3FAC] =	sst s3  }
0xc: {  	[smem:$0x3FAD] =	sst s4  }
0xd: {  	[smem:$0x3FAE] =	sst s5  }
0xe: {  	[smem:$0x3FAF] =	sst s6  }
0xf: {  	[smem:$0x3FB0] =	sst s7  }
0x10: {  	[smem:$0x3FB1] =	sst s8  }
0x11: {  	[smem:$0x3FB2] =	sst s9;
	s0 =	simm.s32 @!p0 $0x0  }
0x12: {  	s1 =	sld [smem:$0x3F98];
	s0 =	simm.s32 @p0 $0x1  }
0x13: {  	[smem:$0x3FB3] =	sst s0;
	s0 =	simm.s32 @!p1 $0x0  }
0x14: {  	s2 =	sld [smem:$0x3F97];
	s0 =	simm.s32 @p1 $0x1  }
0x15: {  	[smem:$0x3FB4] =	sst s0;
	s0 =	simm.s32 @!p2 $0x0  }
0x16: {  	s3 =	sld [smem:$0x3FDB];
	s0 =	simm.s32 @p2 $0x1  }
0x17: {  	s4 =	simm.s32 $0x1BF5;
	[smem:$0x3FB6] =	sst s0  }
0x18: {  	s0 =	sld [smem:$0x3F99];
	_ =	swait.ge [sflag:s4], $0x0  }
0x19: {  	s7 =	sld [smem:$0x3F9A]  }
0x1a: {  	s8 =	sadd.s32 $0xFFFFE003, lr  }
0x1b: {  	s9 =	sadd.s32 $0xFFFFFEF7, lr;
	s5 =	simm.s32 $0xFFFFFFFF;
	p2 =	slt.u32 s8, $0xFFFFF086  }
0x1c: {  	p1 =	slt.u32 s9, $0xF7A;
	s5 =	simm.s32 @!p2 $0x0  }
0x1d: {  	s5 =	simm.s32 @p1 $0x1;
	p0 =	seq.s32 s7, s2  }
0x1e: {  	s7 =	smul.u32 @!p0 $0xF7A, s2;
	p2 =	seq.s32 @!p0 s5, $0x0  }
0x1f: {  	s9 =	smul.u32 $0xF7A, s1;
	s8 =	simm.s32 @!p0 $0x1BF5;
	p2 =	por !p2, p0  }
0x20: {  	[sflag:s8] =	ssyncset.s32 @!p0 $0xFFFFF086;
	s6 =	sadd.s32 @!p0 s3, s7;
	s7 =	simm.s32 @!p0 $0x108  }
0x21: {  	s3 =	sadd.s32 s3, s9;
	s6 =	sadd.s32 @!p0 $0x88, s6;
	s7 =	simm.s32 @p2 $0x1082  }
0x22: {  	[simem:s7], [sflag:s8] =	dma.local @!p0 [hbm:s6], $0xF7A  }
0x23: {  	s9 =	sor.u32 $0xD0000000, s2;
	s6 =	simm.s32 $0x108;
	_ =	swait.ge @!p0 [sflag:s8], $0x0  }
0x24: {  	s3 =	sadd.s32 $0x88, s3;
	s6 =	simm.s32 @!p1 $0x1082;
	[sflag:s4] =	ssyncset.s32 $0xFFFFF086  }
0x25: {  	[simem:s6], [sflag:s4] =	dma.local [hbm:s3], $0xF7A  }
0x26: {  	[smem:$0x3F9A] =	sst s1;
	(tag) =	ssettag s2;
	_ =	strace s9  }
0x27: {  	s1 =	sld [smem:$0x3FAA]  }
0x28: {  	s2 =	sld [smem:$0x3FAB]  }
0x29: {  	s4 =	sld [smem:$0x3FAD]  }
0x2a: {  	p0 =	seq.s32 s5, $0x0;
	s5 =	sld [smem:$0x3FAE]  }
0x2b: {  	s6 =	sld [smem:$0x3FAF]  }
0x2c: {  	s7 =	sld [smem:$0x3FB0]  }
0x2d: {  	s3 =	simm.s32 $0x108;
	s8 =	sld [smem:$0x3FB1]  }
0x2e: {  	s3 =	simm.s32 @!p0 $0x1082;
	s9 =	sld [smem:$0x3FB2]  }
0x2f: {  	lr =	sadd.s32 s0, s3;
	s0 =	sld [smem:$0x3FA9]  }
0x30: {  	s3 =	sld [smem:$0x3FAC]  }
0x31: {  	[smem:$0x3FB5] =	sst s10  }
0x32: {  	s10 =	sld [smem:$0x3FB3];
	_ =	sdelay $0x3  }
0x33: {  	p0 =	seq.s32 s10, $0x1;
	s10 =	sld [smem:$0x3FB5];
	_ =	sdelay $0x3  }
0x34: {  	[smem:$0x3FB5] =	sst s10  }
0x35: {  	s10 =	sld [smem:$0x3FB4];
	_ =	sdelay $0x3  }
0x36: {  	p1 =	seq.s32 s10, $0x1;
	s10 =	sld [smem:$0x3FB5];
	_ =	sdelay $0x3  }
0x37: {  	[smem:$0x3FB5] =	sst s10  }
0x38: {  	s10 =	sld [smem:$0x3FB6]  }
0x39: {  	_ = 	snop;
	(pc) =	sbr.ind lr, $3  }
0x3a: {  	_ = 	snop  }
0x3b: {  	_ = 	snop  }
0x3c: {  	p2 =	seq.s32 s10, $0x1;
	s10 =	sld [smem:$0x3FB5]  }
0x3d: {  	_ =	shalt  }
0x3e: {  	_ =	shalt  }
0x3f: {  	_ =	shalt  }
0x40: {  	_ =	shalt  }
0x41: {  	_ =	shalt  }
0x42: {  	_ =	shalt  }
0x43: {  	_ =	shalt  }
0x44: {  	_ =	shalt  }
0x45: {  	_ =	shalt  }
0x46: {  	_ =	shalt  }
0x47: {  	_ =	shalt  }
0x48: {  	_ =	shalt  }
0x49: {  	_ =	shalt  }
0x4a: {  	_ =	shalt  }
0x4b: {  	_ =	shalt  }
0x4c: {  	_ =	shalt  }
0x4d: {  	_ =	shalt  }
0x4e: {  	_ =	shalt  }
0x4f: {  	_ =	shalt  }
0x50: {  	_ =	shalt  }
0x51: {  	_ =	shalt  }
0x52: {  	_ =	shalt  }
0x53: {  	_ =	shalt  }
0x54: {  	_ =	shalt  }
0x55: {  	_ =	shalt  }
0x56: {  	_ =	shalt  }
0x57: {  	_ =	shalt  }
0x58: {  	_ =	shalt  }
0x59: {  	_ =	shalt  }
0x5a: {  	_ =	shalt  }
0x5b: {  	_ =	shalt  }
0x5c: {  	_ =	shalt  }
0x5d: {  	_ =	shalt  }
0x5e: {  	_ =	shalt  }
0x5f: {  	_ =	shalt  }
0x60: {  	_ =	shalt  }
0x61: {  	_ =	shalt  }
0x62: {  	_ =	shalt  }
0x63: {  	_ =	shalt  }
0x64: {  	_ =	shalt  }
0x65: {  	_ =	shalt  }
0x66: {  	_ =	shalt  }
0x67: {  	_ =	shalt  }
0x68: {  	_ =	shalt  }
0x69: {  	_ =	shalt  }
0x6a: {  	_ =	shalt  }
0x6b: {  	_ =	shalt  }
0x6c: {  	_ =	shalt  }
0x6d: {  	_ =	shalt  }
0x6e: {  	_ =	shalt  }
0x6f: {  	_ =	shalt  }
0x70: {  	_ =	shalt  }
0x71: {  	_ =	shalt  }
0x72: {  	_ =	shalt  }
0x73: {  	_ =	shalt  }
0x74: {  	_ =	shalt  }
0x75: {  	_ =	shalt  }
0x76: {  	_ =	shalt  }
0x77: {  	_ =	shalt  }
0x78: {  	_ =	shalt  }
0x79: {  	_ =	shalt  }
0x7a: {  	_ =	shalt  }
0x7b: {  	_ =	shalt  }
0x7c: {  	_ =	shalt  }
0x7d: {  	_ =	shalt  }
0x7e: {  	_ =	shalt  }
0x7f: {  	_ =	shalt  }
0x80: {  	_ =	shalt  }
0x81: {  	_ =	shalt  }
0x82: {  	_ =	shalt  }
0x83: {  	_ =	shalt  }
0x84: {  	_ =	shalt  }
0x85: {  	_ =	shalt  }
0x86: {  	_ =	shalt  }
0x87: {  	_ =	shalt  }
.Lfunc_end0:
.L_simem_size_0:
called_computation.1_lowered:
.L_overlay_start_0:
0x88: {  	s2 =	sld [smem:$0x3FD9]  }
0x89: {  	s3 =	sld [smem:$0x3FFE];
	_ =	sdelay $0x1  }
0x8a: {  	s1 =	srdreg.scid  }
0x8b: {  	s0 =	sand.u32 $0x1, s1  }
0x8c: {  	s16 =	sshll.u32 s0, $0xA;
	s2 =	sadd.s32 s3, s2  }
0x8d: {  	s2 =	sadd.s32 s2, s16  }
0x8e: {  	[smem:$0x3FC1] =	sst s2  }
0x8f: {  	_ = 	snop  }
0x90: {  	(tm) =	ssettm $0x1  }
0x91: {  	s17 =	sld [smem:$0x3FFB];
	_ =	sdelay $0x3  }
0x92: {  	_ =	strace s17  }
0x93: {  	s2 =	sld [smem:$0x3FFC];
	_ =	sdelay $0x3  }
0x94: {  	_ =	strace s2  }
0x95: {  	s2 =	sld [smem:$0x3FFD];
	_ =	sdelay $0x3  }
0x96: {  	_ =	strace s2  }
0x97: {  	_ =	strace $0x8FFFFFFF  }
0x98: {  	s18 =	sld [smem:$0x3FDB];
	_ =	sdelay $0x1  }
0x99: {  	s19 =	simm.s32 $_scs_section_size  }
0x9a: {  	s4 =	simm.s32 $_size__tile_overlayer_lowered;
	s5 =	simm.s32 $_tile_overlayer_lowered  }
0x9b: {  	s22 =	simm.s32 $0x1BFF;
	s21 =	sshll.u32 s5, $0x1;
	s2 =	sadd.s32 s19, s18  }
0x9c: {  	s6 =	simm.s32 $0x0;
	s20 =	sshll.u32 s4, $0x1;
	s4 =	sadd.s32 s21, s2  }
0x9d: {  	[timem:s6], [sflag:s22] =	dma.local [hbm:s4], s20  }
0x9e: {  	_ =	swait.ge [sflag:s22], s20  }
0x9f: {  	s3 =	ssub.s32 $0x0, s20;
	[sflag:s22] =	ssyncset.done $0x0  }
0xa0: {  	[sflag:s22] =	ssyncadd.s32 s3;
	_ =	sdelay $0x1  }
0xa1: {  	s23 =	simm.s32 $0x1B8B  }
0xa2: {  	_ =	swait.ge [sflag:s23], $0x1  }
0xa3: {  	[sflag:s23] =	ssyncset.done $0x0  }
0xa4: {  	s25 =	simm.s32 $0x1B8E;
	s24 =	sld [smem:$0x3FFE];
	[sflag:s23] =	ssyncadd.s32 $0xFFFFFFFF  }
0xa5: {  	s26 =	simm.s32 $execute0_lowered;
	[smem:$0x3FD2] =	sst s25  }
0xa6: {  	s4 =	sshll.u32 s26, $0x1;
	_ =	strace $0x80000049;
	[dreg:$0x1] =	wrdreg $0xFFFFFFFF  }
0xa7: {  	s28 =	simm.s32 $_size_execute0_lowered;
	s2 =	sadd.s32 s2, s4;
	[dreg:$0x0] =	wrdreg $0x0  }
0xa8: {  	s4 =	sshll.u32 s28, $0x1;
	[dreg:$0x2] =	wrdreg s2  }
0xa9: {  	[dreg:$0x3] =	wrdreg s4  }
0xaa: {  	[dreg:$0x4] =	wrdreg $0xC0  }
0xab: {  	_ =	task [dreg:s6], $0x5FFFF  }
0xac: {  	[dreg:$0x1] =	wrdreg $0xFFFFFFFF  }
0xad: {  	[dreg:$0x0] =	wrdreg $0x60  }
0xae: {  	[dreg:$0x2] =	wrdreg s24  }
0xaf: {  	[dreg:$0x3] =	wrdreg $0x100000  }
0xb0: {  	[dreg:$0x4] =	wrdreg $0x9  }
0xb1: {  	_ =	task.clear_ibuf [dreg:s6], $0x5FFFF;
	_ =	strace $0x90000049  }
0xb2: {  	s29 =	simm.s32 $0x9;
	_ =	strace $0x8000004B  }
0xb3: {  	_ =	swait.ge [sflag:s29], $0x1  }
0xb4: {  	[sflag:s29] =	ssyncadd.s32 $0xFFFFFFFF  }
0xb5: {  	_ =	strace $0x9000004B  }
0xb6: {  	_ =	sfence  }
0xb7: {  	s30 =	sld [smem:$0x0];
	_ =	sdelay $0x2  }
0xb8: {  	s31 =	sshll.u32 s1, $0xD;
	s1 =	sshrl.u32 s1, $0x2  }
0xb9: {  	s3 =	sand.u32 $0x4000, s31;
	s1 =	sadd.s32 s1, s30  }
0xba: {  	s0 =	sor.u32 s3, s0;
	s1 =	sshll.u32 s1, $0x11  }
0xbb: {  	s0 =	sor.u32 s1, s0  }
0xbc: {  	s0 =	sadd.s32 $0x8F2B, s0  }
0xbd: {  	[sflag:s0] =	ssyncadd.remote.s32 $0x1  }
0xbe: {  	_ =	sfence.sel $0xFFFF  }
0xbf: {  	[dreg:$0x0] =	wrdreg $0xFFFFFFFF;
	(pc) =	sbr.abs _section_cstart, $3  }
0xc0: {  	[dreg:$0x1] =	wrdreg $0xFFFFFFFF  }
0xc1: {  	_ =	task.clear_ibuf [dreg:s6], $0x2FFFF;
	_ =	strace $0x9FFFFFFF  }
0xc2: {  	(tm) =	ssettm $0x7FFFFFFF  }
0xc3: {  	_ =	shalt  }
tec
execute0_lowered:
.L_overlay_start_1:
0x0: {  	(tag) =	ssettag $0x1  }
0x1: {  	s0 =	rddreg [dreg:$0x0]  }
0x2: {  	s2 =	rddreg [dreg:$0x1];
	s17 =	simm.s32 $0x0;
	s1 =	srdreg.scid  }
0x3: {  	s9 =	stileid.u32;
	s28 =	simm.s32 $0x8000;
	s30 =	simm.s32 $0x9000  }
0x4: {  	s29 =	simm.s32 $0xC000;
	s31 =	simm.s32 $0xE000;
	s12 =	simm.s32 $0x6  }
0x5: {  	s13 =	simm.s32 $0x7;
	[smem:$0x7FF] =	sst s17;
	s1 =	sand.u32 $0x1, s1  }
0x6: {  	s3 =	smul.u32 $0x14000, s9;
	s4 =	sadd.s32 $0x15600, s0;
	s6 =	sadd.s32 $0x1C00, s0  }
0x7: {  	s23 =	sadd.s32 $0xB700, s0;
	_ =	strace $0x8000004A;
	s5 =	sshll.u32 s1, $0x6  }
0x8: {  	s7 =	ssub.s32 $0x2, s1;
	s1 =	sshll.u32 s1, $0x4;
	[dreg:$0xb] =	wrdreg s23  }
0x9: {  	s23 =	simm.s32 $0x6000;
	s5 =	sor.u32 s5, s3;
	s14 =	sshrl.u32 s7, $0x1  }
0xa: {  	s1 =	sor.u32 s9, s1;
	s3 =	sshrl.u32 s3, $0x2;
	s9 =	simm.s32 $0x3  }
0xb: {  	s5 =	sshrl.u32 s5, $0x4;
	s15 =	ssub.s32 s7, s14;
	p0 =	seq.s32 s1, $0x1F  }
0xc: {  	s19 =	sadd.s32 s3, s2;
	s16 =	smul.u32 $0x2800, s1;
	s7 =	simm.s32 $0x14  }
0xd: {  	s1 =	smul.u32 $0x500, s1;
	s14 =	simm.s32 $0x8;
	s8 =	sadd.s32 s5, s0  }
0xe: {  	s5 =	simm.s32 $0x14;
	s10 =	sadd.s32 $0x1000, s19;
	[dreg:$0x4] =	wrdreg s19  }
0xf: {  	s18 =	sadd.s32 $0x2000, s19;
	s20 =	sadd.s32 $0x3000, s19;
	[dreg:$0x5] =	wrdreg s10  }
0x10: {  	s11 =	sadd.s32 $0x4000, s19;
	s0 =	sadd.s32 $0x15340, s0;
	[dreg:$0x6] =	wrdreg s18  }
0x11: {  	s26 =	smax.u32 s15, $0x1;
	s15 =	simm.s32 $0x9;
	[dreg:$0x7] =	wrdreg s20  }
0x12: {  	s5 =	simm.s32 @!p0 $0x50;
	s3 =	sshrl.u32 s16, $0x3;
	[dreg:$0x8] =	wrdreg s11  }
0x13: {  	s1 =	sadd.s32 s6, s1;
	[dreg:$0xc] =	wrdreg s0;
	s25 =	sadd.s32 $0x1F600, s8  }
0x14: {  	[dreg:$0xe] =	wrdreg s26;
	s20 =	simm.s32 $0x15;
	s0 =	simm.s32 $0xA000  }
0x15: {  	s26 =	simm.s32 $0x1;
	s8 =	simm.s32 $0x2;
	s10 =	simm.s32 $0x4  }
.Ltmp0:
0x16: {  	s11 =	simm.s32 $0x5;
	s16 =	simm.s32 $0xA;
	(pc) =	sbr.rel .LBB2_1-.Ltmp0, $4  }
0x17: {  	s3 =	sadd.s32 s6, s3;
	s21 =	smul.u32 $0x67, s5;
	[dreg:$0x9] =	wrdreg s1  }
0x18: {  	[dreg:$0xd] =	wrdreg s25;
	s25 =	simm.s32 $0x7000;
	s22 =	sadd.s32 $0x9C40, s3  }
0x19: {  	s1 =	simm.s32 $0xD000;
	[dreg:$0xa] =	wrdreg s22;
	s24 =	sshrl.u32 s21, $0xA  }
0x1a: {  	v0 =	vimm.bf16 $0.0e+00;
	s21 =	simm.s32 $0x80;
	s18 =	smul.u32 $0x1400, s24;
	s24 =	simm.s32 $0xB000  }
.LBB2_10:
0x1b: {  	s3 =	simm.s32 $0xB  }
0x1c: {  	_ =	swait.ge [sflag:s3], $0x1000  }
0x1d: {  	[sflag:s3] =	ssyncset.done $0x0  }
0x1e: {  	s17 =	simm.s32 $0xC;
	[sflag:s3] =	ssyncadd.s32 $0xFFFFF000  }
0x1f: {  	_ =	swait.ge [sflag:s17], $0x1000  }
0x20: {  	[sflag:s17] =	ssyncset.done $0x0  }
0x21: {  	s19 =	simm.s32 $0xD;
	[sflag:s17] =	ssyncadd.s32 $0xFFFFF000  }
0x22: {  	_ =	swait.ge [sflag:s19], $0x1000  }
0x23: {  	[sflag:s19] =	ssyncset.done $0x0  }
0x24: {  	s20 =	simm.s32 $0xE;
	[sflag:s19] =	ssyncadd.s32 $0xFFFFF000  }
0x25: {  	_ =	swait.ge [sflag:s20], $0x1000  }
0x26: {  	[sflag:s20] =	ssyncset.done $0x0  }
0x27: {  	s22 =	simm.s32 $0xF;
	[sflag:s20] =	ssyncadd.s32 $0xFFFFF000  }
0x28: {  	_ =	swait.ge [sflag:s22], $0x1000  }
0x29: {  	[sflag:s22] =	ssyncset.done $0x0  }
0x2a: {  	s6 =	simm.s32 $0x10;
	[sflag:s22] =	ssyncadd.s32 $0xFFFFF000  }
0x2b: {  	_ =	swait.ge [sflag:s6], $0x1000  }
0x2c: {  	[sflag:s6] =	ssyncset.done $0x0  }
0x2d: {  	s17 =	simm.s32 $0x11;
	[sflag:s6] =	ssyncadd.s32 $0xFFFFF000  }
0x2e: {  	_ =	swait.ge [sflag:s17], $0x1000  }
0x2f: {  	[sflag:s17] =	ssyncset.done $0x0  }
0x30: {  	s19 =	simm.s32 $0x12;
	[sflag:s17] =	ssyncadd.s32 $0xFFFFF000  }
0x31: {  	_ =	swait.ge [sflag:s19], $0x1000  }
0x32: {  	[sflag:s19] =	ssyncset.done $0x0  }
0x33: {  	s20 =	simm.s32 $0x13;
	[sflag:s19] =	ssyncadd.s32 $0xFFFFF000  }
0x34: {  	_ =	swait.ge [sflag:s20], $0x1000  }
0x35: {  	[sflag:s20] =	ssyncset.done $0x0  }
0x36: {  	[sflag:s20] =	ssyncadd.s32 $0xFFFFF000  }
0x37: {  	_ =	swait.ge [sflag:s7], $0x1000  }
0x38: {  	[sflag:s7] =	ssyncset.done $0x0  }
0x39: {  	s22 =	stileid.u32;
	[sflag:s7] =	ssyncadd.s32 $0xFFFFF000  }
0x3a: {  	s3 =	sshll.u32 s22, $0x6;
	[bflag:$0x0] =	sbarrier.arrive $0xFFFF  }
0x3b: {  	s3 =	sor.u32 $0x1C15, s3;
	s19 =	rddreg [dreg:$0x4]  }
0x3c: {  	s20 =	simm.s32 $0x15;
	s17 =	rddreg [dreg:$0xd];
	s6 =	sshrl.u32 s19, $0x3  }
0x3d: {  	[hbm:s17@s14], [sflag:s3] =	dma.strided [spmem:s6@s10], $0xA00, s26, $0x4   }
0x3e: {  	_ =	swait.ge [sflag:s20], $0xA00  }
0x3f: {  	s6 =	rddreg [dreg:$0x3]  }
0x40: {  	s22 =	rddreg [dreg:$0xe];
	s17 =	sadd.s32 $0x1, s6  }
0x41: {  	p1 =	sne.s32 s17, s22  }
.Ltmp1:
0x42: {  	_ = 	snop;
	(pc) =	sbr.rel @!p1 .LBB2_11-.Ltmp1, $3  }
0x43: {  	_ =	sdelay $0x1  }
0x44: {  	[sflag:s20] =	ssyncset.done $0x0  }
0x45: {  	[sflag:s20] =	ssyncadd.s32 $0xFFFFF600  }
.LBB2_1:
0x46: {  	[dreg:$0x3] =	wrdreg s17;
	s6 =	simm.s32 $0x80;
	s17 =	simm.s32 $0x0  }
.LBB2_2:
0x47: {  	p1 =	sne.s32 s6, $0x3F80;
	[tilespmem:s17+$0xF000] =	vst v0;
	s3 =	smov.u32 s6;
	s6 =	sadd.s32 $0x80, s6  }
.Ltmp2:
0x48: {  	[tilespmem:s17+$0xF010] =	vst v0;
	(pc) =	sbr.rel @p1 .LBB2_2-.Ltmp2, $2  }
0x49: {  	_ =	sdelay $0x2  }
0x4a: {  	s17 =	sshra.s32 s3, $0x2  }
0x4b: {  	[tilespmem:s17+$0xF000] =	vst v0  }
0x4c: {  	[tilespmem:s17+$0xF010] =	vst v0;
	s6 =	simm.s32 $0xF000  }
0x4d: {  	[spmem:s19] =	stream.linear.scatter [tilespmem:s6], [sflag:$0x15], $0x1000, $0x38;
	[tilespmem:$0x15000] =	vst v63  }
0x4e: {  	_ =	swait.ge [sflag:s20], $0x1000  }
0x4f: {  	[sflag:s20] =	ssyncset.done $0x0  }
0x50: {  	s3 =	rddreg [dreg:$0x5];
	[sflag:s20] =	ssyncadd.s32 $0xFFFFF000  }
0x51: {  	[spmem:s3] =	stream.linear.scatter [tilespmem:s6], [sflag:$0x15], $0x1000, $0x38;
	[tilespmem:$0x15000] =	vst v63  }
0x52: {  	_ =	swait.ge [sflag:s20], $0x1000  }
0x53: {  	[sflag:s20] =	ssyncset.done $0x0  }
0x54: {  	s17 =	rddreg [dreg:$0x6];
	[sflag:s20] =	ssyncadd.s32 $0xFFFFF000  }
0x55: {  	[spmem:s17] =	stream.linear.scatter [tilespmem:s6], [sflag:$0x15], $0x1000, $0x38;
	[tilespmem:$0x15000] =	vst v63  }
0x56: {  	_ =	swait.ge [sflag:s20], $0x1000  }
0x57: {  	[sflag:s20] =	ssyncset.done $0x0  }
0x58: {  	s19 =	rddreg [dreg:$0x7];
	[sflag:s20] =	ssyncadd.s32 $0xFFFFF000  }
0x59: {  	[spmem:s19] =	stream.linear.scatter [tilespmem:s6], [sflag:$0x15], $0x1000, $0x38;
	[tilespmem:$0x15000] =	vst v63  }
0x5a: {  	_ =	swait.ge [sflag:s20], $0x1000  }
0x5b: {  	[sflag:s20] =	ssyncset.done $0x0  }
0x5c: {  	s22 =	rddreg [dreg:$0x8];
	[sflag:s20] =	ssyncadd.s32 $0xFFFFF000  }
0x5d: {  	[spmem:s22] =	stream.linear.scatter [tilespmem:s6], [sflag:$0x15], $0x1000, $0x38;
	[tilespmem:$0x15000] =	vst v63  }
0x5e: {  	_ =	swait.ge [sflag:s20], $0x1000  }
0x5f: {  	[sflag:s20] =	ssyncset.done $0x0  }
0x60: {  	[sflag:s20] =	ssyncadd.s32 $0xFFFFF000  }
0x61: {  	[bflag:$0x0] =	sbarrier.arrive $0xFFFF  }
0x62: {  	s3 =	simm.s32 @p0 $0x0;
	s6 =	rddreg [dreg:$0xb]  }
0x63: {  	[tilespmem:s3], [sflag:$0x15] =	stream.linear.gather @p0 [hbm4b:s6+s3], $0xA00, $0x38;
	[tilespmem:$0x15000] =	vst v63  }
0x64: {  	s6 =	simm.s32 @p0 $0x15  }
0x65: {  	_ =	swait.ge @p0 [sflag:s6], $0xA00  }
0x66: {  	[sflag:s6] =	ssyncset.done @p0 $0x0  }
0x67: {  	s17 =	simm.s32 @p0 $0x2800;
	s19 =	rddreg [dreg:$0xc];
	[sflag:s6] =	ssyncadd.s32 @p0 $0xFFFFF600  }
0x68: {  	[tilespmem:s17], [sflag:$0x15] =	stream.linear.gather @p0 [hbm4b:s19+s3], $0xA00, $0x38;
	[tilespmem:$0x15000] =	vst v63  }
0x69: {  	_ =	swait.ge @p0 [sflag:s6], $0xA00  }
0x6a: {  	[sflag:s6] =	ssyncset.done @p0 $0x0  }
0x6b: {  	s3 =	simm.s32 @!p0 $0x0;
	[sflag:s6] =	ssyncadd.s32 @p0 $0xFFFFF600;
	s6 =	rddreg [dreg:$0x9]  }
0x6c: {  	[tilespmem:s3], [sflag:$0x15] =	stream.linear.gather @!p0 [hbm4b:s6+s3], $0x2800, $0x38;
	[tilespmem:$0x15000] =	vst v63  }
0x6d: {  	s6 =	simm.s32 @!p0 $0x15  }
0x6e: {  	_ =	swait.ge @!p0 [sflag:s6], $0x2800  }
0x6f: {  	[sflag:s6] =	ssyncset.done @!p0 $0x0  }
0x70: {  	s17 =	simm.s32 @!p0 $0x2800;
	s19 =	rddreg [dreg:$0xa];
	[sflag:s6] =	ssyncadd.s32 @!p0 $0xFFFFD800  }
0x71: {  	[tilespmem:s17], [sflag:$0x15] =	stream.linear.gather @!p0 [hbm4b:s19+s3], $0x2800, $0x38;
	[tilespmem:$0x15000] =	vst v63  }
0x72: {  	_ =	swait.ge @!p0 [sflag:s6], $0x2800  }
0x73: {  	[sflag:s6] =	ssyncset.done @!p0 $0x0  }
0x74: {  	s17 =	simm.s32 $0x0;
	[sflag:s6] =	ssyncadd.s32 @!p0 $0xFFFFD800;
	s6 =	simm.s32 $0x5000  }
0x75: {  	[tilespmem:s6], [sflag:$0x1] =	stream.indirect.gather [hbm4b:s4+s21], $0x20, s17, s21, $0xb8;
	[tilespmem:$0x15000] =	vst v63  }
0x76: {  	_ = 	snop  }
0x77: {  	[tilespmem:s23], [sflag:$0x2] =	stream.indirect.gather [hbm4b:s4+s21], $0x20, s21, s21, $0xb8;
	[tilespmem:$0x15000] =	vst v63  }
0x78: {  	s19 =	simm.s32 $0x100  }
0x79: {  	[tilespmem:s25], [sflag:$0x3] =	stream.indirect.gather [hbm4b:s4+s21], $0x20, s19, s21, $0xb8;
	[tilespmem:$0x15000] =	vst v63  }
0x7a: {  	s20 =	simm.s32 $0x180  }
0x7b: {  	[tilespmem:s28], [sflag:$0x4] =	stream.indirect.gather [hbm4b:s4+s21], $0x20, s20, s21, $0xb8;
	[tilespmem:$0x15000] =	vst v63  }
0x7c: {  	s22 =	simm.s32 $0x200  }
0x7d: {  	[tilespmem:s30], [sflag:$0x5] =	stream.indirect.gather [hbm4b:s4+s21], $0x20, s22, s21, $0xb8;
	[tilespmem:$0x15000] =	vst v63  }
0x7e: {  	s6 =	simm.s32 $0x280  }
0x7f: {  	[tilespmem:s0], [sflag:$0x6] =	stream.indirect.gather [hbm4b:s4+s21], $0x20, s6, s21, $0xb8;
	[tilespmem:$0x15000] =	vst v63  }
0x80: {  	s19 =	simm.s32 $0x300  }
0x81: {  	[tilespmem:s24], [sflag:$0x7] =	stream.indirect.gather [hbm4b:s4+s21], $0x20, s19, s21, $0xb8;
	[tilespmem:$0x15000] =	vst v63  }
.Ltmp3:
0x82: {  	_ = 	snop;
	(pc) =	sbr.rel .LBB2_4-.Ltmp3, $4  }
0x83: {  	s20 =	simm.s32 $0x380  }
0x84: {  	[tilespmem:s29], [sflag:$0x8] =	stream.indirect.gather [hbm4b:s4+s21], $0x20, s20, s21, $0xb8;
	[tilespmem:$0x15000] =	vst v63  }
0x85: {  	s22 =	simm.s32 $0x400;
	s6 =	simm.s32 $0x12  }
0x86: {  	[tilespmem:s1], [sflag:$0x9] =	stream.indirect.gather [hbm4b:s4+s21], $0x20, s22, s21, $0xb8;
	[tilespmem:$0x15000] =	vst v63  }
.LBB2_5:
0x87: {  	_ =	swait.ge [sflag:s7], $0x1000  }
0x88: {  	[sflag:s7] =	ssyncset.done $0x0  }
0x89: {  	s3 =	sadd.s32 $0x480, s19;
	[sflag:s7] =	ssyncadd.s32 $0xFFFFF000  }
.LBB2_8:
0x8a: {  	[tilespmem:s31], [sflag:$0xA] =	stream.indirect.gather [hbm4b:s4+s21], $0x20, s3, s21, $0xb8;
	[tilespmem:$0x15000] =	vst v63  }
.LBB2_9:
0x8b: {  	_ =	swait.ge [sflag:s8], $0x1000  }
0x8c: {  	s20 =	sadd.s32 $0xFFFFFFF8, s6;
	[sflag:s8] =	ssyncset.done $0x0  }
0x8d: {  	s3 =	sadd.s32 $0x2880, s19;
	p1 =	sge.u32 s20, s5;
	[sflag:s8] =	ssyncadd.s32 $0xFFFFF000  }
0x8e: {  	[spmem:s2] =	stream.indirect.scatter.add.bf16 [tilespmem:s23], [sflag:$0xC], $0x20, s3, s21, $0xb8;
	[tilespmem:$0x15000] =	vst v63  }
0x8f: {  	s3 =	simm.s32 @!p1 $0xB  }
0x90: {  	_ =	swait.ge @!p1 [sflag:s3], $0x1000  }
0x91: {  	[sflag:s3] =	ssyncset.done @!p1 $0x0  }
0x92: {  	[sflag:s3] =	ssyncadd.s32 @!p1 $0xFFFFF000;
	s3 =	sshra.s32 @!p1 s17, $0x2  }
0x93: {  	s20 =	simm.s32 @!p1 $0x80;
	s22 =	simm.s32 @!p1 $0x5000;
	s3 =	sadd.s32 @!p1 $0x500, s3  }
0x94: {  	[tilespmem:s22], [sflag:$0x1] =	stream.indirect.gather @!p1 [hbm4b:s4+s20], $0x20, s3, s20, $0xb8;
	[tilespmem:$0x15000] =	vst v63  }
0x95: {  	s20 =	sadd.s32 $0xFFFFFFF9, s6;
	_ =	swait.ge [sflag:s9], $0x1000  }
0x96: {  	p1 =	sge.u32 s20, s5;
	[sflag:s9] =	ssyncset.done $0x0  }
0x97: {  	s22 =	sadd.s32 $0x2900, s19;
	s3 =	simm.s32 @!p1 $0xC;
	[sflag:s9] =	ssyncadd.s32 $0xFFFFF000  }
0x98: {  	[spmem:s2] =	stream.indirect.scatter.add.bf16 [tilespmem:s25], [sflag:$0xD], $0x20, s22, s21, $0xb8;
	[tilespmem:$0x15000] =	vst v63  }
0x99: {  	_ =	swait.ge @!p1 [sflag:s3], $0x1000  }
0x9a: {  	[sflag:s3] =	ssyncset.done @!p1 $0x0  }
0x9b: {  	[sflag:s3] =	ssyncadd.s32 @!p1 $0xFFFFF000;
	s3 =	sshra.s32 @!p1 s17, $0x2  }
0x9c: {  	s20 =	simm.s32 @!p1 $0x80;
	s22 =	simm.s32 @!p1 $0x6000;
	s3 =	sadd.s32 @!p1 $0x580, s3  }
0x9d: {  	[tilespmem:s22], [sflag:$0x2] =	stream.indirect.gather @!p1 [hbm4b:s4+s20], $0x20, s3, s20, $0xb8;
	[tilespmem:$0x15000] =	vst v63  }
0x9e: {  	s20 =	sadd.s32 $0xFFFFFFFA, s6;
	_ =	swait.ge [sflag:s10], $0x1000  }
0x9f: {  	p1 =	sge.u32 s20, s5;
	[sflag:s10] =	ssyncset.done $0x0  }
0xa0: {  	s22 =	sadd.s32 $0x2980, s19;
	s3 =	simm.s32 @!p1 $0xD;
	[sflag:s10] =	ssyncadd.s32 $0xFFFFF000  }
0xa1: {  	[spmem:s2] =	stream.indirect.scatter.add.bf16 [tilespmem:s28], [sflag:$0xE], $0x20, s22, s21, $0xb8;
	[tilespmem:$0x15000] =	vst v63  }
0xa2: {  	_ =	swait.ge @!p1 [sflag:s3], $0x1000  }
0xa3: {  	[sflag:s3] =	ssyncset.done @!p1 $0x0  }
0xa4: {  	[sflag:s3] =	ssyncadd.s32 @!p1 $0xFFFFF000;
	s3 =	sshra.s32 @!p1 s17, $0x2  }
0xa5: {  	s20 =	simm.s32 @!p1 $0x80;
	s22 =	simm.s32 @!p1 $0x7000;
	s3 =	sadd.s32 @!p1 $0x600, s3  }
0xa6: {  	[tilespmem:s22], [sflag:$0x3] =	stream.indirect.gather @!p1 [hbm4b:s4+s20], $0x20, s3, s20, $0xb8;
	[tilespmem:$0x15000] =	vst v63  }
0xa7: {  	s20 =	sadd.s32 $0xFFFFFFFB, s6;
	_ =	swait.ge [sflag:s11], $0x1000  }
0xa8: {  	p1 =	sge.u32 s20, s5;
	[sflag:s11] =	ssyncset.done $0x0  }
0xa9: {  	s22 =	sadd.s32 $0x2A00, s19;
	s3 =	simm.s32 @!p1 $0xE;
	[sflag:s11] =	ssyncadd.s32 $0xFFFFF000  }
0xaa: {  	[spmem:s2] =	stream.indirect.scatter.add.bf16 [tilespmem:s30], [sflag:$0xF], $0x20, s22, s21, $0xb8;
	[tilespmem:$0x15000] =	vst v63  }
0xab: {  	_ =	swait.ge @!p1 [sflag:s3], $0x1000  }
0xac: {  	[sflag:s3] =	ssyncset.done @!p1 $0x0  }
0xad: {  	[sflag:s3] =	ssyncadd.s32 @!p1 $0xFFFFF000;
	s3 =	sshra.s32 @!p1 s17, $0x2  }
0xae: {  	s20 =	simm.s32 @!p1 $0x80;
	s22 =	simm.s32 @!p1 $0x8000;
	s3 =	sadd.s32 @!p1 $0x680, s3  }
0xaf: {  	[tilespmem:s22], [sflag:$0x4] =	stream.indirect.gather @!p1 [hbm4b:s4+s20], $0x20, s3, s20, $0xb8;
	[tilespmem:$0x15000] =	vst v63  }
0xb0: {  	s20 =	sadd.s32 $0xFFFFFFFC, s6;
	_ =	swait.ge [sflag:s12], $0x1000  }
0xb1: {  	p1 =	sge.u32 s20, s5;
	[sflag:s12] =	ssyncset.done $0x0  }
0xb2: {  	s22 =	sadd.s32 $0x2A80, s19;
	s3 =	simm.s32 @!p1 $0xF;
	[sflag:s12] =	ssyncadd.s32 $0xFFFFF000  }
0xb3: {  	[spmem:s2] =	stream.indirect.scatter.add.bf16 [tilespmem:s0], [sflag:$0x10], $0x20, s22, s21, $0xb8;
	[tilespmem:$0x15000] =	vst v63  }
0xb4: {  	_ =	swait.ge @!p1 [sflag:s3], $0x1000  }
0xb5: {  	[sflag:s3] =	ssyncset.done @!p1 $0x0  }
0xb6: {  	[sflag:s3] =	ssyncadd.s32 @!p1 $0xFFFFF000;
	s3 =	sshra.s32 @!p1 s17, $0x2  }
0xb7: {  	s20 =	simm.s32 @!p1 $0x80;
	s22 =	simm.s32 @!p1 $0x9000;
	s3 =	sadd.s32 @!p1 $0x700, s3  }
0xb8: {  	[tilespmem:s22], [sflag:$0x5] =	stream.indirect.gather @!p1 [hbm4b:s4+s20], $0x20, s3, s20, $0xb8;
	[tilespmem:$0x15000] =	vst v63  }
0xb9: {  	s20 =	sadd.s32 $0xFFFFFFFD, s6;
	_ =	swait.ge [sflag:s13], $0x1000  }
0xba: {  	p1 =	sge.u32 s20, s5;
	[sflag:s13] =	ssyncset.done $0x0  }
0xbb: {  	s22 =	sadd.s32 $0x2B00, s19;
	s3 =	simm.s32 @!p1 $0x10;
	[sflag:s13] =	ssyncadd.s32 $0xFFFFF000  }
0xbc: {  	[spmem:s2] =	stream.indirect.scatter.add.bf16 [tilespmem:s24], [sflag:$0x11], $0x20, s22, s21, $0xb8;
	[tilespmem:$0x15000] =	vst v63  }
0xbd: {  	_ =	swait.ge @!p1 [sflag:s3], $0x1000  }
0xbe: {  	[sflag:s3] =	ssyncset.done @!p1 $0x0  }
0xbf: {  	[sflag:s3] =	ssyncadd.s32 @!p1 $0xFFFFF000;
	s3 =	sshra.s32 @!p1 s17, $0x2  }
0xc0: {  	s20 =	simm.s32 @!p1 $0x80;
	s22 =	simm.s32 @!p1 $0xA000;
	s3 =	sadd.s32 @!p1 $0x780, s3  }
0xc1: {  	[tilespmem:s22], [sflag:$0x6] =	stream.indirect.gather @!p1 [hbm4b:s4+s20], $0x20, s3, s20, $0xb8;
	[tilespmem:$0x15000] =	vst v63  }
0xc2: {  	s20 =	sadd.s32 $0xFFFFFFFE, s6;
	_ =	swait.ge [sflag:s14], $0x1000  }
0xc3: {  	p1 =	sge.u32 s20, s5;
	[sflag:s14] =	ssyncset.done $0x0  }
0xc4: {  	s22 =	sadd.s32 $0x2B80, s19;
	s3 =	simm.s32 @!p1 $0x11;
	[sflag:s14] =	ssyncadd.s32 $0xFFFFF000  }
0xc5: {  	[spmem:s2] =	stream.indirect.scatter.add.bf16 [tilespmem:s29], [sflag:$0x12], $0x20, s22, s21, $0xb8;
	[tilespmem:$0x15000] =	vst v63  }
0xc6: {  	_ =	swait.ge @!p1 [sflag:s3], $0x1000  }
0xc7: {  	[sflag:s3] =	ssyncset.done @!p1 $0x0  }
0xc8: {  	[sflag:s3] =	ssyncadd.s32 @!p1 $0xFFFFF000;
	s3 =	sshra.s32 @!p1 s17, $0x2  }
0xc9: {  	s20 =	simm.s32 @!p1 $0x80;
	s22 =	simm.s32 @!p1 $0xB000;
	s3 =	sadd.s32 @!p1 $0x800, s3  }
0xca: {  	[tilespmem:s22], [sflag:$0x7] =	stream.indirect.gather @!p1 [hbm4b:s4+s20], $0x20, s3, s20, $0xb8;
	[tilespmem:$0x15000] =	vst v63  }
0xcb: {  	s20 =	sadd.s32 $0xFFFFFFFF, s6;
	_ =	swait.ge [sflag:s15], $0x1000  }
0xcc: {  	p1 =	sge.u32 s20, s5;
	[sflag:s15] =	ssyncset.done $0x0  }
0xcd: {  	s22 =	sadd.s32 $0x2C00, s19;
	s3 =	simm.s32 @!p1 $0x12;
	[sflag:s15] =	ssyncadd.s32 $0xFFFFF000  }
0xce: {  	[spmem:s2] =	stream.indirect.scatter.add.bf16 [tilespmem:s1], [sflag:$0x13], $0x20, s22, s21, $0xb8;
	[tilespmem:$0x15000] =	vst v63  }
0xcf: {  	_ =	swait.ge @!p1 [sflag:s3], $0x1000  }
0xd0: {  	[sflag:s3] =	ssyncset.done @!p1 $0x0  }
0xd1: {  	[sflag:s3] =	ssyncadd.s32 @!p1 $0xFFFFF000;
	s3 =	sshra.s32 @!p1 s17, $0x2  }
0xd2: {  	s20 =	simm.s32 @!p1 $0x80;
	s22 =	simm.s32 @!p1 $0xC000;
	s3 =	sadd.s32 @!p1 $0x880, s3  }
0xd3: {  	[tilespmem:s22], [sflag:$0x8] =	stream.indirect.gather @!p1 [hbm4b:s4+s20], $0x20, s3, s20, $0xb8;
	[tilespmem:$0x15000] =	vst v63  }
0xd4: {  	_ =	swait.ge [sflag:s16], $0x1000  }
0xd5: {  	p1 =	sge.u32 s6, s5;
	[sflag:s16] =	ssyncset.done $0x0  }
0xd6: {  	s22 =	sadd.s32 $0x2C80, s19;
	s3 =	simm.s32 @!p1 $0x13;
	[sflag:s16] =	ssyncadd.s32 $0xFFFFF000  }
0xd7: {  	[spmem:s2] =	stream.indirect.scatter.add.bf16 [tilespmem:s31], [sflag:$0x14], $0x20, s22, s21, $0xb8;
	[tilespmem:$0x15000] =	vst v63  }
0xd8: {  	_ =	swait.ge @!p1 [sflag:s3], $0x1000  }
0xd9: {  	[sflag:s3] =	ssyncset.done @!p1 $0x0  }
0xda: {  	s19 =	simm.s32 @!p1 $0x80;
	[sflag:s3] =	ssyncadd.s32 @!p1 $0xFFFFF000;
	s3 =	sshra.s32 @!p1 s17, $0x2  }
0xdb: {  	s20 =	simm.s32 @!p1 $0xD000;
	s17 =	sadd.s32 $0x1400, s17;
	s3 =	sadd.s32 @!p1 $0x900, s3  }
0xdc: {  	[tilespmem:s20], [sflag:$0x9] =	stream.indirect.gather @!p1 [hbm4b:s4+s19], $0x20, s3, s19, $0xb8;
	[tilespmem:$0x15000] =	vst v63  }
0xdd: {  	p1 =	sne.s32 s18, s17  }
.Ltmp4:
0xde: {  	_ = 	snop;
	(pc) =	sbr.rel @!p1 .LBB2_10-.Ltmp4, $2  }
0xdf: {  	_ =	sdelay $0x2  }
0xe0: {  	s6 =	sadd.s32 $0xA, s6  }
.LBB2_4:
0xe1: {  	_ =	swait.ge [sflag:s26], $0x1000  }
0xe2: {  	s19 =	sshra.s32 s17, $0x2;
	[sflag:s26] =	ssyncset.done $0x0  }
0xe3: {  	s20 =	simm.s32 $0x5000;
	s3 =	sadd.s32 $0x2800, s19;
	[sflag:s26] =	ssyncadd.s32 $0xFFFFF000  }
0xe4: {  	[spmem:s2] =	stream.indirect.scatter.add.bf16 [tilespmem:s20], [sflag:$0xB], $0x20, s3, s21, $0xb8;
	[tilespmem:$0x15000] =	vst v63  }
0xe5: {  	p1 =	seq.s32 s17, $0x0;
	s3 =	sadd.s32 $0xFFFFFFF7, s6  }
0xe6: {  	p2 =	sge.u32 @!p1 s3, s5  }
0xe7: {  	p1 =	por p1, p2  }
.Ltmp5:
0xe8: {  	_ = 	snop;
	(pc) =	sbr.rel @!p1 .LBB2_5-.Ltmp5, $1  }
0xe9: {  	_ =	sdelay $0x3  }
0xea: {  	p1 =	sne.s32 s17, $0x0  }
.Ltmp6:
0xeb: {  	_ = 	snop;
	(pc) =	sbr.rel @p1 .LBB2_9-.Ltmp6, $1  }
0xec: {  	_ =	sdelay $0x3  }
.Ltmp7:
0xed: {  	(pc) =	sbr.rel .LBB2_8-.Ltmp7, $2  }
0xee: {  	_ =	sdelay $0x2  }
0xef: {  	s3 =	simm.s32 $0x480  }
.LBB2_11:
0xf0: {  	_ =	sfence.sel $0x180000  }
0xf1: {  	[bflag:$0x0] =	sbarrier.arrive $0xFFFF  }
0xf2: {  	_ =	strace $0x9000004A  }
0xf3: {  	s0 =	stileid.u32;
	[bflag:$0x2] =	sbarrier.arrive $0xFFFF  }
0xf4: {  	p0 =	sne.s32 s0, $0x0;
	s0 =	rddreg [dreg:$0x2]  }
0xf5: {  	s0 =	sadd.s32 @!p0 $0x100000, s0  }
0xf6: {  	[sflag:s0] =	ssyncadd.tile.s32 @!p0 $0x1;
	_ =	shalt  }
.Lfunc_end2:
_tile_overlayer_lowered:
.L_overlay_start_2:
0xf7: {  	(tag) =	ssettag $0x2  }
0xf8: {  	s0 =	rddreg [dreg:$0x0];
	s2 =	stileid.u32  }
0xf9: {  	s1 =	rddreg [dreg:$0x1];
	p0 =	sne.s32 s2, $0x0  }
0xfa: {  	s3 =	rddreg [dreg:$0x2];
	[bflag:$0x3] =	sbarrier.arrive $0xFFFF;
	s2 =	simm.s32 @!p0 $0x1C15  }
0xfb: {  	[timem:s3], [sflag:s2] =	dma.local @!p0 [hbm:s0], s1  }
0xfc: {  	s0 =	simm.s32 @!p0 $0x15  }
0xfd: {  	_ =	swait.ge @!p0 [sflag:s0], s1  }
0xfe: {  	s1 =	ssub.s32 @!p0 $0x0, s1;
	[sflag:s0] =	ssyncset.done @!p0 $0x0  }
0xff: {  	[sflag:s0] =	ssyncadd.s32 @!p0 s1  }
0x100: {  	[bflag:$0x3] =	sbarrier.arrive $0xFFFF  }
0x101: {  	_ =	shalt  }

// kernel: kernel.7.cloned.1.call-start
scs
__scs_entry_jumppad:
0x0: {  	(pc) =	sbr.rel $0x88, $3  }
0x1: {  	(tag) =	ssettag $0x0;
	lr =	simm.s32 $0x1  }
0x2: {  	[smem:$0x3F9A] =	sst lr;
	_ =	strace $0xD0000000  }
0x3: {  	_ = 	snop  }
0x4: {  	_ = 	snop  }
0x5: {  	_ = 	snop  }
0x6: {  	_ = 	snop  }
0x7: {  	_ = 	snop  }
__scs_overlays_trampoline_lowered:
0x8: {  	[smem:$0x3FA9] =	sst s0  }
0x9: {  	[smem:$0x3FAA] =	sst s1  }
0xa: {  	[smem:$0x3FAB] =	sst s2  }
0xb: {  	[smem:$0x3FAC] =	sst s3  }
0xc: {  	[smem:$0x3FAD] =	sst s4  }
0xd: {  	[smem:$0x3FAE] =	sst s5  }
0xe: {  	[smem:$0x3FAF] =	sst s6  }
0xf: {  	[smem:$0x3FB0] =	sst s7  }
0x10: {  	[smem:$0x3FB1] =	sst s8  }
0x11: {  	[smem:$0x3FB2] =	sst s9;
	s0 =	simm.s32 @!p0 $0x0  }
0x12: {  	s1 =	sld [smem:$0x3F98];
	s0 =	simm.s32 @p0 $0x1  }
0x13: {  	[smem:$0x3FB3] =	sst s0;
	s0 =	simm.s32 @!p1 $0x0  }
0x14: {  	s2 =	sld [smem:$0x3F97];
	s0 =	simm.s32 @p1 $0x1  }
0x15: {  	[smem:$0x3FB4] =	sst s0;
	s0 =	simm.s32 @!p2 $0x0  }
0x16: {  	s3 =	sld [smem:$0x3FDB];
	s0 =	simm.s32 @p2 $0x1  }
0x17: {  	s4 =	simm.s32 $0x1BF5;
	[smem:$0x3FB6] =	sst s0  }
0x18: {  	s0 =	sld [smem:$0x3F99];
	_ =	swait.ge [sflag:s4], $0x0  }
0x19: {  	s7 =	sld [smem:$0x3F9A]  }
0x1a: {  	s8 =	sadd.s32 $0xFFFFE003, lr  }
0x1b: {  	s9 =	sadd.s32 $0xFFFFFEF7, lr;
	s5 =	simm.s32 $0xFFFFFFFF;
	p2 =	slt.u32 s8, $0xFFFFF086  }
0x1c: {  	p1 =	slt.u32 s9, $0xF7A;
	s5 =	simm.s32 @!p2 $0x0  }
0x1d: {  	s5 =	simm.s32 @p1 $0x1;
	p0 =	seq.s32 s7, s2  }
0x1e: {  	s7 =	smul.u32 @!p0 $0xF7A, s2;
	p2 =	seq.s32 @!p0 s5, $0x0  }
0x1f: {  	s9 =	smul.u32 $0xF7A, s1;
	s8 =	simm.s32 @!p0 $0x1BF5;
	p2 =	por !p2, p0  }
0x20: {  	[sflag:s8] =	ssyncset.s32 @!p0 $0xFFFFF086;
	s6 =	sadd.s32 @!p0 s3, s7;
	s7 =	simm.s32 @!p0 $0x108  }
0x21: {  	s3 =	sadd.s32 s3, s9;
	s6 =	sadd.s32 @!p0 $0x88, s6;
	s7 =	simm.s32 @p2 $0x1082  }
0x22: {  	[simem:s7], [sflag:s8] =	dma.local @!p0 [hbm:s6], $0xF7A  }
0x23: {  	s9 =	sor.u32 $0xD0000000, s2;
	s6 =	simm.s32 $0x108;
	_ =	swait.ge @!p0 [sflag:s8], $0x0  }
0x24: {  	s3 =	sadd.s32 $0x88, s3;
	s6 =	simm.s32 @!p1 $0x1082;
	[sflag:s4] =	ssyncset.s32 $0xFFFFF086  }
0x25: {  	[simem:s6], [sflag:s4] =	dma.local [hbm:s3], $0xF7A  }
0x26: {  	[smem:$0x3F9A] =	sst s1;
	(tag) =	ssettag s2;
	_ =	strace s9  }
0x27: {  	s1 =	sld [smem:$0x3FAA]  }
0x28: {  	s2 =	sld [smem:$0x3FAB]  }
0x29: {  	s4 =	sld [smem:$0x3FAD]  }
0x2a: {  	p0 =	seq.s32 s5, $0x0;
	s5 =	sld [smem:$0x3FAE]  }
0x2b: {  	s6 =	sld [smem:$0x3FAF]  }
0x2c: {  	s7 =	sld [smem:$0x3FB0]  }
0x2d: {  	s3 =	simm.s32 $0x108;
	s8 =	sld [smem:$0x3FB1]  }
0x2e: {  	s3 =	simm.s32 @!p0 $0x1082;
	s9 =	sld [smem:$0x3FB2]  }
0x2f: {  	lr =	sadd.s32 s0, s3;
	s0 =	sld [smem:$0x3FA9]  }
0x30: {  	s3 =	sld [smem:$0x3FAC]  }
0x31: {  	[smem:$0x3FB5] =	sst s10  }
0x32: {  	s10 =	sld [smem:$0x3FB3];
	_ =	sdelay $0x3  }
0x33: {  	p0 =	seq.s32 s10, $0x1;
	s10 =	sld [smem:$0x3FB5];
	_ =	sdelay $0x3  }
0x34: {  	[smem:$0x3FB5] =	sst s10  }
0x35: {  	s10 =	sld [smem:$0x3FB4];
	_ =	sdelay $0x3  }
0x36: {  	p1 =	seq.s32 s10, $0x1;
	s10 =	sld [smem:$0x3FB5];
	_ =	sdelay $0x3  }
0x37: {  	[smem:$0x3FB5] =	sst s10  }
0x38: {  	s10 =	sld [smem:$0x3FB6]  }
0x39: {  	_ = 	snop;
	(pc) =	sbr.ind lr, $3  }
0x3a: {  	_ = 	snop  }
0x3b: {  	_ = 	snop  }
0x3c: {  	p2 =	seq.s32 s10, $0x1;
	s10 =	sld [smem:$0x3FB5]  }
0x3d: {  	_ =	shalt  }
0x3e: {  	_ =	shalt  }
0x3f: {  	_ =	shalt  }
0x40: {  	_ =	shalt  }
0x41: {  	_ =	shalt  }
0x42: {  	_ =	shalt  }
0x43: {  	_ =	shalt  }
0x44: {  	_ =	shalt  }
0x45: {  	_ =	shalt  }
0x46: {  	_ =	shalt  }
0x47: {  	_ =	shalt  }
0x48: {  	_ =	shalt  }
0x49: {  	_ =	shalt  }
0x4a: {  	_ =	shalt  }
0x4b: {  	_ =	shalt  }
0x4c: {  	_ =	shalt  }
0x4d: {  	_ =	shalt  }
0x4e: {  	_ =	shalt  }
0x4f: {  	_ =	shalt  }
0x50: {  	_ =	shalt  }
0x51: {  	_ =	shalt  }
0x52: {  	_ =	shalt  }
0x53: {  	_ =	shalt  }
0x54: {  	_ =	shalt  }
0x55: {  	_ =	shalt  }
0x56: {  	_ =	shalt  }
0x57: {  	_ =	shalt  }
0x58: {  	_ =	shalt  }
0x59: {  	_ =	shalt  }
0x5a: {  	_ =	shalt  }
0x5b: {  	_ =	shalt  }
0x5c: {  	_ =	shalt  }
0x5d: {  	_ =	shalt  }
0x5e: {  	_ =	shalt  }
0x5f: {  	_ =	shalt  }
0x60: {  	_ =	shalt  }
0x61: {  	_ =	shalt  }
0x62: {  	_ =	shalt  }
0x63: {  	_ =	shalt  }
0x64: {  	_ =	shalt  }
0x65: {  	_ =	shalt  }
0x66: {  	_ =	shalt  }
0x67: {  	_ =	shalt  }
0x68: {  	_ =	shalt  }
0x69: {  	_ =	shalt  }
0x6a: {  	_ =	shalt  }
0x6b: {  	_ =	shalt  }
0x6c: {  	_ =	shalt  }
0x6d: {  	_ =	shalt  }
0x6e: {  	_ =	shalt  }
0x6f: {  	_ =	shalt  }
0x70: {  	_ =	shalt  }
0x71: {  	_ =	shalt  }
0x72: {  	_ =	shalt  }
0x73: {  	_ =	shalt  }
0x74: {  	_ =	shalt  }
0x75: {  	_ =	shalt  }
0x76: {  	_ =	shalt  }
0x77: {  	_ =	shalt  }
0x78: {  	_ =	shalt  }
0x79: {  	_ =	shalt  }
0x7a: {  	_ =	shalt  }
0x7b: {  	_ =	shalt  }
0x7c: {  	_ =	shalt  }
0x7d: {  	_ =	shalt  }
0x7e: {  	_ =	shalt  }
0x7f: {  	_ =	shalt  }
0x80: {  	_ =	shalt  }
0x81: {  	_ =	shalt  }
0x82: {  	_ =	shalt  }
0x83: {  	_ =	shalt  }
0x84: {  	_ =	shalt  }
0x85: {  	_ =	shalt  }
0x86: {  	_ =	shalt  }
0x87: {  	_ =	shalt  }
.Lfunc_end0:
.L_simem_size_0:
called_computation_lowered:
.L_overlay_start_0:
0x88: {  	s2 =	sld [smem:$0x3FD9]  }
0x89: {  	s3 =	sld [smem:$0x3FFE];
	_ =	sdelay $0x1  }
0x8a: {  	s1 =	srdreg.scid  }
0x8b: {  	s0 =	sand.u32 $0x1, s1  }
0x8c: {  	s16 =	sshll.u32 s0, $0xA;
	s2 =	sadd.s32 s3, s2  }
0x8d: {  	s2 =	sadd.s32 s2, s16  }
0x8e: {  	[smem:$0x3FC1] =	sst s2  }
0x8f: {  	_ = 	snop  }
0x90: {  	(tm) =	ssettm $0x1  }
0x91: {  	s17 =	sld [smem:$0x3FFB];
	_ =	sdelay $0x3  }
0x92: {  	_ =	strace s17  }
0x93: {  	s2 =	sld [smem:$0x3FFC];
	_ =	sdelay $0x3  }
0x94: {  	_ =	strace s2  }
0x95: {  	s2 =	sld [smem:$0x3FFD];
	_ =	sdelay $0x3  }
0x96: {  	_ =	strace s2  }
0x97: {  	_ =	strace $0x8FFFFFFF  }
0x98: {  	s18 =	sld [smem:$0x3FDB];
	_ =	sdelay $0x1  }
0x99: {  	s19 =	simm.s32 $_scs_section_size  }
0x9a: {  	s4 =	simm.s32 $_size__tile_overlayer_lowered;
	s5 =	simm.s32 $_tile_overlayer_lowered  }
0x9b: {  	s22 =	simm.s32 $0x1BFF;
	s21 =	sshll.u32 s5, $0x1;
	s2 =	sadd.s32 s19, s18  }
0x9c: {  	s6 =	simm.s32 $0x0;
	s20 =	sshll.u32 s4, $0x1;
	s4 =	sadd.s32 s21, s2  }
0x9d: {  	[timem:s6], [sflag:s22] =	dma.local [hbm:s4], s20  }
0x9e: {  	_ =	swait.ge [sflag:s22], s20  }
0x9f: {  	s3 =	ssub.s32 $0x0, s20;
	[sflag:s22] =	ssyncset.done $0x0  }
0xa0: {  	[sflag:s22] =	ssyncadd.s32 s3;
	_ =	sdelay $0x1  }
0xa1: {  	s23 =	simm.s32 $0x1B8B  }
0xa2: {  	_ =	swait.ge [sflag:s23], $0x1  }
0xa3: {  	[sflag:s23] =	ssyncset.done $0x0  }
0xa4: {  	s25 =	simm.s32 $0x1B8E;
	s24 =	sld [smem:$0x3FFE];
	[sflag:s23] =	ssyncadd.s32 $0xFFFFFFFF  }
0xa5: {  	s26 =	simm.s32 $execute0_lowered;
	[smem:$0x3FD2] =	sst s25  }
0xa6: {  	s4 =	sshll.u32 s26, $0x1;
	_ =	strace $0x80000046;
	[dreg:$0x1] =	wrdreg $0xFFFFFFFF  }
0xa7: {  	s28 =	simm.s32 $_size_execute0_lowered;
	s2 =	sadd.s32 s2, s4;
	[dreg:$0x0] =	wrdreg $0x0  }
0xa8: {  	s4 =	sshll.u32 s28, $0x1;
	[dreg:$0x2] =	wrdreg s2  }
0xa9: {  	[dreg:$0x3] =	wrdreg s4  }
0xaa: {  	[dreg:$0x4] =	wrdreg $0xC0  }
0xab: {  	_ =	task [dreg:s6], $0x5FFFF  }
0xac: {  	[dreg:$0x1] =	wrdreg $0xFFFFFFFF  }
0xad: {  	[dreg:$0x0] =	wrdreg $0x60  }
0xae: {  	[dreg:$0x2] =	wrdreg s24  }
0xaf: {  	[dreg:$0x3] =	wrdreg $0x2B000  }
0xb0: {  	[dreg:$0x4] =	wrdreg $0x9  }
0xb1: {  	_ =	task.clear_ibuf [dreg:s6], $0x5FFFF;
	_ =	strace $0x90000046  }
0xb2: {  	s29 =	simm.s32 $0x9;
	_ =	strace $0x80000048  }
0xb3: {  	_ =	swait.ge [sflag:s29], $0x1  }
0xb4: {  	[sflag:s29] =	ssyncadd.s32 $0xFFFFFFFF  }
0xb5: {  	_ =	strace $0x90000048  }
0xb6: {  	_ =	sfence  }
0xb7: {  	s30 =	sld [smem:$0x0];
	_ =	sdelay $0x2  }
0xb8: {  	s31 =	sshll.u32 s1, $0xD;
	s1 =	sshrl.u32 s1, $0x2  }
0xb9: {  	s3 =	sand.u32 $0x4000, s31;
	s1 =	sadd.s32 s1, s30  }
0xba: {  	s0 =	sor.u32 s3, s0;
	s1 =	sshll.u32 s1, $0x11  }
0xbb: {  	s0 =	sor.u32 s1, s0  }
0xbc: {  	s0 =	sadd.s32 $0x8F2B, s0  }
0xbd: {  	[sflag:s0] =	ssyncadd.remote.s32 $0x1  }
0xbe: {  	_ =	sfence.sel $0xFFFF  }
0xbf: {  	[dreg:$0x0] =	wrdreg $0xFFFFFFFF;
	(pc) =	sbr.abs _section_cstart, $3  }
0xc0: {  	[dreg:$0x1] =	wrdreg $0xFFFFFFFF  }
0xc1: {  	_ =	task.clear_ibuf [dreg:s6], $0x2FFFF;
	_ =	strace $0x9FFFFFFF  }
0xc2: {  	(tm) =	ssettm $0x7FFFFFFF  }
0xc3: {  	_ =	shalt  }
tec
execute0_lowered:
.L_overlay_start_1:
0x0: {  	(tag) =	ssettag $0x1  }
0x1: {  	s1 =	srdreg.scid;
	s6 =	rddreg [dreg:$0x0]  }
0x2: {  	s0 =	stileid.u32;
	s2 =	rddreg [dreg:$0x1];
	s3 =	simm.s32 $0x0  }
0x3: {  	s11 =	simm.s32 $0x80;
	s12 =	simm.s32 $0x2800;
	s13 =	simm.s32 $0x100  }
0x4: {  	s14 =	simm.s32 $0x180;
	s15 =	simm.s32 $0x1;
	s16 =	simm.s32 $0x2  }
0x5: {  	s17 =	simm.s32 $0x3;
	s18 =	simm.s32 $0x4;
	s20 =	simm.s32 $0x0  }
0x6: {  	s4 =	sand.u32 $0x1, s1;
	s5 =	smul.u32 $0x280, s0;
	s1 =	rddreg [dreg:$0x2]  }
0x7: {  	[smem:$0x7FF] =	sst s3;
	s19 =	sshll.u32 s0, $0x6;
	s7 =	smul.u32 $0x2800, s4  }
0x8: {  	s8 =	sshll.u32 s4, $0x4;
	_ =	strace $0x80000047;
	s4 =	ssub.s32 $0x2, s4  }
0x9: {  	s19 =	sor.u32 $0x1C05, s19;
	s9 =	sor.u32 s0, s8;
	s10 =	sshrl.u32 s4, $0x1  }
0xa: {  	s7 =	sadd.s32 s5, s7;
	s8 =	smul.u32 $0x2800, s9;
	s10 =	ssub.s32 s4, s10  }
0xb: {  	s4 =	sadd.s32 s5, s2;
	p0 =	seq.s32 s9, $0x1F;
	s7 =	sshrl.u32 s7, $0x3  }
0xc: {  	s9 =	simm.s32 $0x2880;
	s7 =	sadd.s32 s7, s6;
	s8 =	sshrl.u32 s8, $0x3  }
0xd: {  	s31 =	sadd.s32 s6, s8;
	s6 =	sadd.s32 $0x15340, s6;
	s7 =	sadd.s32 $0x15600, s7  }
0xe: {  	v0 =	vimm.f32 $1.000000000e+00;
	v1 =	vimm.f32 $0.0e+00;
	s8 =	smax.u32 s10, $0x1;
	s10 =	simm.s32 $0x5;
	s5 =	sadd.s32 $0xB840, s31  }
.LBB2_1:
0xf: {  	[tilespmem:$0x2800] =	vst v0  }
0x10: {  	[tilespmem:$0x2810] =	vst v0  }
0x11: {  	[tilespmem:$0x2820] =	vst v0  }
0x12: {  	[tilespmem:$0x2830] =	vst v0  }
0x13: {  	[tilespmem:$0x2840] =	vst v0  }
0x14: {  	[tilespmem:$0x2850] =	vst v0  }
0x15: {  	[tilespmem:$0x2860] =	vst v0  }
0x16: {  	[tilespmem:$0x2870] =	vst v0  }
0x17: {  	[tilespmem:$0x2880] =	vst v1  }
0x18: {  	[tilespmem:$0x2890] =	vst v1  }
0x19: {  	[tilespmem:$0x28A0] =	vst v1  }
0x1a: {  	[tilespmem:$0x28B0] =	vst v1  }
0x1b: {  	[tilespmem:$0x28C0] =	vst v1  }
0x1c: {  	[tilespmem:$0x28D0] =	vst v1  }
0x1d: {  	[tilespmem:$0x28E0] =	vst v1  }
0x1e: {  	[tilespmem:$0x28F0] =	vst v1  }
0x1f: {  	[tilespmem:$0x2900] =	vst v1  }
0x20: {  	[tilespmem:$0x2910] =	vst v1  }
0x21: {  	[tilespmem:$0x2920] =	vst v1  }
0x22: {  	[tilespmem:$0x2930] =	vst v1  }
0x23: {  	[tilespmem:$0x2940] =	vst v1  }
0x24: {  	[tilespmem:$0x2950] =	vst v1  }
0x25: {  	[tilespmem:$0x2960] =	vst v1  }
0x26: {  	[tilespmem:$0x2970] =	vst v1  }
0x27: {  	[tilespmem:$0x2980] =	vst v1  }
0x28: {  	[tilespmem:$0x2990] =	vst v1  }
0x29: {  	[tilespmem:$0x29A0] =	vst v1  }
0x2a: {  	[tilespmem:$0x29B0] =	vst v1  }
0x2b: {  	[tilespmem:$0x29C0] =	vst v1  }
0x2c: {  	[tilespmem:$0x29D0] =	vst v1  }
0x2d: {  	[tilespmem:$0x29E0] =	vst v1  }
0x2e: {  	[tilespmem:$0x29F0] =	vst v1  }
0x2f: {  	[tilespmem:$0x2A00] =	vst v1  }
0x30: {  	[tilespmem:$0x2A10] =	vst v1  }
0x31: {  	[tilespmem:$0x2A20] =	vst v1  }
0x32: {  	[tilespmem:$0x2A30] =	vst v1  }
0x33: {  	[tilespmem:$0x2A40] =	vst v1  }
0x34: {  	[tilespmem:$0x2A50] =	vst v1  }
0x35: {  	[tilespmem:$0x2A60] =	vst v1  }
0x36: {  	[tilespmem:$0x2A70] =	vst v1  }
0x37: {  	[tilespmem:$0x2A80] =	vst v1  }
0x38: {  	[tilespmem:$0x2A90] =	vst v1  }
0x39: {  	[tilespmem:$0x2AA0] =	vst v1  }
0x3a: {  	[tilespmem:$0x2AB0] =	vst v1  }
0x3b: {  	[tilespmem:$0x2AC0] =	vst v1  }
0x3c: {  	[tilespmem:$0x2AD0] =	vst v1  }
0x3d: {  	[tilespmem:$0x2AE0] =	vst v1  }
0x3e: {  	[tilespmem:$0x2AF0] =	vst v1  }
0x3f: {  	[spmem:s4] =	stream.linear.scatter [tilespmem:s9], [sflag:$0x5], $0x280, $0x38;
	[tilespmem:$0x2D80] =	vst v63  }
0x40: {  	_ =	swait.ge [sflag:s10], $0x280  }
0x41: {  	[sflag:s10] =	ssyncset.done $0x0  }
0x42: {  	[sflag:s10] =	ssyncadd.s32 $0xFFFFFD80  }
0x43: {  	s21 =	simm.s32 @p0 $0x0;
	[bflag:$0x0] =	sbarrier.arrive $0xFFFF  }
0x44: {  	[tilespmem:s21], [sflag:$0x5] =	stream.linear.gather @p0 [hbm4b:s6+s21], $0xA00, $0x38;
	[tilespmem:$0x2D80] =	vst v63  }
0x45: {  	s21 =	simm.s32 @p0 $0x5  }
0x46: {  	_ =	swait.ge @p0 [sflag:s21], $0xA00  }
0x47: {  	[sflag:s21] =	ssyncset.done @p0 $0x0  }
0x48: {  	[sflag:s21] =	ssyncadd.s32 @p0 $0xFFFFF600;
	s21 =	simm.s32 @!p0 $0x0  }
0x49: {  	[tilespmem:s21], [sflag:$0x5] =	stream.linear.gather @!p0 [hbm4b:s5+s21], $0x2800, $0x38;
	[tilespmem:$0x2D80] =	vst v63  }
0x4a: {  	s21 =	simm.s32 @!p0 $0x5  }
0x4b: {  	_ =	swait.ge @!p0 [sflag:s21], $0x2800  }
0x4c: {  	[sflag:s21] =	ssyncset.done @!p0 $0x0  }
0x4d: {  	[sflag:s21] =	ssyncadd.s32 @!p0 $0xFFFFD800  }
0x4e: {  	[spmem:s2] =	stream.indirect.scatter.add.f32 [tilespmem:s12], [sflag:$0x1], $0x1, s3, s11, $0xb8;
	[tilespmem:$0x2D80] =	vst v63  }
0x4f: {  	_ = 	snop  }
0x50: {  	[spmem:s2] =	stream.indirect.scatter.add.f32 [tilespmem:s12], [sflag:$0x2], $0x1, s11, s11, $0xb8;
	[tilespmem:$0x2D80] =	vst v63  }
0x51: {  	_ = 	snop  }
0x52: {  	[spmem:s2] =	stream.indirect.scatter.add.f32 [tilespmem:s12], [sflag:$0x3], $0x1, s13, s11, $0xb8;
	[tilespmem:$0x2D80] =	vst v63  }
0x53: {  	_ = 	snop  }
0x54: {  	[spmem:s2] =	stream.indirect.scatter.add.f32 [tilespmem:s12], [sflag:$0x4], $0x1, s14, s11, $0xb8;
	[tilespmem:$0x2D80] =	vst v63  }
0x55: {  	_ =	swait.ge [sflag:s15], $0x80  }
0x56: {  	[sflag:s15] =	ssyncset.done $0x0  }
0x57: {  	s30 =	simm.s32 $0x200;
	[sflag:s15] =	ssyncadd.s32 $0xFFFFFF80  }
0x58: {  	[spmem:s2] =	stream.indirect.scatter.add.f32 [tilespmem:s12], [sflag:$0x1], $0x1, s30, s11, $0xb8;
	[tilespmem:$0x2D80] =	vst v63  }
0x59: {  	_ =	swait.ge [sflag:s16], $0x80  }
0x5a: {  	s21 =	simm.s32 @!p0 $0x14;
	[sflag:s16] =	ssyncset.done $0x0  }
0x5b: {  	s31 =	simm.s32 $0x280;
	s21 =	simm.s32 @p0 $0x5;
	[sflag:s16] =	ssyncadd.s32 $0xFFFFFF80  }
0x5c: {  	[spmem:s2] =	stream.indirect.scatter.add.f32 [tilespmem:s12], [sflag:$0x2], $0x1, s31, s11, $0xb8;
	[tilespmem:$0x2D80] =	vst v63  }
0x5d: {  	s21 =	sadd.s32 $0xFFFFFFFF, s21;
	_ =	swait.ge [sflag:s17], $0x80  }
0x5e: {  	p1 =	sne.s32 s21, $0x1;
	[sflag:s17] =	ssyncset.done $0x0  }
.Ltmp0:
0x5f: {  	s22 =	simm.s32 $0x300;
	[sflag:s17] =	ssyncadd.s32 $0xFFFFFF80;
	(pc) =	sbr.rel @!p1 .LBB2_3-.Ltmp0, $4  }
0x60: {  	[spmem:s2] =	stream.indirect.scatter.add.f32 [tilespmem:s12], [sflag:$0x3], $0x1, s22, s11, $0xb8;
	[tilespmem:$0x2D80] =	vst v63  }
0x61: {  	_ =	swait.ge [sflag:s18], $0x80  }
0x62: {  	s23 =	simm.s32 $0x380;
	[sflag:s18] =	ssyncset.done $0x0  }
0x63: {  	s21 =	sadd.s32 $0xFFFFFFFF, s21;
	s22 =	simm.s32 $0x580;
	[sflag:s18] =	ssyncadd.s32 $0xFFFFFF80  }
.LBB2_2:
0x64: {  	[spmem:s2] =	stream.indirect.scatter.add.f32 [tilespmem:s12], [sflag:$0x4], $0x1, s23, s11, $0xb8;
	[tilespmem:$0x2D80] =	vst v63  }
0x65: {  	p1 =	sne.s32 s21, $0x1;
	s21 =	sadd.s32 $0xFFFFFFFF, s21;
	_ =	swait.ge [sflag:s15], $0x80  }
0x66: {  	s23 =	smov.u32 s22;
	[sflag:s15] =	ssyncset.done $0x0  }
0x67: {  	s24 =	sadd.s32 $0xFFFFFE80, s22;
	[sflag:s15] =	ssyncadd.s32 $0xFFFFFF80  }
0x68: {  	[spmem:s2] =	stream.indirect.scatter.add.f32 [tilespmem:s12], [sflag:$0x1], $0x1, s24, s11, $0xb8;
	[tilespmem:$0x2D80] =	vst v63  }
0x69: {  	_ =	swait.ge [sflag:s16], $0x80  }
0x6a: {  	[sflag:s16] =	ssyncset.done $0x0  }
0x6b: {  	s24 =	sadd.s32 $0xFFFFFF00, s22;
	[sflag:s16] =	ssyncadd.s32 $0xFFFFFF80  }
0x6c: {  	[spmem:s2] =	stream.indirect.scatter.add.f32 [tilespmem:s12], [sflag:$0x2], $0x1, s24, s11, $0xb8;
	[tilespmem:$0x2D80] =	vst v63  }
0x6d: {  	_ =	swait.ge [sflag:s17], $0x80  }
0x6e: {  	[sflag:s17] =	ssyncset.done $0x0  }
.Ltmp1:
0x6f: {  	s24 =	sadd.s32 $0xFFFFFF80, s22;
	[sflag:s17] =	ssyncadd.s32 $0xFFFFFF80;
	(pc) =	sbr.rel @p1 .LBB2_2-.Ltmp1, $4  }
0x70: {  	[spmem:s2] =	stream.indirect.scatter.add.f32 [tilespmem:s12], [sflag:$0x3], $0x1, s24, s11, $0xb8;
	[tilespmem:$0x2D80] =	vst v63  }
0x71: {  	_ =	swait.ge [sflag:s18], $0x80  }
0x72: {  	[sflag:s18] =	ssyncset.done $0x0  }
0x73: {  	s22 =	sadd.s32 $0x200, s22;
	[sflag:s18] =	ssyncadd.s32 $0xFFFFFF80  }
.LBB2_3:
0x74: {  	[spmem:s2] =	stream.indirect.scatter.add.f32 [tilespmem:s12], [sflag:$0x4], $0x1, s23, s11, $0xb8;
	[tilespmem:$0x2D80] =	vst v63  }
0x75: {  	_ =	swait.ge [sflag:s15], $0x80  }
0x76: {  	[sflag:s15] =	ssyncset.done $0x0  }
0x77: {  	[sflag:s15] =	ssyncadd.s32 $0xFFFFFF80  }
0x78: {  	_ =	swait.ge [sflag:s16], $0x80  }
0x79: {  	[sflag:s16] =	ssyncset.done $0x0  }
0x7a: {  	[sflag:s16] =	ssyncadd.s32 $0xFFFFFF80  }
0x7b: {  	_ =	swait.ge [sflag:s17], $0x80  }
0x7c: {  	[sflag:s17] =	ssyncset.done $0x0  }
0x7d: {  	[sflag:s17] =	ssyncadd.s32 $0xFFFFFF80  }
0x7e: {  	_ =	swait.ge [sflag:s18], $0x80  }
0x7f: {  	s20 =	sadd.s32 $0x1, s20;
	[sflag:s18] =	ssyncset.done $0x0  }
0x80: {  	p1 =	sne.s32 s20, s8;
	[sflag:s18] =	ssyncadd.s32 $0xFFFFFF80  }
.Ltmp2:
0x81: {  	s21 =	sshrl.u32 s4, $0x3;
	[bflag:$0x0] =	sbarrier.arrive $0xFFFF;
	(pc) =	sbr.rel @p1 .LBB2_1-.Ltmp2, $4  }
0x82: {  	[hbm:s7], [sflag:s19] =	dma.local [spmem:s21], $0x50  }
0x83: {  	_ =	swait.ge [sflag:s10], $0x50  }
0x84: {  	[sflag:s10] =	ssyncset.done $0x0  }
0x85: {  	[sflag:s10] =	ssyncadd.s32 $0xFFFFFFB0  }
0x86: {  	_ =	sfence.sel $0x180000  }
0x87: {  	[bflag:$0x0] =	sbarrier.arrive $0xFFFF  }
0x88: {  	p0 =	sne.s32 s0, $0x0;
	_ =	strace $0x90000047  }
0x89: {  	s0 =	sadd.s32 @!p0 $0x100000, s1;
	[bflag:$0x2] =	sbarrier.arrive $0xFFFF  }
0x8a: {  	[sflag:s0] =	ssyncadd.tile.s32 @!p0 $0x1;
	_ =	shalt  }
.Lfunc_end2:
_tile_overlayer_lowered:
.L_overlay_start_2:
0x8b: {  	(tag) =	ssettag $0x2  }
0x8c: {  	s0 =	rddreg [dreg:$0x0];
	s2 =	stileid.u32  }
0x8d: {  	s1 =	rddreg [dreg:$0x1];
	p0 =	sne.s32 s2, $0x0  }
0x8e: {  	s3 =	rddreg [dreg:$0x2];
	[bflag:$0x3] =	sbarrier.arrive $0xFFFF;
	s2 =	simm.s32 @!p0 $0x1C05  }
0x8f: {  	[timem:s3], [sflag:s2] =	dma.local @!p0 [hbm:s0], s1  }
0x90: {  	s0 =	simm.s32 @!p0 $0x5  }
0x91: {  	_ =	swait.ge @!p0 [sflag:s0], s1  }
0x92: {  	s1 =	ssub.s32 @!p0 $0x0, s1;
	[sflag:s0] =	ssyncset.done @!p0 $0x0  }
0x93: {  	[sflag:s0] =	ssyncadd.s32 @!p0 s1  }
0x94: {  	[bflag:$0x3] =	sbarrier.arrive $0xFFFF  }
0x95: {  	_ =	shalt  }

</sc_bundles>
